<compile_context>
chip_gen: v7x
topology: tpu7x:2x2x1
jax: 0.10.2.dev20260603
libtpu: 0.0.44.dev20260713+nightly
codegen_flags: <defaults>
</compile_context>

<pallas_src>
import functools

import jax
import jax.numpy as jnp
from jax import lax
from jax.experimental import pallas as pl
from jax.experimental.pallas import tpu as pltpu
from jax.experimental.pallas import tpu_sc as plsc

NC = 2
NS = 16
NW = NC * NS
L = 16
B = 16384
D = 128
RPW = B // NW
CH = 64
NCHUNK = RPW // CH

_GATHER_DNUMS = lax.GatherDimensionNumbers(
    offset_dims=(), collapsed_slice_dims=(0,), start_index_map=(0,))


def _lane_shuffle(x, perm):
    return lax.gather(x, perm[:, None], dimension_numbers=_GATHER_DNUMS,
                      slice_sizes=(1,),
                      mode=lax.GatherScatterMode.PROMISE_IN_BOUNDS)


def _lanesum(x):
    iota = lax.broadcasted_iota(jnp.int32, (L,), 0)
    for sh in (8, 4, 2, 1):
        x = x + _lane_shuffle(x, iota ^ sh)
    return x


def _tree_sum(xs):
    xs = list(xs)
    while len(xs) > 1:
        xs = [a + b for a, b in zip(xs[0::2], xs[1::2])]
    return xs[0]


def _neg_sqrt(x):
    xs = jnp.maximum(x, jnp.float32(1e-30))
    bits = lax.bitcast_convert_type(xs, jnp.int32)
    y = lax.bitcast_convert_type(jnp.int32(0x5F3759DF) - (bits >> 1),
                                 jnp.float32)
    half = jnp.float32(0.5)
    three_half = jnp.float32(1.5)
    for _ in range(3):
        y = y * (three_half - half * xs * y * y)
    return -(xs * y)


@functools.partial(
    pl.kernel,
    out_type=jax.ShapeDtypeStruct((B,), jnp.float32),
    mesh=plsc.VectorSubcoreMesh(core_axis_name="c", subcore_axis_name="s"),
    compiler_params=pltpu.CompilerParams(needs_layout_passes=False),
    scratch_types=[
        pltpu.VMEM((RPW,), jnp.int32),
        pltpu.VMEM((RPW,), jnp.int32),
        pltpu.VMEM((RPW,), jnp.int32),
        pltpu.VMEM((2, CH, D), jnp.float32),
        pltpu.VMEM((2, CH, D), jnp.float32),
        pltpu.VMEM((2, CH, D), jnp.float32),
        pltpu.VMEM((2, CH, D), jnp.float32),
        pltpu.VMEM((RPW,), jnp.float32),
        pltpu.VMEM((CH, L), jnp.float32),
        pltpu.SemaphoreType.DMA,
        pltpu.SemaphoreType.DMA,
    ],
)
def _transh_sc(batT, ent, rel, nrm, out,
               hidx, ridx, tidx, hbuf, tbuf, rbuf, nbuf, outv, svecs,
               sem0, sem1):
    wid = lax.axis_index("s") * NC + lax.axis_index("c")
    base = wid * RPW
    pltpu.sync_copy(batT.at[pl.ds(base, RPW)], hidx)
    pltpu.sync_copy(batT.at[pl.ds(B + base, RPW)], ridx)
    pltpu.sync_copy(batT.at[pl.ds(2 * B + base, RPW)], tidx)

    sems = (sem0, sem1)

    def start_gathers(k, slot):
        off = k * CH
        sem = sems[slot]
        pltpu.async_copy(ent.at[hidx.at[pl.ds(off, CH)]], hbuf.at[slot], sem)
        pltpu.async_copy(ent.at[tidx.at[pl.ds(off, CH)]], tbuf.at[slot], sem)
        pltpu.async_copy(rel.at[ridx.at[pl.ds(off, CH)]], rbuf.at[slot], sem)
        pltpu.async_copy(nrm.at[ridx.at[pl.ds(off, CH)]], nbuf.at[slot], sem)

    def wait_gathers(slot):
        sem = sems[slot]
        dummy = hidx.at[pl.ds(0, CH)]
        pltpu.make_async_copy(ent.at[dummy], hbuf.at[slot], sem).wait()
        pltpu.make_async_copy(ent.at[dummy], tbuf.at[slot], sem).wait()
        pltpu.make_async_copy(rel.at[dummy], rbuf.at[slot], sem).wait()
        pltpu.make_async_copy(nrm.at[dummy], nbuf.at[slot], sem).wait()

    def compute_chunk(k, slot):
        off = k * CH
        hb = hbuf.at[slot]
        tb = tbuf.at[slot]
        rb = rbuf.at[slot]
        nb = nbuf.at[slot]

        @plsc.parallel_loop(0, CH, 1, unroll=4)
        def row_body(row):
            prods = []
            for j in range(D // L):
                h = hb[row, pl.ds(j * L, L)]
                t = tb[row, pl.ds(j * L, L)]
                n = nb[row, pl.ds(j * L, L)]
                prods.append((h - t) * n)
            c = _lanesum(_tree_sum(prods))
            prods2 = []
            for j in range(D // L):
                h = hb[row, pl.ds(j * L, L)]
                t = tb[row, pl.ds(j * L, L)]
                n = nb[row, pl.ds(j * L, L)]
                r = rb[row, pl.ds(j * L, L)]
                dvec = (h - t) + r - c * n
                prods2.append(dvec * dvec)
            svecs[row, pl.ds(0, L)] = _lanesum(_tree_sum(prods2))

        iota = lax.broadcasted_iota(jnp.int32, (L,), 0)
        for g in range(CH // L):
            diag = plsc.load_gather(svecs, [g * L + iota, iota])
            outv[pl.ds(off + g * L, L)] = _neg_sqrt(diag)

    start_gathers(0, 0)

    def pair_body(p, carry):
        k0 = p * 2
        wait_gathers(0)
        start_gathers(k0 + 1, 1)
        compute_chunk(k0, 0)
        wait_gathers(1)

        @pl.when(k0 + 2 < NCHUNK)
        def _():
            start_gathers(k0 + 2, 0)

        compute_chunk(k0 + 1, 1)
        return carry

    lax.fori_loop(0, NCHUNK // 2, pair_body, 0)
    pltpu.sync_copy(outv, out.at[pl.ds(base, RPW)])


def kernel(batch, ent_embs, rel_embs, norm_vector):
    score = _transh_sc(batch.T.reshape(-1), ent_embs, rel_embs, norm_vector)
    return score.reshape(-1, 1)

# --- scband reference (transcript-rebuilt; emitter-appended) ---
"""Pipeline reference for scband-trans-h-77489799954699 (READ-ONLY COPY).

The authoritative reference and input builder live on the scoring server;
editing this copy changes nothing except your own understanding.
"""

import jax, jax.numpy as jnp
import numpy as np

NUM_ENT = 100000
NUM_REL = 100000
EMB_DIM = 128
BATCH = 16384
MARGIN = 2.0
EPSILON = 2.0


def setup_inputs(seed: int = 0) -> dict:
    key = jax.random.key(seed)
    k1, k2, k3, k4 = jax.random.split(key, 4)
    emb_range = (MARGIN + EPSILON) / EMB_DIM
    batch = jax.random.randint(k1, (BATCH, 3), 0, NUM_ENT, dtype=jnp.int32)
    ent_embs = jax.random.uniform(k2, (NUM_ENT, EMB_DIM), dtype=jnp.float32, minval=-emb_range, maxval=emb_range)
    rel_embs = jax.random.uniform(k3, (NUM_REL, EMB_DIM), dtype=jnp.float32, minval=-emb_range, maxval=emb_range)
    norm_vector = jax.random.uniform(k4, (NUM_REL, EMB_DIM), dtype=jnp.float32, minval=-emb_range, maxval=emb_range)
    return {"batch": batch, "ent_embs": ent_embs, "rel_embs": rel_embs, "norm_vector": norm_vector}


def _transfer(embeddings, norm):
    return embeddings - jnp.sum(embeddings * norm, axis=1, keepdims=True) * norm


def reference(batch, ent_embs, rel_embs, norm_vector):
    hs = batch[:, 0]
    rs = batch[:, 1]
    ts = batch[:, 2]
    e_hs = jnp.take(ent_embs, hs, axis=0)
    e_rs = jnp.take(rel_embs, rs, axis=0)
    e_ts = jnp.take(ent_embs, ts, axis=0)
    n = jnp.take(norm_vector, rs, axis=0)
    proj_e_hs = _transfer(e_hs, n)
    proj_e_ts = _transfer(e_ts, n)
    diff = proj_e_hs + e_rs - proj_e_ts
    score = -jnp.sqrt(jnp.sum(diff ** 2, axis=1))
    return score.reshape(-1, 1)

if __name__ == "__main__":
    import jax
    _d = setup_inputs()
    print(jax.jit(kernel)(*tuple(_d.values())))

</pallas_src>

<mosaic_0001>
#map = affine_map<(d0, d1) -> (0)>
#map1 = affine_map<(d0, d1) -> (0, 0)>
module attributes {stable_mosaic.version = 14 : i64} {
  func.func @_transh_sc(%arg0: i32, %arg1: i32, %arg2: memref<49152xi32, #tpu.memory_space<hbm>>, %arg3: memref<100000x128xf32, #tpu.memory_space<hbm>>, %arg4: memref<100000x128xf32, #tpu.memory_space<hbm>>, %arg5: memref<100000x128xf32, #tpu.memory_space<hbm>>, %arg6: memref<16384xf32, #tpu.memory_space<hbm>>, %arg7: memref<512xi32, #tpu.memory_space<vmem>>, %arg8: memref<512xi32, #tpu.memory_space<vmem>>, %arg9: memref<512xi32, #tpu.memory_space<vmem>>, %arg10: memref<2x64x128xf32, #tpu.memory_space<vmem>>, %arg11: memref<2x64x128xf32, #tpu.memory_space<vmem>>, %arg12: memref<2x64x128xf32, #tpu.memory_space<vmem>>, %arg13: memref<2x64x128xf32, #tpu.memory_space<vmem>>, %arg14: memref<512xf32, #tpu.memory_space<vmem>>, %arg15: memref<64x16xf32, #tpu.memory_space<vmem>>, %arg16: memref<!tpu.dma_semaphore, #tpu.memory_space<semaphore_mem>>, %arg17: memref<!tpu.dma_semaphore, #tpu.memory_space<semaphore_mem>>) attributes {dimension_semantics = [#tpu.dimension_semantics<core_parallel>, #tpu.dimension_semantics<subcore_parallel>], iteration_bounds = array<i64: 2, 16>, scalar_prefetch = 0 : i64, scratch_operands = 11 : i64, tpu.core_type = #tpu.core_type<sc_vector_subcore>, window_params = [{transform_indices = #map}, {transform_indices = #map1}, {transform_indices = #map1}, {transform_indices = #map1}, {transform_indices = #map}]} {
    %mul3A = arith.constant 2 : i32
    %mul3A_0 = arith.muli %arg1, %mul3A : i32
    %add3A = arith.addi %mul3A_0, %arg0 : i32
    %mul3A_1 = arith.constant 512 : i32
    %mul3A_2 = arith.muli %add3A, %mul3A_1 : i32
    "tpu.region"() ({
      %run_scoped3A = tpu.sem_alloc : memref<!tpu.dma_semaphore, #tpu.memory_space<semaphore_mem>>
      %dma_start3A_51 = tpu.memref_slice %arg2[%mul3A_2] : memref<49152xi32, #tpu.memory_space<hbm>> -> memref<512xi32, #tpu.memory_space<hbm>>
      %dma_start3A_52 = tpu.memref_slice %arg2[%mul3A_2] : memref<49152xi32, #tpu.memory_space<hbm>> -> memref<512xi32, #tpu.memory_space<hbm>>
      tpu.enqueue_dma source(%dma_start3A_52 : memref<512xi32, #tpu.memory_space<hbm>>) target(%arg7 : memref<512xi32, #tpu.memory_space<vmem>>) target_semaphore(%run_scoped3A : memref<!tpu.dma_semaphore, #tpu.memory_space<semaphore_mem>>)
      %dma_wait3A = tpu.memref_slice %arg2[%mul3A_2] : memref<49152xi32, #tpu.memory_space<hbm>> -> memref<512xi32, #tpu.memory_space<hbm>>
      %dma_wait3A_53 = tpu.memref_slice %arg2[%mul3A_2] : memref<49152xi32, #tpu.memory_space<hbm>> -> memref<512xi32, #tpu.memory_space<hbm>>
      tpu.wait_dma2 semaphore(%run_scoped3A : memref<!tpu.dma_semaphore, #tpu.memory_space<semaphore_mem>>) src(%dma_wait3A_53 : memref<512xi32, #tpu.memory_space<hbm>>) dst(%arg7 : memref<512xi32, #tpu.memory_space<vmem>>)
      tpu.yield
    }) : () -> ()
    %add3A_3 = arith.constant 16384 : i32
    %add3A_4 = arith.addi %add3A_3, %mul3A_2 : i32
    "tpu.region"() ({
      %run_scoped3A = tpu.sem_alloc : memref<!tpu.dma_semaphore, #tpu.memory_space<semaphore_mem>>
      %dma_start3A_51 = tpu.memref_slice %arg2[%add3A_4] : memref<49152xi32, #tpu.memory_space<hbm>> -> memref<512xi32, #tpu.memory_space<hbm>>
      %dma_start3A_52 = tpu.memref_slice %arg2[%add3A_4] : memref<49152xi32, #tpu.memory_space<hbm>> -> memref<512xi32, #tpu.memory_space<hbm>>
      tpu.enqueue_dma source(%dma_start3A_52 : memref<512xi32, #tpu.memory_space<hbm>>) target(%arg8 : memref<512xi32, #tpu.memory_space<vmem>>) target_semaphore(%run_scoped3A : memref<!tpu.dma_semaphore, #tpu.memory_space<semaphore_mem>>)
      %dma_wait3A = tpu.memref_slice %arg2[%add3A_4] : memref<49152xi32, #tpu.memory_space<hbm>> -> memref<512xi32, #tpu.memory_space<hbm>>
      %dma_wait3A_53 = tpu.memref_slice %arg2[%add3A_4] : memref<49152xi32, #tpu.memory_space<hbm>> -> memref<512xi32, #tpu.memory_space<hbm>>
      tpu.wait_dma2 semaphore(%run_scoped3A : memref<!tpu.dma_semaphore, #tpu.memory_space<semaphore_mem>>) src(%dma_wait3A_53 : memref<512xi32, #tpu.memory_space<hbm>>) dst(%arg8 : memref<512xi32, #tpu.memory_space<vmem>>)
      tpu.yield
    }) : () -> ()
    %add3A_5 = arith.constant 32768 : i32
    %add3A_6 = arith.addi %add3A_5, %mul3A_2 : i32
    "tpu.region"() ({
      %run_scoped3A = tpu.sem_alloc : memref<!tpu.dma_semaphore, #tpu.memory_space<semaphore_mem>>
      %dma_start3A_51 = tpu.memref_slice %arg2[%add3A_6] : memref<49152xi32, #tpu.memory_space<hbm>> -> memref<512xi32, #tpu.memory_space<hbm>>
      %dma_start3A_52 = tpu.memref_slice %arg2[%add3A_6] : memref<49152xi32, #tpu.memory_space<hbm>> -> memref<512xi32, #tpu.memory_space<hbm>>
      tpu.enqueue_dma source(%dma_start3A_52 : memref<512xi32, #tpu.memory_space<hbm>>) target(%arg9 : memref<512xi32, #tpu.memory_space<vmem>>) target_semaphore(%run_scoped3A : memref<!tpu.dma_semaphore, #tpu.memory_space<semaphore_mem>>)
      %dma_wait3A = tpu.memref_slice %arg2[%add3A_6] : memref<49152xi32, #tpu.memory_space<hbm>> -> memref<512xi32, #tpu.memory_space<hbm>>
      %dma_wait3A_53 = tpu.memref_slice %arg2[%add3A_6] : memref<49152xi32, #tpu.memory_space<hbm>> -> memref<512xi32, #tpu.memory_space<hbm>>
      tpu.wait_dma2 semaphore(%run_scoped3A : memref<!tpu.dma_semaphore, #tpu.memory_space<semaphore_mem>>) src(%dma_wait3A_53 : memref<512xi32, #tpu.memory_space<hbm>>) dst(%arg9 : memref<512xi32, #tpu.memory_space<vmem>>)
      tpu.yield
    }) : () -> ()
    %dma_start3A = arith.constant 0 : i32
    %dma_start3A_7 = arith.constant 0 : i32
    %dma_start3A_8 = arith.constant 0 : i32
    %dma_start3A_9 = tpu.memref_slice %arg10[%dma_start3A, %dma_start3A_7, %dma_start3A_8] : memref<2x64x128xf32, #tpu.memory_space<vmem>> -> memref<1x64x128xf32, #tpu.memory_space<vmem>>
    %dma_start3A_10 = tpu.memref_squeeze %dma_start3A_9 : memref<1x64x128xf32, #tpu.memory_space<vmem>> -> memref<64x128xf32, #tpu.memory_space<vmem>>
    %dma_start3A_11 = arith.constant 0 : i32
    %dma_start3A_12 = tpu.memref_slice %arg7[%dma_start3A_11] : memref<512xi32, #tpu.memory_space<vmem>> -> memref<64xi32, #tpu.memory_space<vmem>>
    %dma_start3A_13 = arith.constant 0 : i32
    %dma_start3A_14 = arith.constant 0 : i32
    %dma_start3A_15 = tpu.memref_slice %arg3[%dma_start3A_13, %dma_start3A_14] : memref<100000x128xf32, #tpu.memory_space<hbm>> -> memref<100000x128xf32, #tpu.memory_space<hbm>>
    tpu.enqueue_indirect_dma source(%dma_start3A_15 : memref<100000x128xf32, #tpu.memory_space<hbm>>) target(%dma_start3A_10 : memref<64x128xf32, #tpu.memory_space<vmem>>) offsets(%dma_start3A_12 : memref<64xi32, #tpu.memory_space<vmem>>) semaphore(%arg16 : memref<!tpu.dma_semaphore, #tpu.memory_space<semaphore_mem>>)
    %dma_start3A_16 = arith.constant 0 : i32
    %dma_start3A_17 = arith.constant 0 : i32
    %dma_start3A_18 = arith.constant 0 : i32
    %dma_start3A_19 = tpu.memref_slice %arg11[%dma_start3A_16, %dma_start3A_17, %dma_start3A_18] : memref<2x64x128xf32, #tpu.memory_space<vmem>> -> memref<1x64x128xf32, #tpu.memory_space<vmem>>
    %dma_start3A_20 = tpu.memref_squeeze %dma_start3A_19 : memref<1x64x128xf32, #tpu.memory_space<vmem>> -> memref<64x128xf32, #tpu.memory_space<vmem>>
    %dma_start3A_21 = arith.constant 0 : i32
    %dma_start3A_22 = tpu.memref_slice %arg9[%dma_start3A_21] : memref<512xi32, #tpu.memory_space<vmem>> -> memref<64xi32, #tpu.memory_space<vmem>>
    %dma_start3A_23 = arith.constant 0 : i32
    %dma_start3A_24 = arith.constant 0 : i32
    %dma_start3A_25 = tpu.memref_slice %arg3[%dma_start3A_23, %dma_start3A_24] : memref<100000x128xf32, #tpu.memory_space<hbm>> -> memref<100000x128xf32, #tpu.memory_space<hbm>>
    tpu.enqueue_indirect_dma source(%dma_start3A_25 : memref<100000x128xf32, #tpu.memory_space<hbm>>) target(%dma_start3A_20 : memref<64x128xf32, #tpu.memory_space<vmem>>) offsets(%dma_start3A_22 : memref<64xi32, #tpu.memory_space<vmem>>) semaphore(%arg16 : memref<!tpu.dma_semaphore, #tpu.memory_space<semaphore_mem>>)
    %dma_start3A_26 = arith.constant 0 : i32
    %dma_start3A_27 = arith.constant 0 : i32
    %dma_start3A_28 = arith.constant 0 : i32
    %dma_start3A_29 = tpu.memref_slice %arg12[%dma_start3A_26, %dma_start3A_27, %dma_start3A_28] : memref<2x64x128xf32, #tpu.memory_space<vmem>> -> memref<1x64x128xf32, #tpu.memory_space<vmem>>
    %dma_start3A_30 = tpu.memref_squeeze %dma_start3A_29 : memref<1x64x128xf32, #tpu.memory_space<vmem>> -> memref<64x128xf32, #tpu.memory_space<vmem>>
    %dma_start3A_31 = arith.constant 0 : i32
    %dma_start3A_32 = tpu.memref_slice %arg8[%dma_start3A_31] : memref<512xi32, #tpu.memory_space<vmem>> -> memref<64xi32, #tpu.memory_space<vmem>>
    %dma_start3A_33 = arith.constant 0 : i32
    %dma_start3A_34 = arith.constant 0 : i32
    %dma_start3A_35 = tpu.memref_slice %arg4[%dma_start3A_33, %dma_start3A_34] : memref<100000x128xf32, #tpu.memory_space<hbm>> -> memref<100000x128xf32, #tpu.memory_space<hbm>>
    tpu.enqueue_indirect_dma source(%dma_start3A_35 : memref<100000x128xf32, #tpu.memory_space<hbm>>) target(%dma_start3A_30 : memref<64x128xf32, #tpu.memory_space<vmem>>) offsets(%dma_start3A_32 : memref<64xi32, #tpu.memory_space<vmem>>) semaphore(%arg16 : memref<!tpu.dma_semaphore, #tpu.memory_space<semaphore_mem>>)
    %dma_start3A_36 = arith.constant 0 : i32
    %dma_start3A_37 = arith.constant 0 : i32
    %dma_start3A_38 = arith.constant 0 : i32
    %dma_start3A_39 = tpu.memref_slice %arg13[%dma_start3A_36, %dma_start3A_37, %dma_start3A_38] : memref<2x64x128xf32, #tpu.memory_space<vmem>> -> memref<1x64x128xf32, #tpu.memory_space<vmem>>
    %dma_start3A_40 = tpu.memref_squeeze %dma_start3A_39 : memref<1x64x128xf32, #tpu.memory_space<vmem>> -> memref<64x128xf32, #tpu.memory_space<vmem>>
    %dma_start3A_41 = arith.constant 0 : i32
    %dma_start3A_42 = tpu.memref_slice %arg8[%dma_start3A_41] : memref<512xi32, #tpu.memory_space<vmem>> -> memref<64xi32, #tpu.memory_space<vmem>>
    %dma_start3A_43 = arith.constant 0 : i32
    %dma_start3A_44 = arith.constant 0 : i32
    %dma_start3A_45 = tpu.memref_slice %arg5[%dma_start3A_43, %dma_start3A_44] : memref<100000x128xf32, #tpu.memory_space<hbm>> -> memref<100000x128xf32, #tpu.memory_space<hbm>>
    tpu.enqueue_indirect_dma source(%dma_start3A_45 : memref<100000x128xf32, #tpu.memory_space<hbm>>) target(%dma_start3A_40 : memref<64x128xf32, #tpu.memory_space<vmem>>) offsets(%dma_start3A_42 : memref<64xi32, #tpu.memory_space<vmem>>) semaphore(%arg16 : memref<!tpu.dma_semaphore, #tpu.memory_space<semaphore_mem>>)
    %scan3A = arith.constant 0 : i32
    %scan3A_46 = arith.constant 0 : i32
    %scan3A_47 = arith.constant 4 : i32
    %scan3A_48 = arith.addi %scan3A_46, %scan3A_47 : i32
    %scan3A_49 = arith.constant 1 : i32
    scf.for %scan3A_51 = %scan3A_46 to %scan3A_48 step %scan3A_49  : i32 {
      %mul3A_52 = arith.constant 2 : i32
      %mul3A_53 = arith.muli %scan3A_51, %mul3A_52 : i32
      %dma_wait3A = arith.constant 0 : i32
      %dma_wait3A_54 = arith.constant 0 : i32
      %dma_wait3A_55 = arith.constant 0 : i32
      %dma_wait3A_56 = tpu.memref_slice %arg10[%dma_wait3A, %dma_wait3A_54, %dma_wait3A_55] : memref<2x64x128xf32, #tpu.memory_space<vmem>> -> memref<1x64x128xf32, #tpu.memory_space<vmem>>
      %dma_wait3A_57 = tpu.memref_squeeze %dma_wait3A_56 : memref<1x64x128xf32, #tpu.memory_space<vmem>> -> memref<64x128xf32, #tpu.memory_space<vmem>>
      %dma_wait3A_58 = arith.constant 0 : i32
      %dma_wait3A_59 = tpu.memref_slice %arg7[%dma_wait3A_58] : memref<512xi32, #tpu.memory_space<vmem>> -> memref<64xi32, #tpu.memory_space<vmem>>
      %dma_wait3A_60 = arith.constant 0 : i32
      %dma_wait3A_61 = arith.constant 0 : i32
      %dma_wait3A_62 = tpu.memref_slice %arg3[%dma_wait3A_60, %dma_wait3A_61] : memref<100000x128xf32, #tpu.memory_space<hbm>> -> memref<100000x128xf32, #tpu.memory_space<hbm>>
      tpu.wait_indirect_dma semaphore(%arg16 : memref<!tpu.dma_semaphore, #tpu.memory_space<semaphore_mem>>) src(%dma_wait3A_62 : memref<100000x128xf32, #tpu.memory_space<hbm>>) dst(%dma_wait3A_57 : memref<64x128xf32, #tpu.memory_space<vmem>>)
      %dma_wait3A_63 = arith.constant 0 : i32
      %dma_wait3A_64 = arith.constant 0 : i32
      %dma_wait3A_65 = arith.constant 0 : i32
      %dma_wait3A_66 = tpu.memref_slice %arg11[%dma_wait3A_63, %dma_wait3A_64, %dma_wait3A_65] : memref<2x64x128xf32, #tpu.memory_space<vmem>> -> memref<1x64x128xf32, #tpu.memory_space<vmem>>
      %dma_wait3A_67 = tpu.memref_squeeze %dma_wait3A_66 : memref<1x64x128xf32, #tpu.memory_space<vmem>> -> memref<64x128xf32, #tpu.memory_space<vmem>>
      %dma_wait3A_68 = arith.constant 0 : i32
      %dma_wait3A_69 = tpu.memref_slice %arg7[%dma_wait3A_68] : memref<512xi32, #tpu.memory_space<vmem>> -> memref<64xi32, #tpu.memory_space<vmem>>
      %dma_wait3A_70 = arith.constant 0 : i32
      %dma_wait3A_71 = arith.constant 0 : i32
      %dma_wait3A_72 = tpu.memref_slice %arg3[%dma_wait3A_70, %dma_wait3A_71] : memref<100000x128xf32, #tpu.memory_space<hbm>> -> memref<100000x128xf32, #tpu.memory_space<hbm>>
      tpu.wait_indirect_dma semaphore(%arg16 : memref<!tpu.dma_semaphore, #tpu.memory_space<semaphore_mem>>) src(%dma_wait3A_72 : memref<100000x128xf32, #tpu.memory_space<hbm>>) dst(%dma_wait3A_67 : memref<64x128xf32, #tpu.memory_space<vmem>>)
      %dma_wait3A_73 = arith.constant 0 : i32
      %dma_wait3A_74 = arith.constant 0 : i32
      %dma_wait3A_75 = arith.constant 0 : i32
      %dma_wait3A_76 = tpu.memref_slice %arg12[%dma_wait3A_73, %dma_wait3A_74, %dma_wait3A_75] : memref<2x64x128xf32, #tpu.memory_space<vmem>> -> memref<1x64x128xf32, #tpu.memory_space<vmem>>
      %dma_wait3A_77 = tpu.memref_squeeze %dma_wait3A_76 : memref<1x64x128xf32, #tpu.memory_space<vmem>> -> memref<64x128xf32, #tpu.memory_space<vmem>>
      %dma_wait3A_78 = arith.constant 0 : i32
      %dma_wait3A_79 = tpu.memref_slice %arg7[%dma_wait3A_78] : memref<512xi32, #tpu.memory_space<vmem>> -> memref<64xi32, #tpu.memory_space<vmem>>
      %dma_wait3A_80 = arith.constant 0 : i32
      %dma_wait3A_81 = arith.constant 0 : i32
      %dma_wait3A_82 = tpu.memref_slice %arg4[%dma_wait3A_80, %dma_wait3A_81] : memref<100000x128xf32, #tpu.memory_space<hbm>> -> memref<100000x128xf32, #tpu.memory_space<hbm>>
      tpu.wait_indirect_dma semaphore(%arg16 : memref<!tpu.dma_semaphore, #tpu.memory_space<semaphore_mem>>) src(%dma_wait3A_82 : memref<100000x128xf32, #tpu.memory_space<hbm>>) dst(%dma_wait3A_77 : memref<64x128xf32, #tpu.memory_space<vmem>>)
      %dma_wait3A_83 = arith.constant 0 : i32
      %dma_wait3A_84 = arith.constant 0 : i32
      %dma_wait3A_85 = arith.constant 0 : i32
      %dma_wait3A_86 = tpu.memref_slice %arg13[%dma_wait3A_83, %dma_wait3A_84, %dma_wait3A_85] : memref<2x64x128xf32, #tpu.memory_space<vmem>> -> memref<1x64x128xf32, #tpu.memory_space<vmem>>
      %dma_wait3A_87 = tpu.memref_squeeze %dma_wait3A_86 : memref<1x64x128xf32, #tpu.memory_space<vmem>> -> memref<64x128xf32, #tpu.memory_space<vmem>>
      %dma_wait3A_88 = arith.constant 0 : i32
      %dma_wait3A_89 = tpu.memref_slice %arg7[%dma_wait3A_88] : memref<512xi32, #tpu.memory_space<vmem>> -> memref<64xi32, #tpu.memory_space<vmem>>
      %dma_wait3A_90 = arith.constant 0 : i32
      %dma_wait3A_91 = arith.constant 0 : i32
      %dma_wait3A_92 = tpu.memref_slice %arg5[%dma_wait3A_90, %dma_wait3A_91] : memref<100000x128xf32, #tpu.memory_space<hbm>> -> memref<100000x128xf32, #tpu.memory_space<hbm>>
      tpu.wait_indirect_dma semaphore(%arg16 : memref<!tpu.dma_semaphore, #tpu.memory_space<semaphore_mem>>) src(%dma_wait3A_92 : memref<100000x128xf32, #tpu.memory_space<hbm>>) dst(%dma_wait3A_87 : memref<64x128xf32, #tpu.memory_space<vmem>>)
      %add3A_93 = arith.constant 1 : i32
      %add3A_94 = arith.addi %mul3A_53, %add3A_93 : i32
      %mul3A_95 = arith.constant 64 : i32
      %mul3A_96 = arith.muli %add3A_94, %mul3A_95 : i32
      %dma_start3A_97 = arith.constant 1 : i32
      %dma_start3A_98 = arith.constant 0 : i32
      %dma_start3A_99 = arith.constant 0 : i32
      %dma_start3A_100 = tpu.memref_slice %arg10[%dma_start3A_97, %dma_start3A_98, %dma_start3A_99] : memref<2x64x128xf32, #tpu.memory_space<vmem>> -> memref<1x64x128xf32, #tpu.memory_space<vmem>>
      %dma_start3A_101 = tpu.memref_squeeze %dma_start3A_100 : memref<1x64x128xf32, #tpu.memory_space<vmem>> -> memref<64x128xf32, #tpu.memory_space<vmem>>
      %dma_start3A_102 = tpu.memref_slice %arg7[%mul3A_96] : memref<512xi32, #tpu.memory_space<vmem>> -> memref<64xi32, #tpu.memory_space<vmem>>
      %dma_start3A_103 = arith.constant 0 : i32
      %dma_start3A_104 = arith.constant 0 : i32
      %dma_start3A_105 = tpu.memref_slice %arg3[%dma_start3A_103, %dma_start3A_104] : memref<100000x128xf32, #tpu.memory_space<hbm>> -> memref<100000x128xf32, #tpu.memory_space<hbm>>
      tpu.enqueue_indirect_dma source(%dma_start3A_105 : memref<100000x128xf32, #tpu.memory_space<hbm>>) target(%dma_start3A_101 : memref<64x128xf32, #tpu.memory_space<vmem>>) offsets(%dma_start3A_102 : memref<64xi32, #tpu.memory_space<vmem>>) semaphore(%arg17 : memref<!tpu.dma_semaphore, #tpu.memory_space<semaphore_mem>>)
      %dma_start3A_106 = arith.constant 1 : i32
      %dma_start3A_107 = arith.constant 0 : i32
      %dma_start3A_108 = arith.constant 0 : i32
      %dma_start3A_109 = tpu.memref_slice %arg11[%dma_start3A_106, %dma_start3A_107, %dma_start3A_108] : memref<2x64x128xf32, #tpu.memory_space<vmem>> -> memref<1x64x128xf32, #tpu.memory_space<vmem>>
      %dma_start3A_110 = tpu.memref_squeeze %dma_start3A_109 : memref<1x64x128xf32, #tpu.memory_space<vmem>> -> memref<64x128xf32, #tpu.memory_space<vmem>>
      %dma_start3A_111 = tpu.memref_slice %arg9[%mul3A_96] : memref<512xi32, #tpu.memory_space<vmem>> -> memref<64xi32, #tpu.memory_space<vmem>>
      %dma_start3A_112 = arith.constant 0 : i32
      %dma_start3A_113 = arith.constant 0 : i32
      %dma_start3A_114 = tpu.memref_slice %arg3[%dma_start3A_112, %dma_start3A_113] : memref<100000x128xf32, #tpu.memory_space<hbm>> -> memref<100000x128xf32, #tpu.memory_space<hbm>>
      tpu.enqueue_indirect_dma source(%dma_start3A_114 : memref<100000x128xf32, #tpu.memory_space<hbm>>) target(%dma_start3A_110 : memref<64x128xf32, #tpu.memory_space<vmem>>) offsets(%dma_start3A_111 : memref<64xi32, #tpu.memory_space<vmem>>) semaphore(%arg17 : memref<!tpu.dma_semaphore, #tpu.memory_space<semaphore_mem>>)
      %dma_start3A_115 = arith.constant 1 : i32
      %dma_start3A_116 = arith.constant 0 : i32
      %dma_start3A_117 = arith.constant 0 : i32
      %dma_start3A_118 = tpu.memref_slice %arg12[%dma_start3A_115, %dma_start3A_116, %dma_start3A_117] : memref<2x64x128xf32, #tpu.memory_space<vmem>> -> memref<1x64x128xf32, #tpu.memory_space<vmem>>
      %dma_start3A_119 = tpu.memref_squeeze %dma_start3A_118 : memref<1x64x128xf32, #tpu.memory_space<vmem>> -> memref<64x128xf32, #tpu.memory_space<vmem>>
      %dma_start3A_120 = tpu.memref_slice %arg8[%mul3A_96] : memref<512xi32, #tpu.memory_space<vmem>> -> memref<64xi32, #tpu.memory_space<vmem>>
      %dma_start3A_121 = arith.constant 0 : i32
      %dma_start3A_122 = arith.constant 0 : i32
      %dma_start3A_123 = tpu.memref_slice %arg4[%dma_start3A_121, %dma_start3A_122] : memref<100000x128xf32, #tpu.memory_space<hbm>> -> memref<100000x128xf32, #tpu.memory_space<hbm>>
      tpu.enqueue_indirect_dma source(%dma_start3A_123 : memref<100000x128xf32, #tpu.memory_space<hbm>>) target(%dma_start3A_119 : memref<64x128xf32, #tpu.memory_space<vmem>>) offsets(%dma_start3A_120 : memref<64xi32, #tpu.memory_space<vmem>>) semaphore(%arg17 : memref<!tpu.dma_semaphore, #tpu.memory_space<semaphore_mem>>)
      %dma_start3A_124 = arith.constant 1 : i32
      %dma_start3A_125 = arith.constant 0 : i32
      %dma_start3A_126 = arith.constant 0 : i32
      %dma_start3A_127 = tpu.memref_slice %arg13[%dma_start3A_124, %dma_start3A_125, %dma_start3A_126] : memref<2x64x128xf32, #tpu.memory_space<vmem>> -> memref<1x64x128xf32, #tpu.memory_space<vmem>>
      %dma_start3A_128 = tpu.memref_squeeze %dma_start3A_127 : memref<1x64x128xf32, #tpu.memory_space<vmem>> -> memref<64x128xf32, #tpu.memory_space<vmem>>
      %dma_start3A_129 = tpu.memref_slice %arg8[%mul3A_96] : memref<512xi32, #tpu.memory_space<vmem>> -> memref<64xi32, #tpu.memory_space<vmem>>
      %dma_start3A_130 = arith.constant 0 : i32
      %dma_start3A_131 = arith.constant 0 : i32
      %dma_start3A_132 = tpu.memref_slice %arg5[%dma_start3A_130, %dma_start3A_131] : memref<100000x128xf32, #tpu.memory_space<hbm>> -> memref<100000x128xf32, #tpu.memory_space<hbm>>
      tpu.enqueue_indirect_dma source(%dma_start3A_132 : memref<100000x128xf32, #tpu.memory_space<hbm>>) target(%dma_start3A_128 : memref<64x128xf32, #tpu.memory_space<vmem>>) offsets(%dma_start3A_129 : memref<64xi32, #tpu.memory_space<vmem>>) semaphore(%arg17 : memref<!tpu.dma_semaphore, #tpu.memory_space<semaphore_mem>>)
      %mul3A_133 = arith.constant 64 : i32
      %mul3A_134 = arith.muli %mul3A_53, %mul3A_133 : i32
      %parallel_loop3A = arith.constant 0 : i32
      %parallel_loop3A_135 = arith.constant 64 : i32
      %parallel_loop3A_136 = arith.constant 1 : i32
      %parallel_loop3A_137 = arith.constant 0 : i32
      %parallel_loop3A_138 = arith.constant 0 : i32
      %parallel_loop3A_139 = arith.constant 0 : i32
      %parallel_loop3A_140 = arith.constant 0 : i32
      scf.for %parallel_loop3A_590 = %parallel_loop3A to %parallel_loop3A_135 step %parallel_loop3A_136  : i32 {
        %parallel_loop3A_591 = arith.constant 0 : i32
        %parallel_loop3A_592 = arith.constant 0 : i32
        %parallel_loop3A_593 = tpu.memref_slice %arg10[%parallel_loop3A_137, %parallel_loop3A_591, %parallel_loop3A_592] : memref<2x64x128xf32, #tpu.memory_space<vmem>> -> memref<1x64x128xf32, #tpu.memory_space<vmem>>
        %parallel_loop3A_594 = tpu.memref_squeeze %parallel_loop3A_593 : memref<1x64x128xf32, #tpu.memory_space<vmem>> -> memref<64x128xf32, #tpu.memory_space<vmem>>
        %parallel_loop3A_595 = arith.index_cast %parallel_loop3A_590 : i32 to index
        %parallel_loop3A_596 = arith.constant 0 : index
        %parallel_loop3A_597 = tpu.vector_load %parallel_loop3A_594[%parallel_loop3A_595, %parallel_loop3A_596] {strides = array<i32>} : memref<64x128xf32, #tpu.memory_space<vmem>>, vector<16xf32>,
        %parallel_loop3A_598 = arith.constant 0 : i32
        %parallel_loop3A_599 = arith.constant 0 : i32
        %parallel_loop3A_600 = tpu.memref_slice %arg11[%parallel_loop3A_138, %parallel_loop3A_598, %parallel_loop3A_599] : memref<2x64x128xf32, #tpu.memory_space<vmem>> -> memref<1x64x128xf32, #tpu.memory_space<vmem>>
        %parallel_loop3A_601 = tpu.memref_squeeze %parallel_loop3A_600 : memref<1x64x128xf32, #tpu.memory_space<vmem>> -> memref<64x128xf32, #tpu.memory_space<vmem>>
        %parallel_loop3A_602 = arith.index_cast %parallel_loop3A_590 : i32 to index
        %parallel_loop3A_603 = arith.constant 0 : index
        %parallel_loop3A_604 = tpu.vector_load %parallel_loop3A_601[%parallel_loop3A_602, %parallel_loop3A_603] {strides = array<i32>} : memref<64x128xf32, #tpu.memory_space<vmem>>, vector<16xf32>,
        %parallel_loop3A_605 = arith.constant 0 : i32
        %parallel_loop3A_606 = arith.constant 0 : i32
        %parallel_loop3A_607 = tpu.memref_slice %arg13[%parallel_loop3A_139, %parallel_loop3A_605, %parallel_loop3A_606] : memref<2x64x128xf32, #tpu.memory_space<vmem>> -> memref<1x64x128xf32, #tpu.memory_space<vmem>>
        %parallel_loop3A_608 = tpu.memref_squeeze %parallel_loop3A_607 : memref<1x64x128xf32, #tpu.memory_space<vmem>> -> memref<64x128xf32, #tpu.memory_space<vmem>>
        %parallel_loop3A_609 = arith.index_cast %parallel_loop3A_590 : i32 to index
        %parallel_loop3A_610 = arith.constant 0 : index
        %parallel_loop3A_611 = tpu.vector_load %parallel_loop3A_608[%parallel_loop3A_609, %parallel_loop3A_610] {strides = array<i32>} : memref<64x128xf32, #tpu.memory_space<vmem>>, vector<16xf32>,
        %parallel_loop3A_612 = arith.subf %parallel_loop3A_597, %parallel_loop3A_604 : vector<16xf32>
        %parallel_loop3A_613 = arith.mulf %parallel_loop3A_612, %parallel_loop3A_611 : vector<16xf32>
        %parallel_loop3A_614 = arith.constant 0 : i32
        %parallel_loop3A_615 = arith.constant 0 : i32
        %parallel_loop3A_616 = tpu.memref_slice %arg10[%parallel_loop3A_137, %parallel_loop3A_614, %parallel_loop3A_615] : memref<2x64x128xf32, #tpu.memory_space<vmem>> -> memref<1x64x128xf32, #tpu.memory_space<vmem>>
        %parallel_loop3A_617 = tpu.memref_squeeze %parallel_loop3A_616 : memref<1x64x128xf32, #tpu.memory_space<vmem>> -> memref<64x128xf32, #tpu.memory_space<vmem>>
        %parallel_loop3A_618 = arith.index_cast %parallel_loop3A_590 : i32 to index
        %parallel_loop3A_619 = arith.constant 16 : index
        %parallel_loop3A_620 = tpu.vector_load %parallel_loop3A_617[%parallel_loop3A_618, %parallel_loop3A_619] {strides = array<i32>} : memref<64x128xf32, #tpu.memory_space<vmem>>, vector<16xf32>,
        %parallel_loop3A_621 = arith.constant 0 : i32
        %parallel_loop3A_622 = arith.constant 0 : i32
        %parallel_loop3A_623 = tpu.memref_slice %arg11[%parallel_loop3A_138, %parallel_loop3A_621, %parallel_loop3A_622] : memref<2x64x128xf32, #tpu.memory_space<vmem>> -> memref<1x64x128xf32, #tpu.memory_space<vmem>>
        %parallel_loop3A_624 = tpu.memref_squeeze %parallel_loop3A_623 : memref<1x64x128xf32, #tpu.memory_space<vmem>> -> memref<64x128xf32, #tpu.memory_space<vmem>>
        %parallel_loop3A_625 = arith.index_cast %parallel_loop3A_590 : i32 to index
        %parallel_loop3A_626 = arith.constant 16 : index
        %parallel_loop3A_627 = tpu.vector_load %parallel_loop3A_624[%parallel_loop3A_625, %parallel_loop3A_626] {strides = array<i32>} : memref<64x128xf32, #tpu.memory_space<vmem>>, vector<16xf32>,
        %parallel_loop3A_628 = arith.constant 0 : i32
        %parallel_loop3A_629 = arith.constant 0 : i32
        %parallel_loop3A_630 = tpu.memref_slice %arg13[%parallel_loop3A_139, %parallel_loop3A_628, %parallel_loop3A_629] : memref<2x64x128xf32, #tpu.memory_space<vmem>> -> memref<1x64x128xf32, #tpu.memory_space<vmem>>
        %parallel_loop3A_631 = tpu.memref_squeeze %parallel_loop3A_630 : memref<1x64x128xf32, #tpu.memory_space<vmem>> -> memref<64x128xf32, #tpu.memory_space<vmem>>
        %parallel_loop3A_632 = arith.index_cast %parallel_loop3A_590 : i32 to index
        %parallel_loop3A_633 = arith.constant 16 : index
        %parallel_loop3A_634 = tpu.vector_load %parallel_loop3A_631[%parallel_loop3A_632, %parallel_loop3A_633] {strides = array<i32>} : memref<64x128xf32, #tpu.memory_space<vmem>>, vector<16xf32>,
        %parallel_loop3A_635 = arith.subf %parallel_loop3A_620, %parallel_loop3A_627 : vector<16xf32>
        %parallel_loop3A_636 = arith.mulf %parallel_loop3A_635, %parallel_loop3A_634 : vector<16xf32>
        %parallel_loop3A_637 = arith.constant 0 : i32
        %parallel_loop3A_638 = arith.constant 0 : i32
        %parallel_loop3A_639 = tpu.memref_slice %arg10[%parallel_loop3A_137, %parallel_loop3A_637, %parallel_loop3A_638] : memref<2x64x128xf32, #tpu.memory_space<vmem>> -> memref<1x64x128xf32, #tpu.memory_space<vmem>>
        %parallel_loop3A_640 = tpu.memref_squeeze %parallel_loop3A_639 : memref<1x64x128xf32, #tpu.memory_space<vmem>> -> memref<64x128xf32, #tpu.memory_space<vmem>>
        %parallel_loop3A_641 = arith.index_cast %parallel_loop3A_590 : i32 to index
        %parallel_loop3A_642 = arith.constant 32 : index
        %parallel_loop3A_643 = tpu.vector_load %parallel_loop3A_640[%parallel_loop3A_641, %parallel_loop3A_642] {strides = array<i32>} : memref<64x128xf32, #tpu.memory_space<vmem>>, vector<16xf32>,
        %parallel_loop3A_644 = arith.constant 0 : i32
        %parallel_loop3A_645 = arith.constant 0 : i32
        %parallel_loop3A_646 = tpu.memref_slice %arg11[%parallel_loop3A_138, %parallel_loop3A_644, %parallel_loop3A_645] : memref<2x64x128xf32, #tpu.memory_space<vmem>> -> memref<1x64x128xf32, #tpu.memory_space<vmem>>
        %parallel_loop3A_647 = tpu.memref_squeeze %parallel_loop3A_646 : memref<1x64x128xf32, #tpu.memory_space<vmem>> -> memref<64x128xf32, #tpu.memory_space<vmem>>
        %parallel_loop3A_648 = arith.index_cast %parallel_loop3A_590 : i32 to index
        %parallel_loop3A_649 = arith.constant 32 : index
        %parallel_loop3A_650 = tpu.vector_load %parallel_loop3A_647[%parallel_loop3A_648, %parallel_loop3A_649] {strides = array<i32>} : memref<64x128xf32, #tpu.memory_space<vmem>>, vector<16xf32>,
        %parallel_loop3A_651 = arith.constant 0 : i32
        %parallel_loop3A_652 = arith.constant 0 : i32
        %parallel_loop3A_653 = tpu.memref_slice %arg13[%parallel_loop3A_139, %parallel_loop3A_651, %parallel_loop3A_652] : memref<2x64x128xf32, #tpu.memory_space<vmem>> -> memref<1x64x128xf32, #tpu.memory_space<vmem>>
        %parallel_loop3A_654 = tpu.memref_squeeze %parallel_loop3A_653 : memref<1x64x128xf32, #tpu.memory_space<vmem>> -> memref<64x128xf32, #tpu.memory_space<vmem>>
        %parallel_loop3A_655 = arith.index_cast %parallel_loop3A_590 : i32 to index
        %parallel_loop3A_656 = arith.constant 32 : index
        %parallel_loop3A_657 = tpu.vector_load %parallel_loop3A_654[%parallel_loop3A_655, %parallel_loop3A_656] {strides = array<i32>} : memref<64x128xf32, #tpu.memory_space<vmem>>, vector<16xf32>,
        %parallel_loop3A_658 = arith.subf %parallel_loop3A_643, %parallel_loop3A_650 : vector<16xf32>
        %parallel_loop3A_659 = arith.mulf %parallel_loop3A_658, %parallel_loop3A_657 : vector<16xf32>
        %parallel_loop3A_660 = arith.constant 0 : i32
        %parallel_loop3A_661 = arith.constant 0 : i32
        %parallel_loop3A_662 = tpu.memref_slice %arg10[%parallel_loop3A_137, %parallel_loop3A_660, %parallel_loop3A_661] : memref<2x64x128xf32, #tpu.memory_space<vmem>> -> memref<1x64x128xf32, #tpu.memory_space<vmem>>
        %parallel_loop3A_663 = tpu.memref_squeeze %parallel_loop3A_662 : memref<1x64x128xf32, #tpu.memory_space<vmem>> -> memref<64x128xf32, #tpu.memory_space<vmem>>
        %parallel_loop3A_664 = arith.index_cast %parallel_loop3A_590 : i32 to index
        %parallel_loop3A_665 = arith.constant 48 : index
        %parallel_loop3A_666 = tpu.vector_load %parallel_loop3A_663[%parallel_loop3A_664, %parallel_loop3A_665] {strides = array<i32>} : memref<64x128xf32, #tpu.memory_space<vmem>>, vector<16xf32>,
        %parallel_loop3A_667 = arith.constant 0 : i32
        %parallel_loop3A_668 = arith.constant 0 : i32
        %parallel_loop3A_669 = tpu.memref_slice %arg11[%parallel_loop3A_138, %parallel_loop3A_667, %parallel_loop3A_668] : memref<2x64x128xf32, #tpu.memory_space<vmem>> -> memref<1x64x128xf32, #tpu.memory_space<vmem>>
        %parallel_loop3A_670 = tpu.memref_squeeze %parallel_loop3A_669 : memref<1x64x128xf32, #tpu.memory_space<vmem>> -> memref<64x128xf32, #tpu.memory_space<vmem>>
        %parallel_loop3A_671 = arith.index_cast %parallel_loop3A_590 : i32 to index
        %parallel_loop3A_672 = arith.constant 48 : index
        %parallel_loop3A_673 = tpu.vector_load %parallel_loop3A_670[%parallel_loop3A_671, %parallel_loop3A_672] {strides = array<i32>} : memref<64x128xf32, #tpu.memory_space<vmem>>, vector<16xf32>,
        %parallel_loop3A_674 = arith.constant 0 : i32
        %parallel_loop3A_675 = arith.constant 0 : i32
        %parallel_loop3A_676 = tpu.memref_slice %arg13[%parallel_loop3A_139, %parallel_loop3A_674, %parallel_loop3A_675] : memref<2x64x128xf32, #tpu.memory_space<vmem>> -> memref<1x64x128xf32, #tpu.memory_space<vmem>>
        %parallel_loop3A_677 = tpu.memref_squeeze %parallel_loop3A_676 : memref<1x64x128xf32, #tpu.memory_space<vmem>> -> memref<64x128xf32, #tpu.memory_space<vmem>>
        %parallel_loop3A_678 = arith.index_cast %parallel_loop3A_590 : i32 to index
        %parallel_loop3A_679 = arith.constant 48 : index
        %parallel_loop3A_680 = tpu.vector_load %parallel_loop3A_677[%parallel_loop3A_678, %parallel_loop3A_679] {strides = array<i32>} : memref<64x128xf32, #tpu.memory_space<vmem>>, vector<16xf32>,
        %parallel_loop3A_681 = arith.subf %parallel_loop3A_666, %parallel_loop3A_673 : vector<16xf32>
        %parallel_loop3A_682 = arith.mulf %parallel_loop3A_681, %parallel_loop3A_680 : vector<16xf32>
        %parallel_loop3A_683 = arith.constant 0 : i32
        %parallel_loop3A_684 = arith.constant 0 : i32
        %parallel_loop3A_685 = tpu.memref_slice %arg10[%parallel_loop3A_137, %parallel_loop3A_683, %parallel_loop3A_684] : memref<2x64x128xf32, #tpu.memory_space<vmem>> -> memref<1x64x128xf32, #tpu.memory_space<vmem>>
        %parallel_loop3A_686 = tpu.memref_squeeze %parallel_loop3A_685 : memref<1x64x128xf32, #tpu.memory_space<vmem>> -> memref<64x128xf32, #tpu.memory_space<vmem>>
        %parallel_loop3A_687 = arith.index_cast %parallel_loop3A_590 : i32 to index
        %parallel_loop3A_688 = arith.constant 64 : index
        %parallel_loop3A_689 = tpu.vector_load %parallel_loop3A_686[%parallel_loop3A_687, %parallel_loop3A_688] {strides = array<i32>} : memref<64x128xf32, #tpu.memory_space<vmem>>, vector<16xf32>,
        %parallel_loop3A_690 = arith.constant 0 : i32
        %parallel_loop3A_691 = arith.constant 0 : i32
        %parallel_loop3A_692 = tpu.memref_slice %arg11[%parallel_loop3A_138, %parallel_loop3A_690, %parallel_loop3A_691] : memref<2x64x128xf32, #tpu.memory_space<vmem>> -> memref<1x64x128xf32, #tpu.memory_space<vmem>>
        %parallel_loop3A_693 = tpu.memref_squeeze %parallel_loop3A_692 : memref<1x64x128xf32, #tpu.memory_space<vmem>> -> memref<64x128xf32, #tpu.memory_space<vmem>>
        %parallel_loop3A_694 = arith.index_cast %parallel_loop3A_590 : i32 to index
        %parallel_loop3A_695 = arith.constant 64 : index
        %parallel_loop3A_696 = tpu.vector_load %parallel_loop3A_693[%parallel_loop3A_694, %parallel_loop3A_695] {strides = array<i32>} : memref<64x128xf32, #tpu.memory_space<vmem>>, vector<16xf32>,
        %parallel_loop3A_697 = arith.constant 0 : i32
        %parallel_loop3A_698 = arith.constant 0 : i32
        %parallel_loop3A_699 = tpu.memref_slice %arg13[%parallel_loop3A_139, %parallel_loop3A_697, %parallel_loop3A_698] : memref<2x64x128xf32, #tpu.memory_space<vmem>> -> memref<1x64x128xf32, #tpu.memory_space<vmem>>
        %parallel_loop3A_700 = tpu.memref_squeeze %parallel_loop3A_699 : memref<1x64x128xf32, #tpu.memory_space<vmem>> -> memref<64x128xf32, #tpu.memory_space<vmem>>
        %parallel_loop3A_701 = arith.index_cast %parallel_loop3A_590 : i32 to index
        %parallel_loop3A_702 = arith.constant 64 : index
        %parallel_loop3A_703 = tpu.vector_load %parallel_loop3A_700[%parallel_loop3A_701, %parallel_loop3A_702] {strides = array<i32>} : memref<64x128xf32, #tpu.memory_space<vmem>>, vector<16xf32>,
        %parallel_loop3A_704 = arith.subf %parallel_loop3A_689, %parallel_loop3A_696 : vector<16xf32>
        %parallel_loop3A_705 = arith.mulf %parallel_loop3A_704, %parallel_loop3A_703 : vector<16xf32>
        %parallel_loop3A_706 = arith.constant 0 : i32
        %parallel_loop3A_707 = arith.constant 0 : i32
        %parallel_loop3A_708 = tpu.memref_slice %arg10[%parallel_loop3A_137, %parallel_loop3A_706, %parallel_loop3A_707] : memref<2x64x128xf32, #tpu.memory_space<vmem>> -> memref<1x64x128xf32, #tpu.memory_space<vmem>>
        %parallel_loop3A_709 = tpu.memref_squeeze %parallel_loop3A_708 : memref<1x64x128xf32, #tpu.memory_space<vmem>> -> memref<64x128xf32, #tpu.memory_space<vmem>>
        %parallel_loop3A_710 = arith.index_cast %parallel_loop3A_590 : i32 to index
        %parallel_loop3A_711 = arith.constant 80 : index
        %parallel_loop3A_712 = tpu.vector_load %parallel_loop3A_709[%parallel_loop3A_710, %parallel_loop3A_711] {strides = array<i32>} : memref<64x128xf32, #tpu.memory_space<vmem>>, vector<16xf32>,
        %parallel_loop3A_713 = arith.constant 0 : i32
        %parallel_loop3A_714 = arith.constant 0 : i32
        %parallel_loop3A_715 = tpu.memref_slice %arg11[%parallel_loop3A_138, %parallel_loop3A_713, %parallel_loop3A_714] : memref<2x64x128xf32, #tpu.memory_space<vmem>> -> memref<1x64x128xf32, #tpu.memory_space<vmem>>
        %parallel_loop3A_716 = tpu.memref_squeeze %parallel_loop3A_715 : memref<1x64x128xf32, #tpu.memory_space<vmem>> -> memref<64x128xf32, #tpu.memory_space<vmem>>
        %parallel_loop3A_717 = arith.index_cast %parallel_loop3A_590 : i32 to index
        %parallel_loop3A_718 = arith.constant 80 : index
        %parallel_loop3A_719 = tpu.vector_load %parallel_loop3A_716[%parallel_loop3A_717, %parallel_loop3A_718] {strides = array<i32>} : memref<64x128xf32, #tpu.memory_space<vmem>>, vector<16xf32>,
        %parallel_loop3A_720 = arith.constant 0 : i32
        %parallel_loop3A_721 = arith.constant 0 : i32
        %parallel_loop3A_722 = tpu.memref_slice %arg13[%parallel_loop3A_139, %parallel_loop3A_720, %parallel_loop3A_721] : memref<2x64x128xf32, #tpu.memory_space<vmem>> -> memref<1x64x128xf32, #tpu.memory_space<vmem>>
        %parallel_loop3A_723 = tpu.memref_squeeze %parallel_loop3A_722 : memref<1x64x128xf32, #tpu.memory_space<vmem>> -> memref<64x128xf32, #tpu.memory_space<vmem>>
        %parallel_loop3A_724 = arith.index_cast %parallel_loop3A_590 : i32 to index
        %parallel_loop3A_725 = arith.constant 80 : index
        %parallel_loop3A_726 = tpu.vector_load %parallel_loop3A_723[%parallel_loop3A_724, %parallel_loop3A_725] {strides = array<i32>} : memref<64x128xf32, #tpu.memory_space<vmem>>, vector<16xf32>,
        %parallel_loop3A_727 = arith.subf %parallel_loop3A_712, %parallel_loop3A_719 : vector<16xf32>
        %parallel_loop3A_728 = arith.mulf %parallel_loop3A_727, %parallel_loop3A_726 : vector<16xf32>
        %parallel_loop3A_729 = arith.constant 0 : i32
        %parallel_loop3A_730 = arith.constant 0 : i32
        %parallel_loop3A_731 = tpu.memref_slice %arg10[%parallel_loop3A_137, %parallel_loop3A_729, %parallel_loop3A_730] : memref<2x64x128xf32, #tpu.memory_space<vmem>> -> memref<1x64x128xf32, #tpu.memory_space<vmem>>
        %parallel_loop3A_732 = tpu.memref_squeeze %parallel_loop3A_731 : memref<1x64x128xf32, #tpu.memory_space<vmem>> -> memref<64x128xf32, #tpu.memory_space<vmem>>
        %parallel_loop3A_733 = arith.index_cast %parallel_loop3A_590 : i32 to index
        %parallel_loop3A_734 = arith.constant 96 : index
        %parallel_loop3A_735 = tpu.vector_load %parallel_loop3A_732[%parallel_loop3A_733, %parallel_loop3A_734] {strides = array<i32>} : memref<64x128xf32, #tpu.memory_space<vmem>>, vector<16xf32>,
        %parallel_loop3A_736 = arith.constant 0 : i32
        %parallel_loop3A_737 = arith.constant 0 : i32
        %parallel_loop3A_738 = tpu.memref_slice %arg11[%parallel_loop3A_138, %parallel_loop3A_736, %parallel_loop3A_737] : memref<2x64x128xf32, #tpu.memory_space<vmem>> -> memref<1x64x128xf32, #tpu.memory_space<vmem>>
        %parallel_loop3A_739 = tpu.memref_squeeze %parallel_loop3A_738 : memref<1x64x128xf32, #tpu.memory_space<vmem>> -> memref<64x128xf32, #tpu.memory_space<vmem>>
        %parallel_loop3A_740 = arith.index_cast %parallel_loop3A_590 : i32 to index
        %parallel_loop3A_741 = arith.constant 96 : index
        %parallel_loop3A_742 = tpu.vector_load %parallel_loop3A_739[%parallel_loop3A_740, %parallel_loop3A_741] {strides = array<i32>} : memref<64x128xf32, #tpu.memory_space<vmem>>, vector<16xf32>,
        %parallel_loop3A_743 = arith.constant 0 : i32
        %parallel_loop3A_744 = arith.constant 0 : i32
        %parallel_loop3A_745 = tpu.memref_slice %arg13[%parallel_loop3A_139, %parallel_loop3A_743, %parallel_loop3A_744] : memref<2x64x128xf32, #tpu.memory_space<vmem>> -> memref<1x64x128xf32, #tpu.memory_space<vmem>>
        %parallel_loop3A_746 = tpu.memref_squeeze %parallel_loop3A_745 : memref<1x64x128xf32, #tpu.memory_space<vmem>> -> memref<64x128xf32, #tpu.memory_space<vmem>>
        %parallel_loop3A_747 = arith.index_cast %parallel_loop3A_590 : i32 to index
        %parallel_loop3A_748 = arith.constant 96 : index
        %parallel_loop3A_749 = tpu.vector_load %parallel_loop3A_746[%parallel_loop3A_747, %parallel_loop3A_748] {strides = array<i32>} : memref<64x128xf32, #tpu.memory_space<vmem>>, vector<16xf32>,
        %parallel_loop3A_750 = arith.subf %parallel_loop3A_735, %parallel_loop3A_742 : vector<16xf32>
        %parallel_loop3A_751 = arith.mulf %parallel_loop3A_750, %parallel_loop3A_749 : vector<16xf32>
        %parallel_loop3A_752 = arith.constant 0 : i32
        %parallel_loop3A_753 = arith.constant 0 : i32
        %parallel_loop3A_754 = tpu.memref_slice %arg10[%parallel_loop3A_137, %parallel_loop3A_752, %parallel_loop3A_753] : memref<2x64x128xf32, #tpu.memory_space<vmem>> -> memref<1x64x128xf32, #tpu.memory_space<vmem>>
        %parallel_loop3A_755 = tpu.memref_squeeze %parallel_loop3A_754 : memref<1x64x128xf32, #tpu.memory_space<vmem>> -> memref<64x128xf32, #tpu.memory_space<vmem>>
        %parallel_loop3A_756 = arith.index_cast %parallel_loop3A_590 : i32 to index
        %parallel_loop3A_757 = arith.constant 112 : index
        %parallel_loop3A_758 = tpu.vector_load %parallel_loop3A_755[%parallel_loop3A_756, %parallel_loop3A_757] {strides = array<i32>} : memref<64x128xf32, #tpu.memory_space<vmem>>, vector<16xf32>,
        %parallel_loop3A_759 = arith.constant 0 : i32
        %parallel_loop3A_760 = arith.constant 0 : i32
        %parallel_loop3A_761 = tpu.memref_slice %arg11[%parallel_loop3A_138, %parallel_loop3A_759, %parallel_loop3A_760] : memref<2x64x128xf32, #tpu.memory_space<vmem>> -> memref<1x64x128xf32, #tpu.memory_space<vmem>>
        %parallel_loop3A_762 = tpu.memref_squeeze %parallel_loop3A_761 : memref<1x64x128xf32, #tpu.memory_space<vmem>> -> memref<64x128xf32, #tpu.memory_space<vmem>>
        %parallel_loop3A_763 = arith.index_cast %parallel_loop3A_590 : i32 to index
        %parallel_loop3A_764 = arith.constant 112 : index
        %parallel_loop3A_765 = tpu.vector_load %parallel_loop3A_762[%parallel_loop3A_763, %parallel_loop3A_764] {strides = array<i32>} : memref<64x128xf32, #tpu.memory_space<vmem>>, vector<16xf32>,
        %parallel_loop3A_766 = arith.constant 0 : i32
        %parallel_loop3A_767 = arith.constant 0 : i32
        %parallel_loop3A_768 = tpu.memref_slice %arg13[%parallel_loop3A_139, %parallel_loop3A_766, %parallel_loop3A_767] : memref<2x64x128xf32, #tpu.memory_space<vmem>> -> memref<1x64x128xf32, #tpu.memory_space<vmem>>
        %parallel_loop3A_769 = tpu.memref_squeeze %parallel_loop3A_768 : memref<1x64x128xf32, #tpu.memory_space<vmem>> -> memref<64x128xf32, #tpu.memory_space<vmem>>
        %parallel_loop3A_770 = arith.index_cast %parallel_loop3A_590 : i32 to index
        %parallel_loop3A_771 = arith.constant 112 : index
        %parallel_loop3A_772 = tpu.vector_load %parallel_loop3A_769[%parallel_loop3A_770, %parallel_loop3A_771] {strides = array<i32>} : memref<64x128xf32, #tpu.memory_space<vmem>>, vector<16xf32>,
        %parallel_loop3A_773 = arith.subf %parallel_loop3A_758, %parallel_loop3A_765 : vector<16xf32>
        %parallel_loop3A_774 = arith.mulf %parallel_loop3A_773, %parallel_loop3A_772 : vector<16xf32>
        %parallel_loop3A_775 = arith.addf %parallel_loop3A_613, %parallel_loop3A_636 : vector<16xf32>
        %parallel_loop3A_776 = arith.addf %parallel_loop3A_659, %parallel_loop3A_682 : vector<16xf32>
        %parallel_loop3A_777 = arith.addf %parallel_loop3A_705, %parallel_loop3A_728 : vector<16xf32>
        %parallel_loop3A_778 = arith.addf %parallel_loop3A_751, %parallel_loop3A_774 : vector<16xf32>
        %parallel_loop3A_779 = arith.addf %parallel_loop3A_775, %parallel_loop3A_776 : vector<16xf32>
        %parallel_loop3A_780 = arith.addf %parallel_loop3A_777, %parallel_loop3A_778 : vector<16xf32>
        %parallel_loop3A_781 = arith.addf %parallel_loop3A_779, %parallel_loop3A_780 : vector<16xf32>
        %parallel_loop3A_782 = tpu.iota {dimensions = array<i32: 0>} : vector<16xi32>
        %parallel_loop3A_783 = arith.constant 8 : i32
        %parallel_loop3A_784 = vector.broadcast %parallel_loop3A_783 : i32 to vector<16xi32>
        %parallel_loop3A_785 = arith.xori %parallel_loop3A_782, %parallel_loop3A_784 : vector<16xi32>
        %parallel_loop3A_786 = vector.shape_cast %parallel_loop3A_785 : vector<16xi32> to vector<16x1xi32>
        %parallel_loop3A_787 = vector.shape_cast %parallel_loop3A_786 : vector<16x1xi32> to vector<16xi32>
        %parallel_loop3A_788 = tpu.dynamic_gather %parallel_loop3A_781[%parallel_loop3A_787] in [0] : vector<16xf32>, vector<16xi32> -> vector<16xf32>
        %parallel_loop3A_789 = arith.addf %parallel_loop3A_781, %parallel_loop3A_788 : vector<16xf32>
        %parallel_loop3A_790 = arith.constant 4 : i32
        %parallel_loop3A_791 = vector.broadcast %parallel_loop3A_790 : i32 to vector<16xi32>
        %parallel_loop3A_792 = arith.xori %parallel_loop3A_782, %parallel_loop3A_791 : vector<16xi32>
        %parallel_loop3A_793 = vector.shape_cast %parallel_loop3A_792 : vector<16xi32> to vector<16x1xi32>
        %parallel_loop3A_794 = vector.shape_cast %parallel_loop3A_793 : vector<16x1xi32> to vector<16xi32>
        %parallel_loop3A_795 = tpu.dynamic_gather %parallel_loop3A_789[%parallel_loop3A_794] in [0] : vector<16xf32>, vector<16xi32> -> vector<16xf32>
        %parallel_loop3A_796 = arith.addf %parallel_loop3A_789, %parallel_loop3A_795 : vector<16xf32>
        %parallel_loop3A_797 = arith.constant 2 : i32
        %parallel_loop3A_798 = vector.broadcast %parallel_loop3A_797 : i32 to vector<16xi32>
        %parallel_loop3A_799 = arith.xori %parallel_loop3A_782, %parallel_loop3A_798 : vector<16xi32>
        %parallel_loop3A_800 = vector.shape_cast %parallel_loop3A_799 : vector<16xi32> to vector<16x1xi32>
        %parallel_loop3A_801 = vector.shape_cast %parallel_loop3A_800 : vector<16x1xi32> to vector<16xi32>
        %parallel_loop3A_802 = tpu.dynamic_gather %parallel_loop3A_796[%parallel_loop3A_801] in [0] : vector<16xf32>, vector<16xi32> -> vector<16xf32>
        %parallel_loop3A_803 = arith.addf %parallel_loop3A_796, %parallel_loop3A_802 : vector<16xf32>
        %parallel_loop3A_804 = arith.constant 1 : i32
        %parallel_loop3A_805 = vector.broadcast %parallel_loop3A_804 : i32 to vector<16xi32>
        %parallel_loop3A_806 = arith.xori %parallel_loop3A_782, %parallel_loop3A_805 : vector<16xi32>
        %parallel_loop3A_807 = vector.shape_cast %parallel_loop3A_806 : vector<16xi32> to vector<16x1xi32>
        %parallel_loop3A_808 = vector.shape_cast %parallel_loop3A_807 : vector<16x1xi32> to vector<16xi32>
        %parallel_loop3A_809 = tpu.dynamic_gather %parallel_loop3A_803[%parallel_loop3A_808] in [0] : vector<16xf32>, vector<16xi32> -> vector<16xf32>
        %parallel_loop3A_810 = arith.addf %parallel_loop3A_803, %parallel_loop3A_809 : vector<16xf32>
        %parallel_loop3A_811 = arith.constant 0 : i32
        %parallel_loop3A_812 = arith.constant 0 : i32
        %parallel_loop3A_813 = tpu.memref_slice %arg10[%parallel_loop3A_137, %parallel_loop3A_811, %parallel_loop3A_812] : memref<2x64x128xf32, #tpu.memory_space<vmem>> -> memref<1x64x128xf32, #tpu.memory_space<vmem>>
        %parallel_loop3A_814 = tpu.memref_squeeze %parallel_loop3A_813 : memref<1x64x128xf32, #tpu.memory_space<vmem>> -> memref<64x128xf32, #tpu.memory_space<vmem>>
        %parallel_loop3A_815 = arith.index_cast %parallel_loop3A_590 : i32 to index
        %parallel_loop3A_816 = arith.constant 0 : index
        %parallel_loop3A_817 = tpu.vector_load %parallel_loop3A_814[%parallel_loop3A_815, %parallel_loop3A_816] {strides = array<i32>} : memref<64x128xf32, #tpu.memory_space<vmem>>, vector<16xf32>,
        %parallel_loop3A_818 = arith.constant 0 : i32
        %parallel_loop3A_819 = arith.constant 0 : i32
        %parallel_loop3A_820 = tpu.memref_slice %arg11[%parallel_loop3A_138, %parallel_loop3A_818, %parallel_loop3A_819] : memref<2x64x128xf32, #tpu.memory_space<vmem>> -> memref<1x64x128xf32, #tpu.memory_space<vmem>>
        %parallel_loop3A_821 = tpu.memref_squeeze %parallel_loop3A_820 : memref<1x64x128xf32, #tpu.memory_space<vmem>> -> memref<64x128xf32, #tpu.memory_space<vmem>>
        %parallel_loop3A_822 = arith.index_cast %parallel_loop3A_590 : i32 to index
        %parallel_loop3A_823 = arith.constant 0 : index
        %parallel_loop3A_824 = tpu.vector_load %parallel_loop3A_821[%parallel_loop3A_822, %parallel_loop3A_823] {strides = array<i32>} : memref<64x128xf32, #tpu.memory_space<vmem>>, vector<16xf32>,
        %parallel_loop3A_825 = arith.constant 0 : i32
        %parallel_loop3A_826 = arith.constant 0 : i32
        %parallel_loop3A_827 = tpu.memref_slice %arg13[%parallel_loop3A_139, %parallel_loop3A_825, %parallel_loop3A_826] : memref<2x64x128xf32, #tpu.memory_space<vmem>> -> memref<1x64x128xf32, #tpu.memory_space<vmem>>
        %parallel_loop3A_828 = tpu.memref_squeeze %parallel_loop3A_827 : memref<1x64x128xf32, #tpu.memory_space<vmem>> -> memref<64x128xf32, #tpu.memory_space<vmem>>
        %parallel_loop3A_829 = arith.index_cast %parallel_loop3A_590 : i32 to index
        %parallel_loop3A_830 = arith.constant 0 : index
        %parallel_loop3A_831 = tpu.vector_load %parallel_loop3A_828[%parallel_loop3A_829, %parallel_loop3A_830] {strides = array<i32>} : memref<64x128xf32, #tpu.memory_space<vmem>>, vector<16xf32>,
        %parallel_loop3A_832 = arith.constant 0 : i32
        %parallel_loop3A_833 = arith.constant 0 : i32
        %parallel_loop3A_834 = tpu.memref_slice %arg12[%parallel_loop3A_140, %parallel_loop3A_832, %parallel_loop3A_833] : memref<2x64x128xf32, #tpu.memory_space<vmem>> -> memref<1x64x128xf32, #tpu.memory_space<vmem>>
        %parallel_loop3A_835 = tpu.memref_squeeze %parallel_loop3A_834 : memref<1x64x128xf32, #tpu.memory_space<vmem>> -> memref<64x128xf32, #tpu.memory_space<vmem>>
        %parallel_loop3A_836 = arith.index_cast %parallel_loop3A_590 : i32 to index
        %parallel_loop3A_837 = arith.constant 0 : index
        %parallel_loop3A_838 = tpu.vector_load %parallel_loop3A_835[%parallel_loop3A_836, %parallel_loop3A_837] {strides = array<i32>} : memref<64x128xf32, #tpu.memory_space<vmem>>, vector<16xf32>,
        %parallel_loop3A_839 = arith.subf %parallel_loop3A_817, %parallel_loop3A_824 : vector<16xf32>
        %parallel_loop3A_840 = arith.addf %parallel_loop3A_839, %parallel_loop3A_838 : vector<16xf32>
        %parallel_loop3A_841 = arith.mulf %parallel_loop3A_810, %parallel_loop3A_831 : vector<16xf32>
        %parallel_loop3A_842 = arith.subf %parallel_loop3A_840, %parallel_loop3A_841 : vector<16xf32>
        %parallel_loop3A_843 = arith.mulf %parallel_loop3A_842, %parallel_loop3A_842 : vector<16xf32>
        %parallel_loop3A_844 = arith.constant 0 : i32
        %parallel_loop3A_845 = arith.constant 0 : i32
        %parallel_loop3A_846 = tpu.memref_slice %arg10[%parallel_loop3A_137, %parallel_loop3A_844, %parallel_loop3A_845] : memref<2x64x128xf32, #tpu.memory_space<vmem>> -> memref<1x64x128xf32, #tpu.memory_space<vmem>>
        %parallel_loop3A_847 = tpu.memref_squeeze %parallel_loop3A_846 : memref<1x64x128xf32, #tpu.memory_space<vmem>> -> memref<64x128xf32, #tpu.memory_space<vmem>>
        %parallel_loop3A_848 = arith.index_cast %parallel_loop3A_590 : i32 to index
        %parallel_loop3A_849 = arith.constant 16 : index
        %parallel_loop3A_850 = tpu.vector_load %parallel_loop3A_847[%parallel_loop3A_848, %parallel_loop3A_849] {strides = array<i32>} : memref<64x128xf32, #tpu.memory_space<vmem>>, vector<16xf32>,
        %parallel_loop3A_851 = arith.constant 0 : i32
        %parallel_loop3A_852 = arith.constant 0 : i32
        %parallel_loop3A_853 = tpu.memref_slice %arg11[%parallel_loop3A_138, %parallel_loop3A_851, %parallel_loop3A_852] : memref<2x64x128xf32, #tpu.memory_space<vmem>> -> memref<1x64x128xf32, #tpu.memory_space<vmem>>
        %parallel_loop3A_854 = tpu.memref_squeeze %parallel_loop3A_853 : memref<1x64x128xf32, #tpu.memory_space<vmem>> -> memref<64x128xf32, #tpu.memory_space<vmem>>
        %parallel_loop3A_855 = arith.index_cast %parallel_loop3A_590 : i32 to index
        %parallel_loop3A_856 = arith.constant 16 : index
        %parallel_loop3A_857 = tpu.vector_load %parallel_loop3A_854[%parallel_loop3A_855, %parallel_loop3A_856] {strides = array<i32>} : memref<64x128xf32, #tpu.memory_space<vmem>>, vector<16xf32>,
        %parallel_loop3A_858 = arith.constant 0 : i32
        %parallel_loop3A_859 = arith.constant 0 : i32
        %parallel_loop3A_860 = tpu.memref_slice %arg13[%parallel_loop3A_139, %parallel_loop3A_858, %parallel_loop3A_859] : memref<2x64x128xf32, #tpu.memory_space<vmem>> -> memref<1x64x128xf32, #tpu.memory_space<vmem>>
        %parallel_loop3A_861 = tpu.memref_squeeze %parallel_loop3A_860 : memref<1x64x128xf32, #tpu.memory_space<vmem>> -> memref<64x128xf32, #tpu.memory_space<vmem>>
        %parallel_loop3A_862 = arith.index_cast %parallel_loop3A_590 : i32 to index
        %parallel_loop3A_863 = arith.constant 16 : index
        %parallel_loop3A_864 = tpu.vector_load %parallel_loop3A_861[%parallel_loop3A_862, %parallel_loop3A_863] {strides = array<i32>} : memref<64x128xf32, #tpu.memory_space<vmem>>, vector<16xf32>,
        %parallel_loop3A_865 = arith.constant 0 : i32
        %parallel_loop3A_866 = arith.constant 0 : i32
        %parallel_loop3A_867 = tpu.memref_slice %arg12[%parallel_loop3A_140, %parallel_loop3A_865, %parallel_loop3A_866] : memref<2x64x128xf32, #tpu.memory_space<vmem>> -> memref<1x64x128xf32, #tpu.memory_space<vmem>>
        %parallel_loop3A_868 = tpu.memref_squeeze %parallel_loop3A_867 : memref<1x64x128xf32, #tpu.memory_space<vmem>> -> memref<64x128xf32, #tpu.memory_space<vmem>>
        %parallel_loop3A_869 = arith.index_cast %parallel_loop3A_590 : i32 to index
        %parallel_loop3A_870 = arith.constant 16 : index
        %parallel_loop3A_871 = tpu.vector_load %parallel_loop3A_868[%parallel_loop3A_869, %parallel_loop3A_870] {strides = array<i32>} : memref<64x128xf32, #tpu.memory_space<vmem>>, vector<16xf32>,
        %parallel_loop3A_872 = arith.subf %parallel_loop3A_850, %parallel_loop3A_857 : vector<16xf32>
        %parallel_loop3A_873 = arith.addf %parallel_loop3A_872, %parallel_loop3A_871 : vector<16xf32>
        %parallel_loop3A_874 = arith.mulf %parallel_loop3A_810, %parallel_loop3A_864 : vector<16xf32>
        %parallel_loop3A_875 = arith.subf %parallel_loop3A_873, %parallel_loop3A_874 : vector<16xf32>
        %parallel_loop3A_876 = arith.mulf %parallel_loop3A_875, %parallel_loop3A_875 : vector<16xf32>
        %parallel_loop3A_877 = arith.constant 0 : i32
        %parallel_loop3A_878 = arith.constant 0 : i32
        %parallel_loop3A_879 = tpu.memref_slice %arg10[%parallel_loop3A_137, %parallel_loop3A_877, %parallel_loop3A_878] : memref<2x64x128xf32, #tpu.memory_space<vmem>> -> memref<1x64x128xf32, #tpu.memory_space<vmem>>
        %parallel_loop3A_880 = tpu.memref_squeeze %parallel_loop3A_879 : memref<1x64x128xf32, #tpu.memory_space<vmem>> -> memref<64x128xf32, #tpu.memory_space<vmem>>
        %parallel_loop3A_881 = arith.index_cast %parallel_loop3A_590 : i32 to index
        %parallel_loop3A_882 = arith.constant 32 : index
        %parallel_loop3A_883 = tpu.vector_load %parallel_loop3A_880[%parallel_loop3A_881, %parallel_loop3A_882] {strides = array<i32>} : memref<64x128xf32, #tpu.memory_space<vmem>>, vector<16xf32>,
        %parallel_loop3A_884 = arith.constant 0 : i32
        %parallel_loop3A_885 = arith.constant 0 : i32
        %parallel_loop3A_886 = tpu.memref_slice %arg11[%parallel_loop3A_138, %parallel_loop3A_884, %parallel_loop3A_885] : memref<2x64x128xf32, #tpu.memory_space<vmem>> -> memref<1x64x128xf32, #tpu.memory_space<vmem>>
        %parallel_loop3A_887 = tpu.memref_squeeze %parallel_loop3A_886 : memref<1x64x128xf32, #tpu.memory_space<vmem>> -> memref<64x128xf32, #tpu.memory_space<vmem>>
        %parallel_loop3A_888 = arith.index_cast %parallel_loop3A_590 : i32 to index
        %parallel_loop3A_889 = arith.constant 32 : index
        %parallel_loop3A_890 = tpu.vector_load %parallel_loop3A_887[%parallel_loop3A_888, %parallel_loop3A_889] {strides = array<i32>} : memref<64x128xf32, #tpu.memory_space<vmem>>, vector<16xf32>,
        %parallel_loop3A_891 = arith.constant 0 : i32
        %parallel_loop3A_892 = arith.constant 0 : i32
        %parallel_loop3A_893 = tpu.memref_slice %arg13[%parallel_loop3A_139, %parallel_loop3A_891, %parallel_loop3A_892] : memref<2x64x128xf32, #tpu.memory_space<vmem>> -> memref<1x64x128xf32, #tpu.memory_space<vmem>>
        %parallel_loop3A_894 = tpu.memref_squeeze %parallel_loop3A_893 : memref<1x64x128xf32, #tpu.memory_space<vmem>> -> memref<64x128xf32, #tpu.memory_space<vmem>>
        %parallel_loop3A_895 = arith.index_cast %parallel_loop3A_590 : i32 to index
        %parallel_loop3A_896 = arith.constant 32 : index
        %parallel_loop3A_897 = tpu.vector_load %parallel_loop3A_894[%parallel_loop3A_895, %parallel_loop3A_896] {strides = array<i32>} : memref<64x128xf32, #tpu.memory_space<vmem>>, vector<16xf32>,
        %parallel_loop3A_898 = arith.constant 0 : i32
        %parallel_loop3A_899 = arith.constant 0 : i32
        %parallel_loop3A_900 = tpu.memref_slice %arg12[%parallel_loop3A_140, %parallel_loop3A_898, %parallel_loop3A_899] : memref<2x64x128xf32, #tpu.memory_space<vmem>> -> memref<1x64x128xf32, #tpu.memory_space<vmem>>
        %parallel_loop3A_901 = tpu.memref_squeeze %parallel_loop3A_900 : memref<1x64x128xf32, #tpu.memory_space<vmem>> -> memref<64x128xf32, #tpu.memory_space<vmem>>
        %parallel_loop3A_902 = arith.index_cast %parallel_loop3A_590 : i32 to index
        %parallel_loop3A_903 = arith.constant 32 : index
        %parallel_loop3A_904 = tpu.vector_load %parallel_loop3A_901[%parallel_loop3A_902, %parallel_loop3A_903] {strides = array<i32>} : memref<64x128xf32, #tpu.memory_space<vmem>>, vector<16xf32>,
        %parallel_loop3A_905 = arith.subf %parallel_loop3A_883, %parallel_loop3A_890 : vector<16xf32>
        %parallel_loop3A_906 = arith.addf %parallel_loop3A_905, %parallel_loop3A_904 : vector<16xf32>
        %parallel_loop3A_907 = arith.mulf %parallel_loop3A_810, %parallel_loop3A_897 : vector<16xf32>
        %parallel_loop3A_908 = arith.subf %parallel_loop3A_906, %parallel_loop3A_907 : vector<16xf32>
        %parallel_loop3A_909 = arith.mulf %parallel_loop3A_908, %parallel_loop3A_908 : vector<16xf32>
        %parallel_loop3A_910 = arith.constant 0 : i32
        %parallel_loop3A_911 = arith.constant 0 : i32
        %parallel_loop3A_912 = tpu.memref_slice %arg10[%parallel_loop3A_137, %parallel_loop3A_910, %parallel_loop3A_911] : memref<2x64x128xf32, #tpu.memory_space<vmem>> -> memref<1x64x128xf32, #tpu.memory_space<vmem>>
        %parallel_loop3A_913 = tpu.memref_squeeze %parallel_loop3A_912 : memref<1x64x128xf32, #tpu.memory_space<vmem>> -> memref<64x128xf32, #tpu.memory_space<vmem>>
        %parallel_loop3A_914 = arith.index_cast %parallel_loop3A_590 : i32 to index
        %parallel_loop3A_915 = arith.constant 48 : index
        %parallel_loop3A_916 = tpu.vector_load %parallel_loop3A_913[%parallel_loop3A_914, %parallel_loop3A_915] {strides = array<i32>} : memref<64x128xf32, #tpu.memory_space<vmem>>, vector<16xf32>,
        %parallel_loop3A_917 = arith.constant 0 : i32
        %parallel_loop3A_918 = arith.constant 0 : i32
        %parallel_loop3A_919 = tpu.memref_slice %arg11[%parallel_loop3A_138, %parallel_loop3A_917, %parallel_loop3A_918] : memref<2x64x128xf32, #tpu.memory_space<vmem>> -> memref<1x64x128xf32, #tpu.memory_space<vmem>>
        %parallel_loop3A_920 = tpu.memref_squeeze %parallel_loop3A_919 : memref<1x64x128xf32, #tpu.memory_space<vmem>> -> memref<64x128xf32, #tpu.memory_space<vmem>>
        %parallel_loop3A_921 = arith.index_cast %parallel_loop3A_590 : i32 to index
        %parallel_loop3A_922 = arith.constant 48 : index
        %parallel_loop3A_923 = tpu.vector_load %parallel_loop3A_920[%parallel_loop3A_921, %parallel_loop3A_922] {strides = array<i32>} : memref<64x128xf32, #tpu.memory_space<vmem>>, vector<16xf32>,
        %parallel_loop3A_924 = arith.constant 0 : i32
        %parallel_loop3A_925 = arith.constant 0 : i32
        %parallel_loop3A_926 = tpu.memref_slice %arg13[%parallel_loop3A_139, %parallel_loop3A_924, %parallel_loop3A_925] : memref<2x64x128xf32, #tpu.memory_space<vmem>> -> memref<1x64x128xf32, #tpu.memory_space<vmem>>
        %parallel_loop3A_927 = tpu.memref_squeeze %parallel_loop3A_926 : memref<1x64x128xf32, #tpu.memory_space<vmem>> -> memref<64x128xf32, #tpu.memory_space<vmem>>
        %parallel_loop3A_928 = arith.index_cast %parallel_loop3A_590 : i32 to index
        %parallel_loop3A_929 = arith.constant 48 : index
        %parallel_loop3A_930 = tpu.vector_load %parallel_loop3A_927[%parallel_loop3A_928, %parallel_loop3A_929] {strides = array<i32>} : memref<64x128xf32, #tpu.memory_space<vmem>>, vector<16xf32>,
        %parallel_loop3A_931 = arith.constant 0 : i32
        %parallel_loop3A_932 = arith.constant 0 : i32
        %parallel_loop3A_933 = tpu.memref_slice %arg12[%parallel_loop3A_140, %parallel_loop3A_931, %parallel_loop3A_932] : memref<2x64x128xf32, #tpu.memory_space<vmem>> -> memref<1x64x128xf32, #tpu.memory_space<vmem>>
        %parallel_loop3A_934 = tpu.memref_squeeze %parallel_loop3A_933 : memref<1x64x128xf32, #tpu.memory_space<vmem>> -> memref<64x128xf32, #tpu.memory_space<vmem>>
        %parallel_loop3A_935 = arith.index_cast %parallel_loop3A_590 : i32 to index
        %parallel_loop3A_936 = arith.constant 48 : index
        %parallel_loop3A_937 = tpu.vector_load %parallel_loop3A_934[%parallel_loop3A_935, %parallel_loop3A_936] {strides = array<i32>} : memref<64x128xf32, #tpu.memory_space<vmem>>, vector<16xf32>,
        %parallel_loop3A_938 = arith.subf %parallel_loop3A_916, %parallel_loop3A_923 : vector<16xf32>
        %parallel_loop3A_939 = arith.addf %parallel_loop3A_938, %parallel_loop3A_937 : vector<16xf32>
        %parallel_loop3A_940 = arith.mulf %parallel_loop3A_810, %parallel_loop3A_930 : vector<16xf32>
        %parallel_loop3A_941 = arith.subf %parallel_loop3A_939, %parallel_loop3A_940 : vector<16xf32>
        %parallel_loop3A_942 = arith.mulf %parallel_loop3A_941, %parallel_loop3A_941 : vector<16xf32>
        %parallel_loop3A_943 = arith.constant 0 : i32
        %parallel_loop3A_944 = arith.constant 0 : i32
        %parallel_loop3A_945 = tpu.memref_slice %arg10[%parallel_loop3A_137, %parallel_loop3A_943, %parallel_loop3A_944] : memref<2x64x128xf32, #tpu.memory_space<vmem>> -> memref<1x64x128xf32, #tpu.memory_space<vmem>>
        %parallel_loop3A_946 = tpu.memref_squeeze %parallel_loop3A_945 : memref<1x64x128xf32, #tpu.memory_space<vmem>> -> memref<64x128xf32, #tpu.memory_space<vmem>>
        %parallel_loop3A_947 = arith.index_cast %parallel_loop3A_590 : i32 to index
        %parallel_loop3A_948 = arith.constant 64 : index
        %parallel_loop3A_949 = tpu.vector_load %parallel_loop3A_946[%parallel_loop3A_947, %parallel_loop3A_948] {strides = array<i32>} : memref<64x128xf32, #tpu.memory_space<vmem>>, vector<16xf32>,
        %parallel_loop3A_950 = arith.constant 0 : i32
        %parallel_loop3A_951 = arith.constant 0 : i32
        %parallel_loop3A_952 = tpu.memref_slice %arg11[%parallel_loop3A_138, %parallel_loop3A_950, %parallel_loop3A_951] : memref<2x64x128xf32, #tpu.memory_space<vmem>> -> memref<1x64x128xf32, #tpu.memory_space<vmem>>
        %parallel_loop3A_953 = tpu.memref_squeeze %parallel_loop3A_952 : memref<1x64x128xf32, #tpu.memory_space<vmem>> -> memref<64x128xf32, #tpu.memory_space<vmem>>
        %parallel_loop3A_954 = arith.index_cast %parallel_loop3A_590 : i32 to index
        %parallel_loop3A_955 = arith.constant 64 : index
        %parallel_loop3A_956 = tpu.vector_load %parallel_loop3A_953[%parallel_loop3A_954, %parallel_loop3A_955] {strides = array<i32>} : memref<64x128xf32, #tpu.memory_space<vmem>>, vector<16xf32>,
        %parallel_loop3A_957 = arith.constant 0 : i32
        %parallel_loop3A_958 = arith.constant 0 : i32
        %parallel_loop3A_959 = tpu.memref_slice %arg13[%parallel_loop3A_139, %parallel_loop3A_957, %parallel_loop3A_958] : memref<2x64x128xf32, #tpu.memory_space<vmem>> -> memref<1x64x128xf32, #tpu.memory_space<vmem>>
        %parallel_loop3A_960 = tpu.memref_squeeze %parallel_loop3A_959 : memref<1x64x128xf32, #tpu.memory_space<vmem>> -> memref<64x128xf32, #tpu.memory_space<vmem>>
        %parallel_loop3A_961 = arith.index_cast %parallel_loop3A_590 : i32 to index
        %parallel_loop3A_962 = arith.constant 64 : index
        %parallel_loop3A_963 = tpu.vector_load %parallel_loop3A_960[%parallel_loop3A_961, %parallel_loop3A_962] {strides = array<i32>} : memref<64x128xf32, #tpu.memory_space<vmem>>, vector<16xf32>,
        %parallel_loop3A_964 = arith.constant 0 : i32
        %parallel_loop3A_965 = arith.constant 0 : i32
        %parallel_loop3A_966 = tpu.memref_slice %arg12[%parallel_loop3A_140, %parallel_loop3A_964, %parallel_loop3A_965] : memref<2x64x128xf32, #tpu.memory_space<vmem>> -> memref<1x64x128xf32, #tpu.memory_space<vmem>>
        %parallel_loop3A_967 = tpu.memref_squeeze %parallel_loop3A_966 : memref<1x64x128xf32, #tpu.memory_space<vmem>> -> memref<64x128xf32, #tpu.memory_space<vmem>>
        %parallel_loop3A_968 = arith.index_cast %parallel_loop3A_590 : i32 to index
        %parallel_loop3A_969 = arith.constant 64 : index
        %parallel_loop3A_970 = tpu.vector_load %parallel_loop3A_967[%parallel_loop3A_968, %parallel_loop3A_969] {strides = array<i32>} : memref<64x128xf32, #tpu.memory_space<vmem>>, vector<16xf32>,
        %parallel_loop3A_971 = arith.subf %parallel_loop3A_949, %parallel_loop3A_956 : vector<16xf32>
        %parallel_loop3A_972 = arith.addf %parallel_loop3A_971, %parallel_loop3A_970 : vector<16xf32>
        %parallel_loop3A_973 = arith.mulf %parallel_loop3A_810, %parallel_loop3A_963 : vector<16xf32>
        %parallel_loop3A_974 = arith.subf %parallel_loop3A_972, %parallel_loop3A_973 : vector<16xf32>
        %parallel_loop3A_975 = arith.mulf %parallel_loop3A_974, %parallel_loop3A_974 : vector<16xf32>
        %parallel_loop3A_976 = arith.constant 0 : i32
        %parallel_loop3A_977 = arith.constant 0 : i32
        %parallel_loop3A_978 = tpu.memref_slice %arg10[%parallel_loop3A_137, %parallel_loop3A_976, %parallel_loop3A_977] : memref<2x64x128xf32, #tpu.memory_space<vmem>> -> memref<1x64x128xf32, #tpu.memory_space<vmem>>
        %parallel_loop3A_979 = tpu.memref_squeeze %parallel_loop3A_978 : memref<1x64x128xf32, #tpu.memory_space<vmem>> -> memref<64x128xf32, #tpu.memory_space<vmem>>
        %parallel_loop3A_980 = arith.index_cast %parallel_loop3A_590 : i32 to index
        %parallel_loop3A_981 = arith.constant 80 : index
        %parallel_loop3A_982 = tpu.vector_load %parallel_loop3A_979[%parallel_loop3A_980, %parallel_loop3A_981] {strides = array<i32>} : memref<64x128xf32, #tpu.memory_space<vmem>>, vector<16xf32>,
        %parallel_loop3A_983 = arith.constant 0 : i32
        %parallel_loop3A_984 = arith.constant 0 : i32
        %parallel_loop3A_985 = tpu.memref_slice %arg11[%parallel_loop3A_138, %parallel_loop3A_983, %parallel_loop3A_984] : memref<2x64x128xf32, #tpu.memory_space<vmem>> -> memref<1x64x128xf32, #tpu.memory_space<vmem>>
        %parallel_loop3A_986 = tpu.memref_squeeze %parallel_loop3A_985 : memref<1x64x128xf32, #tpu.memory_space<vmem>> -> memref<64x128xf32, #tpu.memory_space<vmem>>
        %parallel_loop3A_987 = arith.index_cast %parallel_loop3A_590 : i32 to index
        %parallel_loop3A_988 = arith.constant 80 : index
        %parallel_loop3A_989 = tpu.vector_load %parallel_loop3A_986[%parallel_loop3A_987, %parallel_loop3A_988] {strides = array<i32>} : memref<64x128xf32, #tpu.memory_space<vmem>>, vector<16xf32>,
        %parallel_loop3A_990 = arith.constant 0 : i32
        %parallel_loop3A_991 = arith.constant 0 : i32
        %parallel_loop3A_992 = tpu.memref_slice %arg13[%parallel_loop3A_139, %parallel_loop3A_990, %parallel_loop3A_991] : memref<2x64x128xf32, #tpu.memory_space<vmem>> -> memref<1x64x128xf32, #tpu.memory_space<vmem>>
        %parallel_loop3A_993 = tpu.memref_squeeze %parallel_loop3A_992 : memref<1x64x128xf32, #tpu.memory_space<vmem>> -> memref<64x128xf32, #tpu.memory_space<vmem>>
        %parallel_loop3A_994 = arith.index_cast %parallel_loop3A_590 : i32 to index
        %parallel_loop3A_995 = arith.constant 80 : index
        %parallel_loop3A_996 = tpu.vector_load %parallel_loop3A_993[%parallel_loop3A_994, %parallel_loop3A_995] {strides = array<i32>} : memref<64x128xf32, #tpu.memory_space<vmem>>, vector<16xf32>,
        %parallel_loop3A_997 = arith.constant 0 : i32
        %parallel_loop3A_998 = arith.constant 0 : i32
        %parallel_loop3A_999 = tpu.memref_slice %arg12[%parallel_loop3A_140, %parallel_loop3A_997, %parallel_loop3A_998] : memref<2x64x128xf32, #tpu.memory_space<vmem>> -> memref<1x64x128xf32, #tpu.memory_space<vmem>>
        %parallel_loop3A_1000 = tpu.memref_squeeze %parallel_loop3A_999 : memref<1x64x128xf32, #tpu.memory_space<vmem>> -> memref<64x128xf32, #tpu.memory_space<vmem>>
        %parallel_loop3A_1001 = arith.index_cast %parallel_loop3A_590 : i32 to index
        %parallel_loop3A_1002 = arith.constant 80 : index
        %parallel_loop3A_1003 = tpu.vector_load %parallel_loop3A_1000[%parallel_loop3A_1001, %parallel_loop3A_1002] {strides = array<i32>} : memref<64x128xf32, #tpu.memory_space<vmem>>, vector<16xf32>,
        %parallel_loop3A_1004 = arith.subf %parallel_loop3A_982, %parallel_loop3A_989 : vector<16xf32>
        %parallel_loop3A_1005 = arith.addf %parallel_loop3A_1004, %parallel_loop3A_1003 : vector<16xf32>
        %parallel_loop3A_1006 = arith.mulf %parallel_loop3A_810, %parallel_loop3A_996 : vector<16xf32>
        %parallel_loop3A_1007 = arith.subf %parallel_loop3A_1005, %parallel_loop3A_1006 : vector<16xf32>
        %parallel_loop3A_1008 = arith.mulf %parallel_loop3A_1007, %parallel_loop3A_1007 : vector<16xf32>
        %parallel_loop3A_1009 = arith.constant 0 : i32
        %parallel_loop3A_1010 = arith.constant 0 : i32
        %parallel_loop3A_1011 = tpu.memref_slice %arg10[%parallel_loop3A_137, %parallel_loop3A_1009, %parallel_loop3A_1010] : memref<2x64x128xf32, #tpu.memory_space<vmem>> -> memref<1x64x128xf32, #tpu.memory_space<vmem>>
        %parallel_loop3A_1012 = tpu.memref_squeeze %parallel_loop3A_1011 : memref<1x64x128xf32, #tpu.memory_space<vmem>> -> memref<64x128xf32, #tpu.memory_space<vmem>>
        %parallel_loop3A_1013 = arith.index_cast %parallel_loop3A_590 : i32 to index
        %parallel_loop3A_1014 = arith.constant 96 : index
        %parallel_loop3A_1015 = tpu.vector_load %parallel_loop3A_1012[%parallel_loop3A_1013, %parallel_loop3A_1014] {strides = array<i32>} : memref<64x128xf32, #tpu.memory_space<vmem>>, vector<16xf32>,
        %parallel_loop3A_1016 = arith.constant 0 : i32
        %parallel_loop3A_1017 = arith.constant 0 : i32
        %parallel_loop3A_1018 = tpu.memref_slice %arg11[%parallel_loop3A_138, %parallel_loop3A_1016, %parallel_loop3A_1017] : memref<2x64x128xf32, #tpu.memory_space<vmem>> -> memref<1x64x128xf32, #tpu.memory_space<vmem>>
        %parallel_loop3A_1019 = tpu.memref_squeeze %parallel_loop3A_1018 : memref<1x64x128xf32, #tpu.memory_space<vmem>> -> memref<64x128xf32, #tpu.memory_space<vmem>>
        %parallel_loop3A_1020 = arith.index_cast %parallel_loop3A_590 : i32 to index
        %parallel_loop3A_1021 = arith.constant 96 : index
        %parallel_loop3A_1022 = tpu.vector_load %parallel_loop3A_1019[%parallel_loop3A_1020, %parallel_loop3A_1021] {strides = array<i32>} : memref<64x128xf32, #tpu.memory_space<vmem>>, vector<16xf32>,
        %parallel_loop3A_1023 = arith.constant 0 : i32
        %parallel_loop3A_1024 = arith.constant 0 : i32
        %parallel_loop3A_1025 = tpu.memref_slice %arg13[%parallel_loop3A_139, %parallel_loop3A_1023, %parallel_loop3A_1024] : memref<2x64x128xf32, #tpu.memory_space<vmem>> -> memref<1x64x128xf32, #tpu.memory_space<vmem>>
        %parallel_loop3A_1026 = tpu.memref_squeeze %parallel_loop3A_1025 : memref<1x64x128xf32, #tpu.memory_space<vmem>> -> memref<64x128xf32, #tpu.memory_space<vmem>>
        %parallel_loop3A_1027 = arith.index_cast %parallel_loop3A_590 : i32 to index
        %parallel_loop3A_1028 = arith.constant 96 : index
        %parallel_loop3A_1029 = tpu.vector_load %parallel_loop3A_1026[%parallel_loop3A_1027, %parallel_loop3A_1028] {strides = array<i32>} : memref<64x128xf32, #tpu.memory_space<vmem>>, vector<16xf32>,
        %parallel_loop3A_1030 = arith.constant 0 : i32
        %parallel_loop3A_1031 = arith.constant 0 : i32
        %parallel_loop3A_1032 = tpu.memref_slice %arg12[%parallel_loop3A_140, %parallel_loop3A_1030, %parallel_loop3A_1031] : memref<2x64x128xf32, #tpu.memory_space<vmem>> -> memref<1x64x128xf32, #tpu.memory_space<vmem>>
        %parallel_loop3A_1033 = tpu.memref_squeeze %parallel_loop3A_1032 : memref<1x64x128xf32, #tpu.memory_space<vmem>> -> memref<64x128xf32, #tpu.memory_space<vmem>>
        %parallel_loop3A_1034 = arith.index_cast %parallel_loop3A_590 : i32 to index
        %parallel_loop3A_1035 = arith.constant 96 : index
        %parallel_loop3A_1036 = tpu.vector_load %parallel_loop3A_1033[%parallel_loop3A_1034, %parallel_loop3A_1035] {strides = array<i32>} : memref<64x128xf32, #tpu.memory_space<vmem>>, vector<16xf32>,
        %parallel_loop3A_1037 = arith.subf %parallel_loop3A_1015, %parallel_loop3A_1022 : vector<16xf32>
        %parallel_loop3A_1038 = arith.addf %parallel_loop3A_1037, %parallel_loop3A_1036 : vector<16xf32>
        %parallel_loop3A_1039 = arith.mulf %parallel_loop3A_810, %parallel_loop3A_1029 : vector<16xf32>
        %parallel_loop3A_1040 = arith.subf %parallel_loop3A_1038, %parallel_loop3A_1039 : vector<16xf32>
        %parallel_loop3A_1041 = arith.mulf %parallel_loop3A_1040, %parallel_loop3A_1040 : vector<16xf32>
        %parallel_loop3A_1042 = arith.constant 0 : i32
        %parallel_loop3A_1043 = arith.constant 0 : i32
        %parallel_loop3A_1044 = tpu.memref_slice %arg10[%parallel_loop3A_137, %parallel_loop3A_1042, %parallel_loop3A_1043] : memref<2x64x128xf32, #tpu.memory_space<vmem>> -> memref<1x64x128xf32, #tpu.memory_space<vmem>>
        %parallel_loop3A_1045 = tpu.memref_squeeze %parallel_loop3A_1044 : memref<1x64x128xf32, #tpu.memory_space<vmem>> -> memref<64x128xf32, #tpu.memory_space<vmem>>
        %parallel_loop3A_1046 = arith.index_cast %parallel_loop3A_590 : i32 to index
        %parallel_loop3A_1047 = arith.constant 112 : index
        %parallel_loop3A_1048 = tpu.vector_load %parallel_loop3A_1045[%parallel_loop3A_1046, %parallel_loop3A_1047] {strides = array<i32>} : memref<64x128xf32, #tpu.memory_space<vmem>>, vector<16xf32>,
        %parallel_loop3A_1049 = arith.constant 0 : i32
        %parallel_loop3A_1050 = arith.constant 0 : i32
        %parallel_loop3A_1051 = tpu.memref_slice %arg11[%parallel_loop3A_138, %parallel_loop3A_1049, %parallel_loop3A_1050] : memref<2x64x128xf32, #tpu.memory_space<vmem>> -> memref<1x64x128xf32, #tpu.memory_space<vmem>>
        %parallel_loop3A_1052 = tpu.memref_squeeze %parallel_loop3A_1051 : memref<1x64x128xf32, #tpu.memory_space<vmem>> -> memref<64x128xf32, #tpu.memory_space<vmem>>
        %parallel_loop3A_1053 = arith.index_cast %parallel_loop3A_590 : i32 to index
        %parallel_loop3A_1054 = arith.constant 112 : index
        %parallel_loop3A_1055 = tpu.vector_load %parallel_loop3A_1052[%parallel_loop3A_1053, %parallel_loop3A_1054] {strides = array<i32>} : memref<64x128xf32, #tpu.memory_space<vmem>>, vector<16xf32>,
        %parallel_loop3A_1056 = arith.constant 0 : i32
        %parallel_loop3A_1057 = arith.constant 0 : i32
        %parallel_loop3A_1058 = tpu.memref_slice %arg13[%parallel_loop3A_139, %parallel_loop3A_1056, %parallel_loop3A_1057] : memref<2x64x128xf32, #tpu.memory_space<vmem>> -> memref<1x64x128xf32, #tpu.memory_space<vmem>>
        %parallel_loop3A_1059 = tpu.memref_squeeze %parallel_loop3A_1058 : memref<1x64x128xf32, #tpu.memory_space<vmem>> -> memref<64x128xf32, #tpu.memory_space<vmem>>
        %parallel_loop3A_1060 = arith.index_cast %parallel_loop3A_590 : i32 to index
        %parallel_loop3A_1061 = arith.constant 112 : index
        %parallel_loop3A_1062 = tpu.vector_load %parallel_loop3A_1059[%parallel_loop3A_1060, %parallel_loop3A_1061] {strides = array<i32>} : memref<64x128xf32, #tpu.memory_space<vmem>>, vector<16xf32>,
        %parallel_loop3A_1063 = arith.constant 0 : i32
        %parallel_loop3A_1064 = arith.constant 0 : i32
        %parallel_loop3A_1065 = tpu.memref_slice %arg12[%parallel_loop3A_140, %parallel_loop3A_1063, %parallel_loop3A_1064] : memref<2x64x128xf32, #tpu.memory_space<vmem>> -> memref<1x64x128xf32, #tpu.memory_space<vmem>>
        %parallel_loop3A_1066 = tpu.memref_squeeze %parallel_loop3A_1065 : memref<1x64x128xf32, #tpu.memory_space<vmem>> -> memref<64x128xf32, #tpu.memory_space<vmem>>
        %parallel_loop3A_1067 = arith.index_cast %parallel_loop3A_590 : i32 to index
        %parallel_loop3A_1068 = arith.constant 112 : index
        %parallel_loop3A_1069 = tpu.vector_load %parallel_loop3A_1066[%parallel_loop3A_1067, %parallel_loop3A_1068] {strides = array<i32>} : memref<64x128xf32, #tpu.memory_space<vmem>>, vector<16xf32>,
        %parallel_loop3A_1070 = arith.subf %parallel_loop3A_1048, %parallel_loop3A_1055 : vector<16xf32>
        %parallel_loop3A_1071 = arith.addf %parallel_loop3A_1070, %parallel_loop3A_1069 : vector<16xf32>
        %parallel_loop3A_1072 = arith.mulf %parallel_loop3A_810, %parallel_loop3A_1062 : vector<16xf32>
        %parallel_loop3A_1073 = arith.subf %parallel_loop3A_1071, %parallel_loop3A_1072 : vector<16xf32>
        %parallel_loop3A_1074 = arith.mulf %parallel_loop3A_1073, %parallel_loop3A_1073 : vector<16xf32>
        %parallel_loop3A_1075 = arith.addf %parallel_loop3A_843, %parallel_loop3A_876 : vector<16xf32>
        %parallel_loop3A_1076 = arith.addf %parallel_loop3A_909, %parallel_loop3A_942 : vector<16xf32>
        %parallel_loop3A_1077 = arith.addf %parallel_loop3A_975, %parallel_loop3A_1008 : vector<16xf32>
        %parallel_loop3A_1078 = arith.addf %parallel_loop3A_1041, %parallel_loop3A_1074 : vector<16xf32>
        %parallel_loop3A_1079 = arith.addf %parallel_loop3A_1075, %parallel_loop3A_1076 : vector<16xf32>
        %parallel_loop3A_1080 = arith.addf %parallel_loop3A_1077, %parallel_loop3A_1078 : vector<16xf32>
        %parallel_loop3A_1081 = arith.addf %parallel_loop3A_1079, %parallel_loop3A_1080 : vector<16xf32>
        %parallel_loop3A_1082 = tpu.iota {dimensions = array<i32: 0>} : vector<16xi32>
        %parallel_loop3A_1083 = arith.constant 8 : i32
        %parallel_loop3A_1084 = vector.broadcast %parallel_loop3A_1083 : i32 to vector<16xi32>
        %parallel_loop3A_1085 = arith.xori %parallel_loop3A_1082, %parallel_loop3A_1084 : vector<16xi32>
        %parallel_loop3A_1086 = vector.shape_cast %parallel_loop3A_1085 : vector<16xi32> to vector<16x1xi32>
        %parallel_loop3A_1087 = vector.shape_cast %parallel_loop3A_1086 : vector<16x1xi32> to vector<16xi32>
        %parallel_loop3A_1088 = tpu.dynamic_gather %parallel_loop3A_1081[%parallel_loop3A_1087] in [0] : vector<16xf32>, vector<16xi32> -> vector<16xf32>
        %parallel_loop3A_1089 = arith.addf %parallel_loop3A_1081, %parallel_loop3A_1088 : vector<16xf32>
        %parallel_loop3A_1090 = arith.constant 4 : i32
        %parallel_loop3A_1091 = vector.broadcast %parallel_loop3A_1090 : i32 to vector<16xi32>
        %parallel_loop3A_1092 = arith.xori %parallel_loop3A_1082, %parallel_loop3A_1091 : vector<16xi32>
        %parallel_loop3A_1093 = vector.shape_cast %parallel_loop3A_1092 : vector<16xi32> to vector<16x1xi32>
        %parallel_loop3A_1094 = vector.shape_cast %parallel_loop3A_1093 : vector<16x1xi32> to vector<16xi32>
        %parallel_loop3A_1095 = tpu.dynamic_gather %parallel_loop3A_1089[%parallel_loop3A_1094] in [0] : vector<16xf32>, vector<16xi32> -> vector<16xf32>
        %parallel_loop3A_1096 = arith.addf %parallel_loop3A_1089, %parallel_loop3A_1095 : vector<16xf32>
        %parallel_loop3A_1097 = arith.constant 2 : i32
        %parallel_loop3A_1098 = vector.broadcast %parallel_loop3A_1097 : i32 to vector<16xi32>
        %parallel_loop3A_1099 = arith.xori %parallel_loop3A_1082, %parallel_loop3A_1098 : vector<16xi32>
        %parallel_loop3A_1100 = vector.shape_cast %parallel_loop3A_1099 : vector<16xi32> to vector<16x1xi32>
        %parallel_loop3A_1101 = vector.shape_cast %parallel_loop3A_1100 : vector<16x1xi32> to vector<16xi32>
        %parallel_loop3A_1102 = tpu.dynamic_gather %parallel_loop3A_1096[%parallel_loop3A_1101] in [0] : vector<16xf32>, vector<16xi32> -> vector<16xf32>
        %parallel_loop3A_1103 = arith.addf %parallel_loop3A_1096, %parallel_loop3A_1102 : vector<16xf32>
        %parallel_loop3A_1104 = arith.constant 1 : i32
        %parallel_loop3A_1105 = vector.broadcast %parallel_loop3A_1104 : i32 to vector<16xi32>
        %parallel_loop3A_1106 = arith.xori %parallel_loop3A_1082, %parallel_loop3A_1105 : vector<16xi32>
        %parallel_loop3A_1107 = vector.shape_cast %parallel_loop3A_1106 : vector<16xi32> to vector<16x1xi32>
        %parallel_loop3A_1108 = vector.shape_cast %parallel_loop3A_1107 : vector<16x1xi32> to vector<16xi32>
        %parallel_loop3A_1109 = tpu.dynamic_gather %parallel_loop3A_1103[%parallel_loop3A_1108] in [0] : vector<16xf32>, vector<16xi32> -> vector<16xf32>
        %parallel_loop3A_1110 = arith.addf %parallel_loop3A_1103, %parallel_loop3A_1109 : vector<16xf32>
        %parallel_loop3A_1111 = arith.index_cast %parallel_loop3A_590 : i32 to index
        %parallel_loop3A_1112 = arith.constant 0 : index
        %parallel_loop3A_1113 = tpu.vector_load %arg15[%parallel_loop3A_1111, %parallel_loop3A_1112] {strides = array<i32>} : memref<64x16xf32, #tpu.memory_space<vmem>>, vector<16xf32>,
        tpu.vector_store %arg15[%parallel_loop3A_1111, %parallel_loop3A_1112], %parallel_loop3A_1110 {strides = array<i32>} : memref<64x16xf32, #tpu.memory_space<vmem>>, vector<16xf32>,
      } {sc.loop_unroll_factor = 4 : i64, sc.parallel_access}
      %iota3A = tpu.iota {dimensions = array<i32: 0>} : vector<16xi32>
      %add3A_141 = arith.constant 0 : i32
      %add3A_142 = vector.broadcast %add3A_141 : i32 to vector<16xi32>
      %add3A_143 = arith.addi %add3A_142, %iota3A : vector<16xi32>
      %gather3A = tpu.vector_load_idx %arg15[%add3A_143, %iota3A] : memref<64x16xf32, #tpu.memory_space<vmem>>[vector<16xi32>, vector<16xi32>], vector<16xf32>,
      %max3A = arith.constant 1.000000e-30 : f32
      %max3A_144 = vector.broadcast %max3A : f32 to vector<16xf32>
      %max3A_145 = arith.maximumf %gather3A, %max3A_144 : vector<16xf32>
      %bitcast_convert_type3A = tpu.bitcast %max3A_145 : vector<16xf32> -> vector<16xi32>
      %shift_right_arithmetic3A = arith.constant 1 : i32
      %shift_right_arithmetic3A_146 = vector.broadcast %shift_right_arithmetic3A : i32 to vector<16xi32>
      %shift_right_arithmetic3A_147 = arith.shrsi %bitcast_convert_type3A, %shift_right_arithmetic3A_146 : vector<16xi32>
      %sub3A = arith.constant 1597463007 : i32
      %sub3A_148 = vector.broadcast %sub3A : i32 to vector<16xi32>
      %sub3A_149 = arith.subi %sub3A_148, %shift_right_arithmetic3A_147 : vector<16xi32>
      %bitcast_convert_type3A_150 = tpu.bitcast %sub3A_149 : vector<16xi32> -> vector<16xf32>
      %mul3A_151 = arith.constant 5.000000e-01 : f32
      %mul3A_152 = vector.broadcast %mul3A_151 : f32 to vector<16xf32>
      %mul3A_153 = arith.mulf %mul3A_152, %max3A_145 : vector<16xf32>
      %mul3A_154 = arith.mulf %mul3A_153, %bitcast_convert_type3A_150 : vector<16xf32>
      %mul3A_155 = arith.mulf %mul3A_154, %bitcast_convert_type3A_150 : vector<16xf32>
      %sub3A_156 = arith.constant 1.500000e+00 : f32
      %sub3A_157 = vector.broadcast %sub3A_156 : f32 to vector<16xf32>
      %sub3A_158 = arith.subf %sub3A_157, %mul3A_155 : vector<16xf32>
      %mul3A_159 = arith.mulf %bitcast_convert_type3A_150, %sub3A_158 : vector<16xf32>
      %mul3A_160 = arith.constant 5.000000e-01 : f32
      %mul3A_161 = vector.broadcast %mul3A_160 : f32 to vector<16xf32>
      %mul3A_162 = arith.mulf %mul3A_161, %max3A_145 : vector<16xf32>
      %mul3A_163 = arith.mulf %mul3A_162, %mul3A_159 : vector<16xf32>
      %mul3A_164 = arith.mulf %mul3A_163, %mul3A_159 : vector<16xf32>
      %sub3A_165 = arith.constant 1.500000e+00 : f32
      %sub3A_166 = vector.broadcast %sub3A_165 : f32 to vector<16xf32>
      %sub3A_167 = arith.subf %sub3A_166, %mul3A_164 : vector<16xf32>
      %mul3A_168 = arith.mulf %mul3A_159, %sub3A_167 : vector<16xf32>
      %mul3A_169 = arith.constant 5.000000e-01 : f32
      %mul3A_170 = vector.broadcast %mul3A_169 : f32 to vector<16xf32>
      %mul3A_171 = arith.mulf %mul3A_170, %max3A_145 : vector<16xf32>
      %mul3A_172 = arith.mulf %mul3A_171, %mul3A_168 : vector<16xf32>
      %mul3A_173 = arith.mulf %mul3A_172, %mul3A_168 : vector<16xf32>
      %sub3A_174 = arith.constant 1.500000e+00 : f32
      %sub3A_175 = vector.broadcast %sub3A_174 : f32 to vector<16xf32>
      %sub3A_176 = arith.subf %sub3A_175, %mul3A_173 : vector<16xf32>
      %mul3A_177 = arith.mulf %mul3A_168, %sub3A_176 : vector<16xf32>
      %mul3A_178 = arith.mulf %max3A_145, %mul3A_177 : vector<16xf32>
      %neg3A = arith.constant 0.000000e+00 : f32
      %neg3A_179 = vector.broadcast %neg3A : f32 to vector<16xf32>
      %neg3A_180 = arith.subf %neg3A_179, %mul3A_178 : vector<16xf32>
      %add3A_181 = arith.constant 0 : i32
      %add3A_182 = arith.addi %mul3A_134, %add3A_181 : i32
      %swap3A = arith.index_cast %add3A_182 : i32 to index
      %swap3A_183 = tpu.vector_load %arg14[%swap3A] {strides = array<i32>} : memref<512xf32, #tpu.memory_space<vmem>>, vector<16xf32>,
      tpu.vector_store %arg14[%swap3A], %neg3A_180 {strides = array<i32>} : memref<512xf32, #tpu.memory_space<vmem>>, vector<16xf32>,
      %add3A_184 = arith.constant 16 : i32
      %add3A_185 = vector.broadcast %add3A_184 : i32 to vector<16xi32>
      %add3A_186 = arith.addi %add3A_185, %iota3A : vector<16xi32>
      %gather3A_187 = tpu.vector_load_idx %arg15[%add3A_186, %iota3A] : memref<64x16xf32, #tpu.memory_space<vmem>>[vector<16xi32>, vector<16xi32>], vector<16xf32>,
      %max3A_188 = arith.constant 1.000000e-30 : f32
      %max3A_189 = vector.broadcast %max3A_188 : f32 to vector<16xf32>
      %max3A_190 = arith.maximumf %gather3A_187, %max3A_189 : vector<16xf32>
      %bitcast_convert_type3A_191 = tpu.bitcast %max3A_190 : vector<16xf32> -> vector<16xi32>
      %shift_right_arithmetic3A_192 = arith.constant 1 : i32
      %shift_right_arithmetic3A_193 = vector.broadcast %shift_right_arithmetic3A_192 : i32 to vector<16xi32>
      %shift_right_arithmetic3A_194 = arith.shrsi %bitcast_convert_type3A_191, %shift_right_arithmetic3A_193 : vector<16xi32>
      %sub3A_195 = arith.constant 1597463007 : i32
      %sub3A_196 = vector.broadcast %sub3A_195 : i32 to vector<16xi32>
      %sub3A_197 = arith.subi %sub3A_196, %shift_right_arithmetic3A_194 : vector<16xi32>
      %bitcast_convert_type3A_198 = tpu.bitcast %sub3A_197 : vector<16xi32> -> vector<16xf32>
      %mul3A_199 = arith.constant 5.000000e-01 : f32
      %mul3A_200 = vector.broadcast %mul3A_199 : f32 to vector<16xf32>
      %mul3A_201 = arith.mulf %mul3A_200, %max3A_190 : vector<16xf32>
      %mul3A_202 = arith.mulf %mul3A_201, %bitcast_convert_type3A_198 : vector<16xf32>
      %mul3A_203 = arith.mulf %mul3A_202, %bitcast_convert_type3A_198 : vector<16xf32>
      %sub3A_204 = arith.constant 1.500000e+00 : f32
      %sub3A_205 = vector.broadcast %sub3A_204 : f32 to vector<16xf32>
      %sub3A_206 = arith.subf %sub3A_205, %mul3A_203 : vector<16xf32>
      %mul3A_207 = arith.mulf %bitcast_convert_type3A_198, %sub3A_206 : vector<16xf32>
      %mul3A_208 = arith.constant 5.000000e-01 : f32
      %mul3A_209 = vector.broadcast %mul3A_208 : f32 to vector<16xf32>
      %mul3A_210 = arith.mulf %mul3A_209, %max3A_190 : vector<16xf32>
      %mul3A_211 = arith.mulf %mul3A_210, %mul3A_207 : vector<16xf32>
      %mul3A_212 = arith.mulf %mul3A_211, %mul3A_207 : vector<16xf32>
      %sub3A_213 = arith.constant 1.500000e+00 : f32
      %sub3A_214 = vector.broadcast %sub3A_213 : f32 to vector<16xf32>
      %sub3A_215 = arith.subf %sub3A_214, %mul3A_212 : vector<16xf32>
      %mul3A_216 = arith.mulf %mul3A_207, %sub3A_215 : vector<16xf32>
      %mul3A_217 = arith.constant 5.000000e-01 : f32
      %mul3A_218 = vector.broadcast %mul3A_217 : f32 to vector<16xf32>
      %mul3A_219 = arith.mulf %mul3A_218, %max3A_190 : vector<16xf32>
      %mul3A_220 = arith.mulf %mul3A_219, %mul3A_216 : vector<16xf32>
      %mul3A_221 = arith.mulf %mul3A_220, %mul3A_216 : vector<16xf32>
      %sub3A_222 = arith.constant 1.500000e+00 : f32
      %sub3A_223 = vector.broadcast %sub3A_222 : f32 to vector<16xf32>
      %sub3A_224 = arith.subf %sub3A_223, %mul3A_221 : vector<16xf32>
      %mul3A_225 = arith.mulf %mul3A_216, %sub3A_224 : vector<16xf32>
      %mul3A_226 = arith.mulf %max3A_190, %mul3A_225 : vector<16xf32>
      %neg3A_227 = arith.constant 0.000000e+00 : f32
      %neg3A_228 = vector.broadcast %neg3A_227 : f32 to vector<16xf32>
      %neg3A_229 = arith.subf %neg3A_228, %mul3A_226 : vector<16xf32>
      %add3A_230 = arith.constant 16 : i32
      %add3A_231 = arith.addi %mul3A_134, %add3A_230 : i32
      %swap3A_232 = arith.index_cast %add3A_231 : i32 to index
      %swap3A_233 = tpu.vector_load %arg14[%swap3A_232] {strides = array<i32>} : memref<512xf32, #tpu.memory_space<vmem>>, vector<16xf32>,
      tpu.vector_store %arg14[%swap3A_232], %neg3A_229 {strides = array<i32>} : memref<512xf32, #tpu.memory_space<vmem>>, vector<16xf32>,
      %add3A_234 = arith.constant 32 : i32
      %add3A_235 = vector.broadcast %add3A_234 : i32 to vector<16xi32>
      %add3A_236 = arith.addi %add3A_235, %iota3A : vector<16xi32>
      %gather3A_237 = tpu.vector_load_idx %arg15[%add3A_236, %iota3A] : memref<64x16xf32, #tpu.memory_space<vmem>>[vector<16xi32>, vector<16xi32>], vector<16xf32>,
      %max3A_238 = arith.constant 1.000000e-30 : f32
      %max3A_239 = vector.broadcast %max3A_238 : f32 to vector<16xf32>
      %max3A_240 = arith.maximumf %gather3A_237, %max3A_239 : vector<16xf32>
      %bitcast_convert_type3A_241 = tpu.bitcast %max3A_240 : vector<16xf32> -> vector<16xi32>
      %shift_right_arithmetic3A_242 = arith.constant 1 : i32
      %shift_right_arithmetic3A_243 = vector.broadcast %shift_right_arithmetic3A_242 : i32 to vector<16xi32>
      %shift_right_arithmetic3A_244 = arith.shrsi %bitcast_convert_type3A_241, %shift_right_arithmetic3A_243 : vector<16xi32>
      %sub3A_245 = arith.constant 1597463007 : i32
      %sub3A_246 = vector.broadcast %sub3A_245 : i32 to vector<16xi32>
      %sub3A_247 = arith.subi %sub3A_246, %shift_right_arithmetic3A_244 : vector<16xi32>
      %bitcast_convert_type3A_248 = tpu.bitcast %sub3A_247 : vector<16xi32> -> vector<16xf32>
      %mul3A_249 = arith.constant 5.000000e-01 : f32
      %mul3A_250 = vector.broadcast %mul3A_249 : f32 to vector<16xf32>
      %mul3A_251 = arith.mulf %mul3A_250, %max3A_240 : vector<16xf32>
      %mul3A_252 = arith.mulf %mul3A_251, %bitcast_convert_type3A_248 : vector<16xf32>
      %mul3A_253 = arith.mulf %mul3A_252, %bitcast_convert_type3A_248 : vector<16xf32>
      %sub3A_254 = arith.constant 1.500000e+00 : f32
      %sub3A_255 = vector.broadcast %sub3A_254 : f32 to vector<16xf32>
      %sub3A_256 = arith.subf %sub3A_255, %mul3A_253 : vector<16xf32>
      %mul3A_257 = arith.mulf %bitcast_convert_type3A_248, %sub3A_256 : vector<16xf32>
      %mul3A_258 = arith.constant 5.000000e-01 : f32
      %mul3A_259 = vector.broadcast %mul3A_258 : f32 to vector<16xf32>
      %mul3A_260 = arith.mulf %mul3A_259, %max3A_240 : vector<16xf32>
      %mul3A_261 = arith.mulf %mul3A_260, %mul3A_257 : vector<16xf32>
      %mul3A_262 = arith.mulf %mul3A_261, %mul3A_257 : vector<16xf32>
      %sub3A_263 = arith.constant 1.500000e+00 : f32
      %sub3A_264 = vector.broadcast %sub3A_263 : f32 to vector<16xf32>
      %sub3A_265 = arith.subf %sub3A_264, %mul3A_262 : vector<16xf32>
      %mul3A_266 = arith.mulf %mul3A_257, %sub3A_265 : vector<16xf32>
      %mul3A_267 = arith.constant 5.000000e-01 : f32
      %mul3A_268 = vector.broadcast %mul3A_267 : f32 to vector<16xf32>
      %mul3A_269 = arith.mulf %mul3A_268, %max3A_240 : vector<16xf32>
      %mul3A_270 = arith.mulf %mul3A_269, %mul3A_266 : vector<16xf32>
      %mul3A_271 = arith.mulf %mul3A_270, %mul3A_266 : vector<16xf32>
      %sub3A_272 = arith.constant 1.500000e+00 : f32
      %sub3A_273 = vector.broadcast %sub3A_272 : f32 to vector<16xf32>
      %sub3A_274 = arith.subf %sub3A_273, %mul3A_271 : vector<16xf32>
      %mul3A_275 = arith.mulf %mul3A_266, %sub3A_274 : vector<16xf32>
      %mul3A_276 = arith.mulf %max3A_240, %mul3A_275 : vector<16xf32>
      %neg3A_277 = arith.constant 0.000000e+00 : f32
      %neg3A_278 = vector.broadcast %neg3A_277 : f32 to vector<16xf32>
      %neg3A_279 = arith.subf %neg3A_278, %mul3A_276 : vector<16xf32>
      %add3A_280 = arith.constant 32 : i32
      %add3A_281 = arith.addi %mul3A_134, %add3A_280 : i32
      %swap3A_282 = arith.index_cast %add3A_281 : i32 to index
      %swap3A_283 = tpu.vector_load %arg14[%swap3A_282] {strides = array<i32>} : memref<512xf32, #tpu.memory_space<vmem>>, vector<16xf32>,
      tpu.vector_store %arg14[%swap3A_282], %neg3A_279 {strides = array<i32>} : memref<512xf32, #tpu.memory_space<vmem>>, vector<16xf32>,
      %add3A_284 = arith.constant 48 : i32
      %add3A_285 = vector.broadcast %add3A_284 : i32 to vector<16xi32>
      %add3A_286 = arith.addi %add3A_285, %iota3A : vector<16xi32>
      %gather3A_287 = tpu.vector_load_idx %arg15[%add3A_286, %iota3A] : memref<64x16xf32, #tpu.memory_space<vmem>>[vector<16xi32>, vector<16xi32>], vector<16xf32>,
      %max3A_288 = arith.constant 1.000000e-30 : f32
      %max3A_289 = vector.broadcast %max3A_288 : f32 to vector<16xf32>
      %max3A_290 = arith.maximumf %gather3A_287, %max3A_289 : vector<16xf32>
      %bitcast_convert_type3A_291 = tpu.bitcast %max3A_290 : vector<16xf32> -> vector<16xi32>
      %shift_right_arithmetic3A_292 = arith.constant 1 : i32
      %shift_right_arithmetic3A_293 = vector.broadcast %shift_right_arithmetic3A_292 : i32 to vector<16xi32>
      %shift_right_arithmetic3A_294 = arith.shrsi %bitcast_convert_type3A_291, %shift_right_arithmetic3A_293 : vector<16xi32>
      %sub3A_295 = arith.constant 1597463007 : i32
      %sub3A_296 = vector.broadcast %sub3A_295 : i32 to vector<16xi32>
      %sub3A_297 = arith.subi %sub3A_296, %shift_right_arithmetic3A_294 : vector<16xi32>
      %bitcast_convert_type3A_298 = tpu.bitcast %sub3A_297 : vector<16xi32> -> vector<16xf32>
      %mul3A_299 = arith.constant 5.000000e-01 : f32
      %mul3A_300 = vector.broadcast %mul3A_299 : f32 to vector<16xf32>
      %mul3A_301 = arith.mulf %mul3A_300, %max3A_290 : vector<16xf32>
      %mul3A_302 = arith.mulf %mul3A_301, %bitcast_convert_type3A_298 : vector<16xf32>
      %mul3A_303 = arith.mulf %mul3A_302, %bitcast_convert_type3A_298 : vector<16xf32>
      %sub3A_304 = arith.constant 1.500000e+00 : f32
      %sub3A_305 = vector.broadcast %sub3A_304 : f32 to vector<16xf32>
      %sub3A_306 = arith.subf %sub3A_305, %mul3A_303 : vector<16xf32>
      %mul3A_307 = arith.mulf %bitcast_convert_type3A_298, %sub3A_306 : vector<16xf32>
      %mul3A_308 = arith.constant 5.000000e-01 : f32
      %mul3A_309 = vector.broadcast %mul3A_308 : f32 to vector<16xf32>
      %mul3A_310 = arith.mulf %mul3A_309, %max3A_290 : vector<16xf32>
      %mul3A_311 = arith.mulf %mul3A_310, %mul3A_307 : vector<16xf32>
      %mul3A_312 = arith.mulf %mul3A_311, %mul3A_307 : vector<16xf32>
      %sub3A_313 = arith.constant 1.500000e+00 : f32
      %sub3A_314 = vector.broadcast %sub3A_313 : f32 to vector<16xf32>
      %sub3A_315 = arith.subf %sub3A_314, %mul3A_312 : vector<16xf32>
      %mul3A_316 = arith.mulf %mul3A_307, %sub3A_315 : vector<16xf32>
      %mul3A_317 = arith.constant 5.000000e-01 : f32
      %mul3A_318 = vector.broadcast %mul3A_317 : f32 to vector<16xf32>
      %mul3A_319 = arith.mulf %mul3A_318, %max3A_290 : vector<16xf32>
      %mul3A_320 = arith.mulf %mul3A_319, %mul3A_316 : vector<16xf32>
      %mul3A_321 = arith.mulf %mul3A_320, %mul3A_316 : vector<16xf32>
      %sub3A_322 = arith.constant 1.500000e+00 : f32
      %sub3A_323 = vector.broadcast %sub3A_322 : f32 to vector<16xf32>
      %sub3A_324 = arith.subf %sub3A_323, %mul3A_321 : vector<16xf32>
      %mul3A_325 = arith.mulf %mul3A_316, %sub3A_324 : vector<16xf32>
      %mul3A_326 = arith.mulf %max3A_290, %mul3A_325 : vector<16xf32>
      %neg3A_327 = arith.constant 0.000000e+00 : f32
      %neg3A_328 = vector.broadcast %neg3A_327 : f32 to vector<16xf32>
      %neg3A_329 = arith.subf %neg3A_328, %mul3A_326 : vector<16xf32>
      %add3A_330 = arith.constant 48 : i32
      %add3A_331 = arith.addi %mul3A_134, %add3A_330 : i32
      %swap3A_332 = arith.index_cast %add3A_331 : i32 to index
      %swap3A_333 = tpu.vector_load %arg14[%swap3A_332] {strides = array<i32>} : memref<512xf32, #tpu.memory_space<vmem>>, vector<16xf32>,
      tpu.vector_store %arg14[%swap3A_332], %neg3A_329 {strides = array<i32>} : memref<512xf32, #tpu.memory_space<vmem>>, vector<16xf32>,
      %dma_wait3A_334 = arith.constant 1 : i32
      %dma_wait3A_335 = arith.constant 0 : i32
      %dma_wait3A_336 = arith.constant 0 : i32
      %dma_wait3A_337 = tpu.memref_slice %arg10[%dma_wait3A_334, %dma_wait3A_335, %dma_wait3A_336] : memref<2x64x128xf32, #tpu.memory_space<vmem>> -> memref<1x64x128xf32, #tpu.memory_space<vmem>>
      %dma_wait3A_338 = tpu.memref_squeeze %dma_wait3A_337 : memref<1x64x128xf32, #tpu.memory_space<vmem>> -> memref<64x128xf32, #tpu.memory_space<vmem>>
      %dma_wait3A_339 = arith.constant 0 : i32
      %dma_wait3A_340 = tpu.memref_slice %arg7[%dma_wait3A_339] : memref<512xi32, #tpu.memory_space<vmem>> -> memref<64xi32, #tpu.memory_space<vmem>>
      %dma_wait3A_341 = arith.constant 0 : i32
      %dma_wait3A_342 = arith.constant 0 : i32
      %dma_wait3A_343 = tpu.memref_slice %arg3[%dma_wait3A_341, %dma_wait3A_342] : memref<100000x128xf32, #tpu.memory_space<hbm>> -> memref<100000x128xf32, #tpu.memory_space<hbm>>
      tpu.wait_indirect_dma semaphore(%arg17 : memref<!tpu.dma_semaphore, #tpu.memory_space<semaphore_mem>>) src(%dma_wait3A_343 : memref<100000x128xf32, #tpu.memory_space<hbm>>) dst(%dma_wait3A_338 : memref<64x128xf32, #tpu.memory_space<vmem>>)
      %dma_wait3A_344 = arith.constant 1 : i32
      %dma_wait3A_345 = arith.constant 0 : i32
      %dma_wait3A_346 = arith.constant 0 : i32
      %dma_wait3A_347 = tpu.memref_slice %arg11[%dma_wait3A_344, %dma_wait3A_345, %dma_wait3A_346] : memref<2x64x128xf32, #tpu.memory_space<vmem>> -> memref<1x64x128xf32, #tpu.memory_space<vmem>>
      %dma_wait3A_348 = tpu.memref_squeeze %dma_wait3A_347 : memref<1x64x128xf32, #tpu.memory_space<vmem>> -> memref<64x128xf32, #tpu.memory_space<vmem>>
      %dma_wait3A_349 = arith.constant 0 : i32
      %dma_wait3A_350 = tpu.memref_slice %arg7[%dma_wait3A_349] : memref<512xi32, #tpu.memory_space<vmem>> -> memref<64xi32, #tpu.memory_space<vmem>>
      %dma_wait3A_351 = arith.constant 0 : i32
      %dma_wait3A_352 = arith.constant 0 : i32
      %dma_wait3A_353 = tpu.memref_slice %arg3[%dma_wait3A_351, %dma_wait3A_352] : memref<100000x128xf32, #tpu.memory_space<hbm>> -> memref<100000x128xf32, #tpu.memory_space<hbm>>
      tpu.wait_indirect_dma semaphore(%arg17 : memref<!tpu.dma_semaphore, #tpu.memory_space<semaphore_mem>>) src(%dma_wait3A_353 : memref<100000x128xf32, #tpu.memory_space<hbm>>) dst(%dma_wait3A_348 : memref<64x128xf32, #tpu.memory_space<vmem>>)
      %dma_wait3A_354 = arith.constant 1 : i32
      %dma_wait3A_355 = arith.constant 0 : i32
      %dma_wait3A_356 = arith.constant 0 : i32
      %dma_wait3A_357 = tpu.memref_slice %arg12[%dma_wait3A_354, %dma_wait3A_355, %dma_wait3A_356] : memref<2x64x128xf32, #tpu.memory_space<vmem>> -> memref<1x64x128xf32, #tpu.memory_space<vmem>>
      %dma_wait3A_358 = tpu.memref_squeeze %dma_wait3A_357 : memref<1x64x128xf32, #tpu.memory_space<vmem>> -> memref<64x128xf32, #tpu.memory_space<vmem>>
      %dma_wait3A_359 = arith.constant 0 : i32
      %dma_wait3A_360 = tpu.memref_slice %arg7[%dma_wait3A_359] : memref<512xi32, #tpu.memory_space<vmem>> -> memref<64xi32, #tpu.memory_space<vmem>>
      %dma_wait3A_361 = arith.constant 0 : i32
      %dma_wait3A_362 = arith.constant 0 : i32
      %dma_wait3A_363 = tpu.memref_slice %arg4[%dma_wait3A_361, %dma_wait3A_362] : memref<100000x128xf32, #tpu.memory_space<hbm>> -> memref<100000x128xf32, #tpu.memory_space<hbm>>
      tpu.wait_indirect_dma semaphore(%arg17 : memref<!tpu.dma_semaphore, #tpu.memory_space<semaphore_mem>>) src(%dma_wait3A_363 : memref<100000x128xf32, #tpu.memory_space<hbm>>) dst(%dma_wait3A_358 : memref<64x128xf32, #tpu.memory_space<vmem>>)
      %dma_wait3A_364 = arith.constant 1 : i32
      %dma_wait3A_365 = arith.constant 0 : i32
      %dma_wait3A_366 = arith.constant 0 : i32
      %dma_wait3A_367 = tpu.memref_slice %arg13[%dma_wait3A_364, %dma_wait3A_365, %dma_wait3A_366] : memref<2x64x128xf32, #tpu.memory_space<vmem>> -> memref<1x64x128xf32, #tpu.memory_space<vmem>>
      %dma_wait3A_368 = tpu.memref_squeeze %dma_wait3A_367 : memref<1x64x128xf32, #tpu.memory_space<vmem>> -> memref<64x128xf32, #tpu.memory_space<vmem>>
      %dma_wait3A_369 = arith.constant 0 : i32
      %dma_wait3A_370 = tpu.memref_slice %arg7[%dma_wait3A_369] : memref<512xi32, #tpu.memory_space<vmem>> -> memref<64xi32, #tpu.memory_space<vmem>>
      %dma_wait3A_371 = arith.constant 0 : i32
      %dma_wait3A_372 = arith.constant 0 : i32
      %dma_wait3A_373 = tpu.memref_slice %arg5[%dma_wait3A_371, %dma_wait3A_372] : memref<100000x128xf32, #tpu.memory_space<hbm>> -> memref<100000x128xf32, #tpu.memory_space<hbm>>
      tpu.wait_indirect_dma semaphore(%arg17 : memref<!tpu.dma_semaphore, #tpu.memory_space<semaphore_mem>>) src(%dma_wait3A_373 : memref<100000x128xf32, #tpu.memory_space<hbm>>) dst(%dma_wait3A_368 : memref<64x128xf32, #tpu.memory_space<vmem>>)
      %add3A_374 = arith.constant 2 : i32
      %add3A_375 = arith.addi %mul3A_53, %add3A_374 : i32
      %lt3A = arith.constant 8 : i32
      %lt3A_376 = arith.cmpi slt, %add3A_375, %lt3A : i32
      %convert_element_type3A = arith.extui %lt3A_376 : i1 to i32
      %cond3A = arith.constant 0 : i32
      %cond3A_377 = arith.cmpi ne, %convert_element_type3A, %cond3A : i32
      scf.if %cond3A_377 {
        %add3A_590 = arith.constant 2 : i32
        %add3A_591 = arith.addi %mul3A_53, %add3A_590 : i32
        %mul3A_592 = arith.constant 64 : i32
        %mul3A_593 = arith.muli %add3A_591, %mul3A_592 : i32
        %dma_start3A_594 = arith.constant 0 : i32
        %dma_start3A_595 = arith.constant 0 : i32
        %dma_start3A_596 = arith.constant 0 : i32
        %dma_start3A_597 = tpu.memref_slice %arg10[%dma_start3A_594, %dma_start3A_595, %dma_start3A_596] : memref<2x64x128xf32, #tpu.memory_space<vmem>> -> memref<1x64x128xf32, #tpu.memory_space<vmem>>
        %dma_start3A_598 = tpu.memref_squeeze %dma_start3A_597 : memref<1x64x128xf32, #tpu.memory_space<vmem>> -> memref<64x128xf32, #tpu.memory_space<vmem>>
        %dma_start3A_599 = tpu.memref_slice %arg7[%mul3A_593] : memref<512xi32, #tpu.memory_space<vmem>> -> memref<64xi32, #tpu.memory_space<vmem>>
        %dma_start3A_600 = arith.constant 0 : i32
        %dma_start3A_601 = arith.constant 0 : i32
        %dma_start3A_602 = tpu.memref_slice %arg3[%dma_start3A_600, %dma_start3A_601] : memref<100000x128xf32, #tpu.memory_space<hbm>> -> memref<100000x128xf32, #tpu.memory_space<hbm>>
        tpu.enqueue_indirect_dma source(%dma_start3A_602 : memref<100000x128xf32, #tpu.memory_space<hbm>>) target(%dma_start3A_598 : memref<64x128xf32, #tpu.memory_space<vmem>>) offsets(%dma_start3A_599 : memref<64xi32, #tpu.memory_space<vmem>>) semaphore(%arg16 : memref<!tpu.dma_semaphore, #tpu.memory_space<semaphore_mem>>)
        %dma_start3A_603 = arith.constant 0 : i32
        %dma_start3A_604 = arith.constant 0 : i32
        %dma_start3A_605 = arith.constant 0 : i32
        %dma_start3A_606 = tpu.memref_slice %arg11[%dma_start3A_603, %dma_start3A_604, %dma_start3A_605] : memref<2x64x128xf32, #tpu.memory_space<vmem>> -> memref<1x64x128xf32, #tpu.memory_space<vmem>>
        %dma_start3A_607 = tpu.memref_squeeze %dma_start3A_606 : memref<1x64x128xf32, #tpu.memory_space<vmem>> -> memref<64x128xf32, #tpu.memory_space<vmem>>
        %dma_start3A_608 = tpu.memref_slice %arg9[%mul3A_593] : memref<512xi32, #tpu.memory_space<vmem>> -> memref<64xi32, #tpu.memory_space<vmem>>
        %dma_start3A_609 = arith.constant 0 : i32
        %dma_start3A_610 = arith.constant 0 : i32
        %dma_start3A_611 = tpu.memref_slice %arg3[%dma_start3A_609, %dma_start3A_610] : memref<100000x128xf32, #tpu.memory_space<hbm>> -> memref<100000x128xf32, #tpu.memory_space<hbm>>
        tpu.enqueue_indirect_dma source(%dma_start3A_611 : memref<100000x128xf32, #tpu.memory_space<hbm>>) target(%dma_start3A_607 : memref<64x128xf32, #tpu.memory_space<vmem>>) offsets(%dma_start3A_608 : memref<64xi32, #tpu.memory_space<vmem>>) semaphore(%arg16 : memref<!tpu.dma_semaphore, #tpu.memory_space<semaphore_mem>>)
        %dma_start3A_612 = arith.constant 0 : i32
        %dma_start3A_613 = arith.constant 0 : i32
        %dma_start3A_614 = arith.constant 0 : i32
        %dma_start3A_615 = tpu.memref_slice %arg12[%dma_start3A_612, %dma_start3A_613, %dma_start3A_614] : memref<2x64x128xf32, #tpu.memory_space<vmem>> -> memref<1x64x128xf32, #tpu.memory_space<vmem>>
        %dma_start3A_616 = tpu.memref_squeeze %dma_start3A_615 : memref<1x64x128xf32, #tpu.memory_space<vmem>> -> memref<64x128xf32, #tpu.memory_space<vmem>>
        %dma_start3A_617 = tpu.memref_slice %arg8[%mul3A_593] : memref<512xi32, #tpu.memory_space<vmem>> -> memref<64xi32, #tpu.memory_space<vmem>>
        %dma_start3A_618 = arith.constant 0 : i32
        %dma_start3A_619 = arith.constant 0 : i32
        %dma_start3A_620 = tpu.memref_slice %arg4[%dma_start3A_618, %dma_start3A_619] : memref<100000x128xf32, #tpu.memory_space<hbm>> -> memref<100000x128xf32, #tpu.memory_space<hbm>>
        tpu.enqueue_indirect_dma source(%dma_start3A_620 : memref<100000x128xf32, #tpu.memory_space<hbm>>) target(%dma_start3A_616 : memref<64x128xf32, #tpu.memory_space<vmem>>) offsets(%dma_start3A_617 : memref<64xi32, #tpu.memory_space<vmem>>) semaphore(%arg16 : memref<!tpu.dma_semaphore, #tpu.memory_space<semaphore_mem>>)
        %dma_start3A_621 = arith.constant 0 : i32
        %dma_start3A_622 = arith.constant 0 : i32
        %dma_start3A_623 = arith.constant 0 : i32
        %dma_start3A_624 = tpu.memref_slice %arg13[%dma_start3A_621, %dma_start3A_622, %dma_start3A_623] : memref<2x64x128xf32, #tpu.memory_space<vmem>> -> memref<1x64x128xf32, #tpu.memory_space<vmem>>
        %dma_start3A_625 = tpu.memref_squeeze %dma_start3A_624 : memref<1x64x128xf32, #tpu.memory_space<vmem>> -> memref<64x128xf32, #tpu.memory_space<vmem>>
        %dma_start3A_626 = tpu.memref_slice %arg8[%mul3A_593] : memref<512xi32, #tpu.memory_space<vmem>> -> memref<64xi32, #tpu.memory_space<vmem>>
        %dma_start3A_627 = arith.constant 0 : i32
        %dma_start3A_628 = arith.constant 0 : i32
        %dma_start3A_629 = tpu.memref_slice %arg5[%dma_start3A_627, %dma_start3A_628] : memref<100000x128xf32, #tpu.memory_space<hbm>> -> memref<100000x128xf32, #tpu.memory_space<hbm>>
        tpu.enqueue_indirect_dma source(%dma_start3A_629 : memref<100000x128xf32, #tpu.memory_space<hbm>>) target(%dma_start3A_625 : memref<64x128xf32, #tpu.memory_space<vmem>>) offsets(%dma_start3A_626 : memref<64xi32, #tpu.memory_space<vmem>>) semaphore(%arg16 : memref<!tpu.dma_semaphore, #tpu.memory_space<semaphore_mem>>)
      } else {
      }
      %add3A_378 = arith.constant 1 : i32
      %add3A_379 = arith.addi %mul3A_53, %add3A_378 : i32
      %mul3A_380 = arith.constant 64 : i32
      %mul3A_381 = arith.muli %add3A_379, %mul3A_380 : i32
      %parallel_loop3A_382 = arith.constant 0 : i32
      %parallel_loop3A_383 = arith.constant 64 : i32
      %parallel_loop3A_384 = arith.constant 1 : i32
      %parallel_loop3A_385 = arith.constant 1 : i32
      %parallel_loop3A_386 = arith.constant 1 : i32
      %parallel_loop3A_387 = arith.constant 1 : i32
      %parallel_loop3A_388 = arith.constant 1 : i32
      scf.for %parallel_loop3A_590 = %parallel_loop3A_382 to %parallel_loop3A_383 step %parallel_loop3A_384  : i32 {
        %parallel_loop3A_591 = arith.constant 0 : i32
        %parallel_loop3A_592 = arith.constant 0 : i32
        %parallel_loop3A_593 = tpu.memref_slice %arg10[%parallel_loop3A_385, %parallel_loop3A_591, %parallel_loop3A_592] : memref<2x64x128xf32, #tpu.memory_space<vmem>> -> memref<1x64x128xf32, #tpu.memory_space<vmem>>
        %parallel_loop3A_594 = tpu.memref_squeeze %parallel_loop3A_593 : memref<1x64x128xf32, #tpu.memory_space<vmem>> -> memref<64x128xf32, #tpu.memory_space<vmem>>
        %parallel_loop3A_595 = arith.index_cast %parallel_loop3A_590 : i32 to index
        %parallel_loop3A_596 = arith.constant 0 : index
        %parallel_loop3A_597 = tpu.vector_load %parallel_loop3A_594[%parallel_loop3A_595, %parallel_loop3A_596] {strides = array<i32>} : memref<64x128xf32, #tpu.memory_space<vmem>>, vector<16xf32>,
        %parallel_loop3A_598 = arith.constant 0 : i32
        %parallel_loop3A_599 = arith.constant 0 : i32
        %parallel_loop3A_600 = tpu.memref_slice %arg11[%parallel_loop3A_386, %parallel_loop3A_598, %parallel_loop3A_599] : memref<2x64x128xf32, #tpu.memory_space<vmem>> -> memref<1x64x128xf32, #tpu.memory_space<vmem>>
        %parallel_loop3A_601 = tpu.memref_squeeze %parallel_loop3A_600 : memref<1x64x128xf32, #tpu.memory_space<vmem>> -> memref<64x128xf32, #tpu.memory_space<vmem>>
        %parallel_loop3A_602 = arith.index_cast %parallel_loop3A_590 : i32 to index
        %parallel_loop3A_603 = arith.constant 0 : index
        %parallel_loop3A_604 = tpu.vector_load %parallel_loop3A_601[%parallel_loop3A_602, %parallel_loop3A_603] {strides = array<i32>} : memref<64x128xf32, #tpu.memory_space<vmem>>, vector<16xf32>,
        %parallel_loop3A_605 = arith.constant 0 : i32
        %parallel_loop3A_606 = arith.constant 0 : i32
        %parallel_loop3A_607 = tpu.memref_slice %arg13[%parallel_loop3A_387, %parallel_loop3A_605, %parallel_loop3A_606] : memref<2x64x128xf32, #tpu.memory_space<vmem>> -> memref<1x64x128xf32, #tpu.memory_space<vmem>>
        %parallel_loop3A_608 = tpu.memref_squeeze %parallel_loop3A_607 : memref<1x64x128xf32, #tpu.memory_space<vmem>> -> memref<64x128xf32, #tpu.memory_space<vmem>>
        %parallel_loop3A_609 = arith.index_cast %parallel_loop3A_590 : i32 to index
        %parallel_loop3A_610 = arith.constant 0 : index
        %parallel_loop3A_611 = tpu.vector_load %parallel_loop3A_608[%parallel_loop3A_609, %parallel_loop3A_610] {strides = array<i32>} : memref<64x128xf32, #tpu.memory_space<vmem>>, vector<16xf32>,
        %parallel_loop3A_612 = arith.subf %parallel_loop3A_597, %parallel_loop3A_604 : vector<16xf32>
        %parallel_loop3A_613 = arith.mulf %parallel_loop3A_612, %parallel_loop3A_611 : vector<16xf32>
        %parallel_loop3A_614 = arith.constant 0 : i32
        %parallel_loop3A_615 = arith.constant 0 : i32
        %parallel_loop3A_616 = tpu.memref_slice %arg10[%parallel_loop3A_385, %parallel_loop3A_614, %parallel_loop3A_615] : memref<2x64x128xf32, #tpu.memory_space<vmem>> -> memref<1x64x128xf32, #tpu.memory_space<vmem>>
        %parallel_loop3A_617 = tpu.memref_squeeze %parallel_loop3A_616 : memref<1x64x128xf32, #tpu.memory_space<vmem>> -> memref<64x128xf32, #tpu.memory_space<vmem>>
        %parallel_loop3A_618 = arith.index_cast %parallel_loop3A_590 : i32 to index
        %parallel_loop3A_619 = arith.constant 16 : index
        %parallel_loop3A_620 = tpu.vector_load %parallel_loop3A_617[%parallel_loop3A_618, %parallel_loop3A_619] {strides = array<i32>} : memref<64x128xf32, #tpu.memory_space<vmem>>, vector<16xf32>,
        %parallel_loop3A_621 = arith.constant 0 : i32
        %parallel_loop3A_622 = arith.constant 0 : i32
        %parallel_loop3A_623 = tpu.memref_slice %arg11[%parallel_loop3A_386, %parallel_loop3A_621, %parallel_loop3A_622] : memref<2x64x128xf32, #tpu.memory_space<vmem>> -> memref<1x64x128xf32, #tpu.memory_space<vmem>>
        %parallel_loop3A_624 = tpu.memref_squeeze %parallel_loop3A_623 : memref<1x64x128xf32, #tpu.memory_space<vmem>> -> memref<64x128xf32, #tpu.memory_space<vmem>>
        %parallel_loop3A_625 = arith.index_cast %parallel_loop3A_590 : i32 to index
        %parallel_loop3A_626 = arith.constant 16 : index
        %parallel_loop3A_627 = tpu.vector_load %parallel_loop3A_624[%parallel_loop3A_625, %parallel_loop3A_626] {strides = array<i32>} : memref<64x128xf32, #tpu.memory_space<vmem>>, vector<16xf32>,
        %parallel_loop3A_628 = arith.constant 0 : i32
        %parallel_loop3A_629 = arith.constant 0 : i32
        %parallel_loop3A_630 = tpu.memref_slice %arg13[%parallel_loop3A_387, %parallel_loop3A_628, %parallel_loop3A_629] : memref<2x64x128xf32, #tpu.memory_space<vmem>> -> memref<1x64x128xf32, #tpu.memory_space<vmem>>
        %parallel_loop3A_631 = tpu.memref_squeeze %parallel_loop3A_630 : memref<1x64x128xf32, #tpu.memory_space<vmem>> -> memref<64x128xf32, #tpu.memory_space<vmem>>
        %parallel_loop3A_632 = arith.index_cast %parallel_loop3A_590 : i32 to index
        %parallel_loop3A_633 = arith.constant 16 : index
        %parallel_loop3A_634 = tpu.vector_load %parallel_loop3A_631[%parallel_loop3A_632, %parallel_loop3A_633] {strides = array<i32>} : memref<64x128xf32, #tpu.memory_space<vmem>>, vector<16xf32>,
        %parallel_loop3A_635 = arith.subf %parallel_loop3A_620, %parallel_loop3A_627 : vector<16xf32>
        %parallel_loop3A_636 = arith.mulf %parallel_loop3A_635, %parallel_loop3A_634 : vector<16xf32>
        %parallel_loop3A_637 = arith.constant 0 : i32
        %parallel_loop3A_638 = arith.constant 0 : i32
        %parallel_loop3A_639 = tpu.memref_slice %arg10[%parallel_loop3A_385, %parallel_loop3A_637, %parallel_loop3A_638] : memref<2x64x128xf32, #tpu.memory_space<vmem>> -> memref<1x64x128xf32, #tpu.memory_space<vmem>>
        %parallel_loop3A_640 = tpu.memref_squeeze %parallel_loop3A_639 : memref<1x64x128xf32, #tpu.memory_space<vmem>> -> memref<64x128xf32, #tpu.memory_space<vmem>>
        %parallel_loop3A_641 = arith.index_cast %parallel_loop3A_590 : i32 to index
        %parallel_loop3A_642 = arith.constant 32 : index
        %parallel_loop3A_643 = tpu.vector_load %parallel_loop3A_640[%parallel_loop3A_641, %parallel_loop3A_642] {strides = array<i32>} : memref<64x128xf32, #tpu.memory_space<vmem>>, vector<16xf32>,
        %parallel_loop3A_644 = arith.constant 0 : i32
        %parallel_loop3A_645 = arith.constant 0 : i32
        %parallel_loop3A_646 = tpu.memref_slice %arg11[%parallel_loop3A_386, %parallel_loop3A_644, %parallel_loop3A_645] : memref<2x64x128xf32, #tpu.memory_space<vmem>> -> memref<1x64x128xf32, #tpu.memory_space<vmem>>
        %parallel_loop3A_647 = tpu.memref_squeeze %parallel_loop3A_646 : memref<1x64x128xf32, #tpu.memory_space<vmem>> -> memref<64x128xf32, #tpu.memory_space<vmem>>
        %parallel_loop3A_648 = arith.index_cast %parallel_loop3A_590 : i32 to index
        %parallel_loop3A_649 = arith.constant 32 : index
        %parallel_loop3A_650 = tpu.vector_load %parallel_loop3A_647[%parallel_loop3A_648, %parallel_loop3A_649] {strides = array<i32>} : memref<64x128xf32, #tpu.memory_space<vmem>>, vector<16xf32>,
        %parallel_loop3A_651 = arith.constant 0 : i32
        %parallel_loop3A_652 = arith.constant 0 : i32
        %parallel_loop3A_653 = tpu.memref_slice %arg13[%parallel_loop3A_387, %parallel_loop3A_651, %parallel_loop3A_652] : memref<2x64x128xf32, #tpu.memory_space<vmem>> -> memref<1x64x128xf32, #tpu.memory_space<vmem>>
        %parallel_loop3A_654 = tpu.memref_squeeze %parallel_loop3A_653 : memref<1x64x128xf32, #tpu.memory_space<vmem>> -> memref<64x128xf32, #tpu.memory_space<vmem>>
        %parallel_loop3A_655 = arith.index_cast %parallel_loop3A_590 : i32 to index
        %parallel_loop3A_656 = arith.constant 32 : index
        %parallel_loop3A_657 = tpu.vector_load %parallel_loop3A_654[%parallel_loop3A_655, %parallel_loop3A_656] {strides = array<i32>} : memref<64x128xf32, #tpu.memory_space<vmem>>, vector<16xf32>,
        %parallel_loop3A_658 = arith.subf %parallel_loop3A_643, %parallel_loop3A_650 : vector<16xf32>
        %parallel_loop3A_659 = arith.mulf %parallel_loop3A_658, %parallel_loop3A_657 : vector<16xf32>
        %parallel_loop3A_660 = arith.constant 0 : i32
        %parallel_loop3A_661 = arith.constant 0 : i32
        %parallel_loop3A_662 = tpu.memref_slice %arg10[%parallel_loop3A_385, %parallel_loop3A_660, %parallel_loop3A_661] : memref<2x64x128xf32, #tpu.memory_space<vmem>> -> memref<1x64x128xf32, #tpu.memory_space<vmem>>
        %parallel_loop3A_663 = tpu.memref_squeeze %parallel_loop3A_662 : memref<1x64x128xf32, #tpu.memory_space<vmem>> -> memref<64x128xf32, #tpu.memory_space<vmem>>
        %parallel_loop3A_664 = arith.index_cast %parallel_loop3A_590 : i32 to index
        %parallel_loop3A_665 = arith.constant 48 : index
        %parallel_loop3A_666 = tpu.vector_load %parallel_loop3A_663[%parallel_loop3A_664, %parallel_loop3A_665] {strides = array<i32>} : memref<64x128xf32, #tpu.memory_space<vmem>>, vector<16xf32>,
        %parallel_loop3A_667 = arith.constant 0 : i32
        %parallel_loop3A_668 = arith.constant 0 : i32
        %parallel_loop3A_669 = tpu.memref_slice %arg11[%parallel_loop3A_386, %parallel_loop3A_667, %parallel_loop3A_668] : memref<2x64x128xf32, #tpu.memory_space<vmem>> -> memref<1x64x128xf32, #tpu.memory_space<vmem>>
        %parallel_loop3A_670 = tpu.memref_squeeze %parallel_loop3A_669 : memref<1x64x128xf32, #tpu.memory_space<vmem>> -> memref<64x128xf32, #tpu.memory_space<vmem>>
        %parallel_loop3A_671 = arith.index_cast %parallel_loop3A_590 : i32 to index
        %parallel_loop3A_672 = arith.constant 48 : index
        %parallel_loop3A_673 = tpu.vector_load %parallel_loop3A_670[%parallel_loop3A_671, %parallel_loop3A_672] {strides = array<i32>} : memref<64x128xf32, #tpu.memory_space<vmem>>, vector<16xf32>,
        %parallel_loop3A_674 = arith.constant 0 : i32
        %parallel_loop3A_675 = arith.constant 0 : i32
        %parallel_loop3A_676 = tpu.memref_slice %arg13[%parallel_loop3A_387, %parallel_loop3A_674, %parallel_loop3A_675] : memref<2x64x128xf32, #tpu.memory_space<vmem>> -> memref<1x64x128xf32, #tpu.memory_space<vmem>>
        %parallel_loop3A_677 = tpu.memref_squeeze %parallel_loop3A_676 : memref<1x64x128xf32, #tpu.memory_space<vmem>> -> memref<64x128xf32, #tpu.memory_space<vmem>>
        %parallel_loop3A_678 = arith.index_cast %parallel_loop3A_590 : i32 to index
        %parallel_loop3A_679 = arith.constant 48 : index
        %parallel_loop3A_680 = tpu.vector_load %parallel_loop3A_677[%parallel_loop3A_678, %parallel_loop3A_679] {strides = array<i32>} : memref<64x128xf32, #tpu.memory_space<vmem>>, vector<16xf32>,
        %parallel_loop3A_681 = arith.subf %parallel_loop3A_666, %parallel_loop3A_673 : vector<16xf32>
        %parallel_loop3A_682 = arith.mulf %parallel_loop3A_681, %parallel_loop3A_680 : vector<16xf32>
        %parallel_loop3A_683 = arith.constant 0 : i32
        %parallel_loop3A_684 = arith.constant 0 : i32
        %parallel_loop3A_685 = tpu.memref_slice %arg10[%parallel_loop3A_385, %parallel_loop3A_683, %parallel_loop3A_684] : memref<2x64x128xf32, #tpu.memory_space<vmem>> -> memref<1x64x128xf32, #tpu.memory_space<vmem>>
        %parallel_loop3A_686 = tpu.memref_squeeze %parallel_loop3A_685 : memref<1x64x128xf32, #tpu.memory_space<vmem>> -> memref<64x128xf32, #tpu.memory_space<vmem>>
        %parallel_loop3A_687 = arith.index_cast %parallel_loop3A_590 : i32 to index
        %parallel_loop3A_688 = arith.constant 64 : index
        %parallel_loop3A_689 = tpu.vector_load %parallel_loop3A_686[%parallel_loop3A_687, %parallel_loop3A_688] {strides = array<i32>} : memref<64x128xf32, #tpu.memory_space<vmem>>, vector<16xf32>,
        %parallel_loop3A_690 = arith.constant 0 : i32
        %parallel_loop3A_691 = arith.constant 0 : i32
        %parallel_loop3A_692 = tpu.memref_slice %arg11[%parallel_loop3A_386, %parallel_loop3A_690, %parallel_loop3A_691] : memref<2x64x128xf32, #tpu.memory_space<vmem>> -> memref<1x64x128xf32, #tpu.memory_space<vmem>>
        %parallel_loop3A_693 = tpu.memref_squeeze %parallel_loop3A_692 : memref<1x64x128xf32, #tpu.memory_space<vmem>> -> memref<64x128xf32, #tpu.memory_space<vmem>>
        %parallel_loop3A_694 = arith.index_cast %parallel_loop3A_590 : i32 to index
        %parallel_loop3A_695 = arith.constant 64 : index
        %parallel_loop3A_696 = tpu.vector_load %parallel_loop3A_693[%parallel_loop3A_694, %parallel_loop3A_695] {strides = array<i32>} : memref<64x128xf32, #tpu.memory_space<vmem>>, vector<16xf32>,
        %parallel_loop3A_697 = arith.constant 0 : i32
        %parallel_loop3A_698 = arith.constant 0 : i32
        %parallel_loop3A_699 = tpu.memref_slice %arg13[%parallel_loop3A_387, %parallel_loop3A_697, %parallel_loop3A_698] : memref<2x64x128xf32, #tpu.memory_space<vmem>> -> memref<1x64x128xf32, #tpu.memory_space<vmem>>
        %parallel_loop3A_700 = tpu.memref_squeeze %parallel_loop3A_699 : memref<1x64x128xf32, #tpu.memory_space<vmem>> -> memref<64x128xf32, #tpu.memory_space<vmem>>
        %parallel_loop3A_701 = arith.index_cast %parallel_loop3A_590 : i32 to index
        %parallel_loop3A_702 = arith.constant 64 : index
        %parallel_loop3A_703 = tpu.vector_load %parallel_loop3A_700[%parallel_loop3A_701, %parallel_loop3A_702] {strides = array<i32>} : memref<64x128xf32, #tpu.memory_space<vmem>>, vector<16xf32>,
        %parallel_loop3A_704 = arith.subf %parallel_loop3A_689, %parallel_loop3A_696 : vector<16xf32>
        %parallel_loop3A_705 = arith.mulf %parallel_loop3A_704, %parallel_loop3A_703 : vector<16xf32>
        %parallel_loop3A_706 = arith.constant 0 : i32
        %parallel_loop3A_707 = arith.constant 0 : i32
        %parallel_loop3A_708 = tpu.memref_slice %arg10[%parallel_loop3A_385, %parallel_loop3A_706, %parallel_loop3A_707] : memref<2x64x128xf32, #tpu.memory_space<vmem>> -> memref<1x64x128xf32, #tpu.memory_space<vmem>>
        %parallel_loop3A_709 = tpu.memref_squeeze %parallel_loop3A_708 : memref<1x64x128xf32, #tpu.memory_space<vmem>> -> memref<64x128xf32, #tpu.memory_space<vmem>>
        %parallel_loop3A_710 = arith.index_cast %parallel_loop3A_590 : i32 to index
        %parallel_loop3A_711 = arith.constant 80 : index
        %parallel_loop3A_712 = tpu.vector_load %parallel_loop3A_709[%parallel_loop3A_710, %parallel_loop3A_711] {strides = array<i32>} : memref<64x128xf32, #tpu.memory_space<vmem>>, vector<16xf32>,
        %parallel_loop3A_713 = arith.constant 0 : i32
        %parallel_loop3A_714 = arith.constant 0 : i32
        %parallel_loop3A_715 = tpu.memref_slice %arg11[%parallel_loop3A_386, %parallel_loop3A_713, %parallel_loop3A_714] : memref<2x64x128xf32, #tpu.memory_space<vmem>> -> memref<1x64x128xf32, #tpu.memory_space<vmem>>
        %parallel_loop3A_716 = tpu.memref_squeeze %parallel_loop3A_715 : memref<1x64x128xf32, #tpu.memory_space<vmem>> -> memref<64x128xf32, #tpu.memory_space<vmem>>
        %parallel_loop3A_717 = arith.index_cast %parallel_loop3A_590 : i32 to index
        %parallel_loop3A_718 = arith.constant 80 : index
        %parallel_loop3A_719 = tpu.vector_load %parallel_loop3A_716[%parallel_loop3A_717, %parallel_loop3A_718] {strides = array<i32>} : memref<64x128xf32, #tpu.memory_space<vmem>>, vector<16xf32>,
        %parallel_loop3A_720 = arith.constant 0 : i32
        %parallel_loop3A_721 = arith.constant 0 : i32
        %parallel_loop3A_722 = tpu.memref_slice %arg13[%parallel_loop3A_387, %parallel_loop3A_720, %parallel_loop3A_721] : memref<2x64x128xf32, #tpu.memory_space<vmem>> -> memref<1x64x128xf32, #tpu.memory_space<vmem>>
        %parallel_loop3A_723 = tpu.memref_squeeze %parallel_loop3A_722 : memref<1x64x128xf32, #tpu.memory_space<vmem>> -> memref<64x128xf32, #tpu.memory_space<vmem>>
        %parallel_loop3A_724 = arith.index_cast %parallel_loop3A_590 : i32 to index
        %parallel_loop3A_725 = arith.constant 80 : index
        %parallel_loop3A_726 = tpu.vector_load %parallel_loop3A_723[%parallel_loop3A_724, %parallel_loop3A_725] {strides = array<i32>} : memref<64x128xf32, #tpu.memory_space<vmem>>, vector<16xf32>,
        %parallel_loop3A_727 = arith.subf %parallel_loop3A_712, %parallel_loop3A_719 : vector<16xf32>
        %parallel_loop3A_728 = arith.mulf %parallel_loop3A_727, %parallel_loop3A_726 : vector<16xf32>
        %parallel_loop3A_729 = arith.constant 0 : i32
        %parallel_loop3A_730 = arith.constant 0 : i32
        %parallel_loop3A_731 = tpu.memref_slice %arg10[%parallel_loop3A_385, %parallel_loop3A_729, %parallel_loop3A_730] : memref<2x64x128xf32, #tpu.memory_space<vmem>> -> memref<1x64x128xf32, #tpu.memory_space<vmem>>
        %parallel_loop3A_732 = tpu.memref_squeeze %parallel_loop3A_731 : memref<1x64x128xf32, #tpu.memory_space<vmem>> -> memref<64x128xf32, #tpu.memory_space<vmem>>
        %parallel_loop3A_733 = arith.index_cast %parallel_loop3A_590 : i32 to index
        %parallel_loop3A_734 = arith.constant 96 : index
        %parallel_loop3A_735 = tpu.vector_load %parallel_loop3A_732[%parallel_loop3A_733, %parallel_loop3A_734] {strides = array<i32>} : memref<64x128xf32, #tpu.memory_space<vmem>>, vector<16xf32>,
        %parallel_loop3A_736 = arith.constant 0 : i32
        %parallel_loop3A_737 = arith.constant 0 : i32
        %parallel_loop3A_738 = tpu.memref_slice %arg11[%parallel_loop3A_386, %parallel_loop3A_736, %parallel_loop3A_737] : memref<2x64x128xf32, #tpu.memory_space<vmem>> -> memref<1x64x128xf32, #tpu.memory_space<vmem>>
        %parallel_loop3A_739 = tpu.memref_squeeze %parallel_loop3A_738 : memref<1x64x128xf32, #tpu.memory_space<vmem>> -> memref<64x128xf32, #tpu.memory_space<vmem>>
        %parallel_loop3A_740 = arith.index_cast %parallel_loop3A_590 : i32 to index
        %parallel_loop3A_741 = arith.constant 96 : index
        %parallel_loop3A_742 = tpu.vector_load %parallel_loop3A_739[%parallel_loop3A_740, %parallel_loop3A_741] {strides = array<i32>} : memref<64x128xf32, #tpu.memory_space<vmem>>, vector<16xf32>,
        %parallel_loop3A_743 = arith.constant 0 : i32
        %parallel_loop3A_744 = arith.constant 0 : i32
        %parallel_loop3A_745 = tpu.memref_slice %arg13[%parallel_loop3A_387, %parallel_loop3A_743, %parallel_loop3A_744] : memref<2x64x128xf32, #tpu.memory_space<vmem>> -> memref<1x64x128xf32, #tpu.memory_space<vmem>>
        %parallel_loop3A_746 = tpu.memref_squeeze %parallel_loop3A_745 : memref<1x64x128xf32, #tpu.memory_space<vmem>> -> memref<64x128xf32, #tpu.memory_space<vmem>>
        %parallel_loop3A_747 = arith.index_cast %parallel_loop3A_590 : i32 to index
        %parallel_loop3A_748 = arith.constant 96 : index
        %parallel_loop3A_749 = tpu.vector_load %parallel_loop3A_746[%parallel_loop3A_747, %parallel_loop3A_748] {strides = array<i32>} : memref<64x128xf32, #tpu.memory_space<vmem>>, vector<16xf32>,
        %parallel_loop3A_750 = arith.subf %parallel_loop3A_735, %parallel_loop3A_742 : vector<16xf32>
        %parallel_loop3A_751 = arith.mulf %parallel_loop3A_750, %parallel_loop3A_749 : vector<16xf32>
        %parallel_loop3A_752 = arith.constant 0 : i32
        %parallel_loop3A_753 = arith.constant 0 : i32
        %parallel_loop3A_754 = tpu.memref_slice %arg10[%parallel_loop3A_385, %parallel_loop3A_752, %parallel_loop3A_753] : memref<2x64x128xf32, #tpu.memory_space<vmem>> -> memref<1x64x128xf32, #tpu.memory_space<vmem>>
        %parallel_loop3A_755 = tpu.memref_squeeze %parallel_loop3A_754 : memref<1x64x128xf32, #tpu.memory_space<vmem>> -> memref<64x128xf32, #tpu.memory_space<vmem>>
        %parallel_loop3A_756 = arith.index_cast %parallel_loop3A_590 : i32 to index
        %parallel_loop3A_757 = arith.constant 112 : index
        %parallel_loop3A_758 = tpu.vector_load %parallel_loop3A_755[%parallel_loop3A_756, %parallel_loop3A_757] {strides = array<i32>} : memref<64x128xf32, #tpu.memory_space<vmem>>, vector<16xf32>,
        %parallel_loop3A_759 = arith.constant 0 : i32
        %parallel_loop3A_760 = arith.constant 0 : i32
        %parallel_loop3A_761 = tpu.memref_slice %arg11[%parallel_loop3A_386, %parallel_loop3A_759, %parallel_loop3A_760] : memref<2x64x128xf32, #tpu.memory_space<vmem>> -> memref<1x64x128xf32, #tpu.memory_space<vmem>>
        %parallel_loop3A_762 = tpu.memref_squeeze %parallel_loop3A_761 : memref<1x64x128xf32, #tpu.memory_space<vmem>> -> memref<64x128xf32, #tpu.memory_space<vmem>>
        %parallel_loop3A_763 = arith.index_cast %parallel_loop3A_590 : i32 to index
        %parallel_loop3A_764 = arith.constant 112 : index
        %parallel_loop3A_765 = tpu.vector_load %parallel_loop3A_762[%parallel_loop3A_763, %parallel_loop3A_764] {strides = array<i32>} : memref<64x128xf32, #tpu.memory_space<vmem>>, vector<16xf32>,
        %parallel_loop3A_766 = arith.constant 0 : i32
        %parallel_loop3A_767 = arith.constant 0 : i32
        %parallel_loop3A_768 = tpu.memref_slice %arg13[%parallel_loop3A_387, %parallel_loop3A_766, %parallel_loop3A_767] : memref<2x64x128xf32, #tpu.memory_space<vmem>> -> memref<1x64x128xf32, #tpu.memory_space<vmem>>
        %parallel_loop3A_769 = tpu.memref_squeeze %parallel_loop3A_768 : memref<1x64x128xf32, #tpu.memory_space<vmem>> -> memref<64x128xf32, #tpu.memory_space<vmem>>
        %parallel_loop3A_770 = arith.index_cast %parallel_loop3A_590 : i32 to index
        %parallel_loop3A_771 = arith.constant 112 : index
        %parallel_loop3A_772 = tpu.vector_load %parallel_loop3A_769[%parallel_loop3A_770, %parallel_loop3A_771] {strides = array<i32>} : memref<64x128xf32, #tpu.memory_space<vmem>>, vector<16xf32>,
        %parallel_loop3A_773 = arith.subf %parallel_loop3A_758, %parallel_loop3A_765 : vector<16xf32>
        %parallel_loop3A_774 = arith.mulf %parallel_loop3A_773, %parallel_loop3A_772 : vector<16xf32>
        %parallel_loop3A_775 = arith.addf %parallel_loop3A_613, %parallel_loop3A_636 : vector<16xf32>
        %parallel_loop3A_776 = arith.addf %parallel_loop3A_659, %parallel_loop3A_682 : vector<16xf32>
        %parallel_loop3A_777 = arith.addf %parallel_loop3A_705, %parallel_loop3A_728 : vector<16xf32>
        %parallel_loop3A_778 = arith.addf %parallel_loop3A_751, %parallel_loop3A_774 : vector<16xf32>
        %parallel_loop3A_779 = arith.addf %parallel_loop3A_775, %parallel_loop3A_776 : vector<16xf32>
        %parallel_loop3A_780 = arith.addf %parallel_loop3A_777, %parallel_loop3A_778 : vector<16xf32>
        %parallel_loop3A_781 = arith.addf %parallel_loop3A_779, %parallel_loop3A_780 : vector<16xf32>
        %parallel_loop3A_782 = tpu.iota {dimensions = array<i32: 0>} : vector<16xi32>
        %parallel_loop3A_783 = arith.constant 8 : i32
        %parallel_loop3A_784 = vector.broadcast %parallel_loop3A_783 : i32 to vector<16xi32>
        %parallel_loop3A_785 = arith.xori %parallel_loop3A_782, %parallel_loop3A_784 : vector<16xi32>
        %parallel_loop3A_786 = vector.shape_cast %parallel_loop3A_785 : vector<16xi32> to vector<16x1xi32>
        %parallel_loop3A_787 = vector.shape_cast %parallel_loop3A_786 : vector<16x1xi32> to vector<16xi32>
        %parallel_loop3A_788 = tpu.dynamic_gather %parallel_loop3A_781[%parallel_loop3A_787] in [0] : vector<16xf32>, vector<16xi32> -> vector<16xf32>
        %parallel_loop3A_789 = arith.addf %parallel_loop3A_781, %parallel_loop3A_788 : vector<16xf32>
        %parallel_loop3A_790 = arith.constant 4 : i32
        %parallel_loop3A_791 = vector.broadcast %parallel_loop3A_790 : i32 to vector<16xi32>
        %parallel_loop3A_792 = arith.xori %parallel_loop3A_782, %parallel_loop3A_791 : vector<16xi32>
        %parallel_loop3A_793 = vector.shape_cast %parallel_loop3A_792 : vector<16xi32> to vector<16x1xi32>
        %parallel_loop3A_794 = vector.shape_cast %parallel_loop3A_793 : vector<16x1xi32> to vector<16xi32>
        %parallel_loop3A_795 = tpu.dynamic_gather %parallel_loop3A_789[%parallel_loop3A_794] in [0] : vector<16xf32>, vector<16xi32> -> vector<16xf32>
        %parallel_loop3A_796 = arith.addf %parallel_loop3A_789, %parallel_loop3A_795 : vector<16xf32>
        %parallel_loop3A_797 = arith.constant 2 : i32
        %parallel_loop3A_798 = vector.broadcast %parallel_loop3A_797 : i32 to vector<16xi32>
        %parallel_loop3A_799 = arith.xori %parallel_loop3A_782, %parallel_loop3A_798 : vector<16xi32>
        %parallel_loop3A_800 = vector.shape_cast %parallel_loop3A_799 : vector<16xi32> to vector<16x1xi32>
        %parallel_loop3A_801 = vector.shape_cast %parallel_loop3A_800 : vector<16x1xi32> to vector<16xi32>
        %parallel_loop3A_802 = tpu.dynamic_gather %parallel_loop3A_796[%parallel_loop3A_801] in [0] : vector<16xf32>, vector<16xi32> -> vector<16xf32>
        %parallel_loop3A_803 = arith.addf %parallel_loop3A_796, %parallel_loop3A_802 : vector<16xf32>
        %parallel_loop3A_804 = arith.constant 1 : i32
        %parallel_loop3A_805 = vector.broadcast %parallel_loop3A_804 : i32 to vector<16xi32>
        %parallel_loop3A_806 = arith.xori %parallel_loop3A_782, %parallel_loop3A_805 : vector<16xi32>
        %parallel_loop3A_807 = vector.shape_cast %parallel_loop3A_806 : vector<16xi32> to vector<16x1xi32>
        %parallel_loop3A_808 = vector.shape_cast %parallel_loop3A_807 : vector<16x1xi32> to vector<16xi32>
        %parallel_loop3A_809 = tpu.dynamic_gather %parallel_loop3A_803[%parallel_loop3A_808] in [0] : vector<16xf32>, vector<16xi32> -> vector<16xf32>
        %parallel_loop3A_810 = arith.addf %parallel_loop3A_803, %parallel_loop3A_809 : vector<16xf32>
        %parallel_loop3A_811 = arith.constant 0 : i32
        %parallel_loop3A_812 = arith.constant 0 : i32
        %parallel_loop3A_813 = tpu.memref_slice %arg10[%parallel_loop3A_385, %parallel_loop3A_811, %parallel_loop3A_812] : memref<2x64x128xf32, #tpu.memory_space<vmem>> -> memref<1x64x128xf32, #tpu.memory_space<vmem>>
        %parallel_loop3A_814 = tpu.memref_squeeze %parallel_loop3A_813 : memref<1x64x128xf32, #tpu.memory_space<vmem>> -> memref<64x128xf32, #tpu.memory_space<vmem>>
        %parallel_loop3A_815 = arith.index_cast %parallel_loop3A_590 : i32 to index
        %parallel_loop3A_816 = arith.constant 0 : index
        %parallel_loop3A_817 = tpu.vector_load %parallel_loop3A_814[%parallel_loop3A_815, %parallel_loop3A_816] {strides = array<i32>} : memref<64x128xf32, #tpu.memory_space<vmem>>, vector<16xf32>,
        %parallel_loop3A_818 = arith.constant 0 : i32
        %parallel_loop3A_819 = arith.constant 0 : i32
        %parallel_loop3A_820 = tpu.memref_slice %arg11[%parallel_loop3A_386, %parallel_loop3A_818, %parallel_loop3A_819] : memref<2x64x128xf32, #tpu.memory_space<vmem>> -> memref<1x64x128xf32, #tpu.memory_space<vmem>>
        %parallel_loop3A_821 = tpu.memref_squeeze %parallel_loop3A_820 : memref<1x64x128xf32, #tpu.memory_space<vmem>> -> memref<64x128xf32, #tpu.memory_space<vmem>>
        %parallel_loop3A_822 = arith.index_cast %parallel_loop3A_590 : i32 to index
        %parallel_loop3A_823 = arith.constant 0 : index
        %parallel_loop3A_824 = tpu.vector_load %parallel_loop3A_821[%parallel_loop3A_822, %parallel_loop3A_823] {strides = array<i32>} : memref<64x128xf32, #tpu.memory_space<vmem>>, vector<16xf32>,
        %parallel_loop3A_825 = arith.constant 0 : i32
        %parallel_loop3A_826 = arith.constant 0 : i32
        %parallel_loop3A_827 = tpu.memref_slice %arg13[%parallel_loop3A_387, %parallel_loop3A_825, %parallel_loop3A_826] : memref<2x64x128xf32, #tpu.memory_space<vmem>> -> memref<1x64x128xf32, #tpu.memory_space<vmem>>
        %parallel_loop3A_828 = tpu.memref_squeeze %parallel_loop3A_827 : memref<1x64x128xf32, #tpu.memory_space<vmem>> -> memref<64x128xf32, #tpu.memory_space<vmem>>
        %parallel_loop3A_829 = arith.index_cast %parallel_loop3A_590 : i32 to index
        %parallel_loop3A_830 = arith.constant 0 : index
        %parallel_loop3A_831 = tpu.vector_load %parallel_loop3A_828[%parallel_loop3A_829, %parallel_loop3A_830] {strides = array<i32>} : memref<64x128xf32, #tpu.memory_space<vmem>>, vector<16xf32>,
        %parallel_loop3A_832 = arith.constant 0 : i32
        %parallel_loop3A_833 = arith.constant 0 : i32
        %parallel_loop3A_834 = tpu.memref_slice %arg12[%parallel_loop3A_388, %parallel_loop3A_832, %parallel_loop3A_833] : memref<2x64x128xf32, #tpu.memory_space<vmem>> -> memref<1x64x128xf32, #tpu.memory_space<vmem>>
        %parallel_loop3A_835 = tpu.memref_squeeze %parallel_loop3A_834 : memref<1x64x128xf32, #tpu.memory_space<vmem>> -> memref<64x128xf32, #tpu.memory_space<vmem>>
        %parallel_loop3A_836 = arith.index_cast %parallel_loop3A_590 : i32 to index
        %parallel_loop3A_837 = arith.constant 0 : index
        %parallel_loop3A_838 = tpu.vector_load %parallel_loop3A_835[%parallel_loop3A_836, %parallel_loop3A_837] {strides = array<i32>} : memref<64x128xf32, #tpu.memory_space<vmem>>, vector<16xf32>,
        %parallel_loop3A_839 = arith.subf %parallel_loop3A_817, %parallel_loop3A_824 : vector<16xf32>
        %parallel_loop3A_840 = arith.addf %parallel_loop3A_839, %parallel_loop3A_838 : vector<16xf32>
        %parallel_loop3A_841 = arith.mulf %parallel_loop3A_810, %parallel_loop3A_831 : vector<16xf32>
        %parallel_loop3A_842 = arith.subf %parallel_loop3A_840, %parallel_loop3A_841 : vector<16xf32>
        %parallel_loop3A_843 = arith.mulf %parallel_loop3A_842, %parallel_loop3A_842 : vector<16xf32>
        %parallel_loop3A_844 = arith.constant 0 : i32
        %parallel_loop3A_845 = arith.constant 0 : i32
        %parallel_loop3A_846 = tpu.memref_slice %arg10[%parallel_loop3A_385, %parallel_loop3A_844, %parallel_loop3A_845] : memref<2x64x128xf32, #tpu.memory_space<vmem>> -> memref<1x64x128xf32, #tpu.memory_space<vmem>>
        %parallel_loop3A_847 = tpu.memref_squeeze %parallel_loop3A_846 : memref<1x64x128xf32, #tpu.memory_space<vmem>> -> memref<64x128xf32, #tpu.memory_space<vmem>>
        %parallel_loop3A_848 = arith.index_cast %parallel_loop3A_590 : i32 to index
        %parallel_loop3A_849 = arith.constant 16 : index
        %parallel_loop3A_850 = tpu.vector_load %parallel_loop3A_847[%parallel_loop3A_848, %parallel_loop3A_849] {strides = array<i32>} : memref<64x128xf32, #tpu.memory_space<vmem>>, vector<16xf32>,
        %parallel_loop3A_851 = arith.constant 0 : i32
        %parallel_loop3A_852 = arith.constant 0 : i32
        %parallel_loop3A_853 = tpu.memref_slice %arg11[%parallel_loop3A_386, %parallel_loop3A_851, %parallel_loop3A_852] : memref<2x64x128xf32, #tpu.memory_space<vmem>> -> memref<1x64x128xf32, #tpu.memory_space<vmem>>
        %parallel_loop3A_854 = tpu.memref_squeeze %parallel_loop3A_853 : memref<1x64x128xf32, #tpu.memory_space<vmem>> -> memref<64x128xf32, #tpu.memory_space<vmem>>
        %parallel_loop3A_855 = arith.index_cast %parallel_loop3A_590 : i32 to index
        %parallel_loop3A_856 = arith.constant 16 : index
        %parallel_loop3A_857 = tpu.vector_load %parallel_loop3A_854[%parallel_loop3A_855, %parallel_loop3A_856] {strides = array<i32>} : memref<64x128xf32, #tpu.memory_space<vmem>>, vector<16xf32>,
        %parallel_loop3A_858 = arith.constant 0 : i32
        %parallel_loop3A_859 = arith.constant 0 : i32
        %parallel_loop3A_860 = tpu.memref_slice %arg13[%parallel_loop3A_387, %parallel_loop3A_858, %parallel_loop3A_859] : memref<2x64x128xf32, #tpu.memory_space<vmem>> -> memref<1x64x128xf32, #tpu.memory_space<vmem>>
        %parallel_loop3A_861 = tpu.memref_squeeze %parallel_loop3A_860 : memref<1x64x128xf32, #tpu.memory_space<vmem>> -> memref<64x128xf32, #tpu.memory_space<vmem>>
        %parallel_loop3A_862 = arith.index_cast %parallel_loop3A_590 : i32 to index
        %parallel_loop3A_863 = arith.constant 16 : index
        %parallel_loop3A_864 = tpu.vector_load %parallel_loop3A_861[%parallel_loop3A_862, %parallel_loop3A_863] {strides = array<i32>} : memref<64x128xf32, #tpu.memory_space<vmem>>, vector<16xf32>,
        %parallel_loop3A_865 = arith.constant 0 : i32
        %parallel_loop3A_866 = arith.constant 0 : i32
        %parallel_loop3A_867 = tpu.memref_slice %arg12[%parallel_loop3A_388, %parallel_loop3A_865, %parallel_loop3A_866] : memref<2x64x128xf32, #tpu.memory_space<vmem>> -> memref<1x64x128xf32, #tpu.memory_space<vmem>>
        %parallel_loop3A_868 = tpu.memref_squeeze %parallel_loop3A_867 : memref<1x64x128xf32, #tpu.memory_space<vmem>> -> memref<64x128xf32, #tpu.memory_space<vmem>>
        %parallel_loop3A_869 = arith.index_cast %parallel_loop3A_590 : i32 to index
        %parallel_loop3A_870 = arith.constant 16 : index
        %parallel_loop3A_871 = tpu.vector_load %parallel_loop3A_868[%parallel_loop3A_869, %parallel_loop3A_870] {strides = array<i32>} : memref<64x128xf32, #tpu.memory_space<vmem>>, vector<16xf32>,
        %parallel_loop3A_872 = arith.subf %parallel_loop3A_850, %parallel_loop3A_857 : vector<16xf32>
        %parallel_loop3A_873 = arith.addf %parallel_loop3A_872, %parallel_loop3A_871 : vector<16xf32>
        %parallel_loop3A_874 = arith.mulf %parallel_loop3A_810, %parallel_loop3A_864 : vector<16xf32>
        %parallel_loop3A_875 = arith.subf %parallel_loop3A_873, %parallel_loop3A_874 : vector<16xf32>
        %parallel_loop3A_876 = arith.mulf %parallel_loop3A_875, %parallel_loop3A_875 : vector<16xf32>
        %parallel_loop3A_877 = arith.constant 0 : i32
        %parallel_loop3A_878 = arith.constant 0 : i32
        %parallel_loop3A_879 = tpu.memref_slice %arg10[%parallel_loop3A_385, %parallel_loop3A_877, %parallel_loop3A_878] : memref<2x64x128xf32, #tpu.memory_space<vmem>> -> memref<1x64x128xf32, #tpu.memory_space<vmem>>
        %parallel_loop3A_880 = tpu.memref_squeeze %parallel_loop3A_879 : memref<1x64x128xf32, #tpu.memory_space<vmem>> -> memref<64x128xf32, #tpu.memory_space<vmem>>
        %parallel_loop3A_881 = arith.index_cast %parallel_loop3A_590 : i32 to index
        %parallel_loop3A_882 = arith.constant 32 : index
        %parallel_loop3A_883 = tpu.vector_load %parallel_loop3A_880[%parallel_loop3A_881, %parallel_loop3A_882] {strides = array<i32>} : memref<64x128xf32, #tpu.memory_space<vmem>>, vector<16xf32>,
        %parallel_loop3A_884 = arith.constant 0 : i32
        %parallel_loop3A_885 = arith.constant 0 : i32
        %parallel_loop3A_886 = tpu.memref_slice %arg11[%parallel_loop3A_386, %parallel_loop3A_884, %parallel_loop3A_885] : memref<2x64x128xf32, #tpu.memory_space<vmem>> -> memref<1x64x128xf32, #tpu.memory_space<vmem>>
        %parallel_loop3A_887 = tpu.memref_squeeze %parallel_loop3A_886 : memref<1x64x128xf32, #tpu.memory_space<vmem>> -> memref<64x128xf32, #tpu.memory_space<vmem>>
        %parallel_loop3A_888 = arith.index_cast %parallel_loop3A_590 : i32 to index
        %parallel_loop3A_889 = arith.constant 32 : index
        %parallel_loop3A_890 = tpu.vector_load %parallel_loop3A_887[%parallel_loop3A_888, %parallel_loop3A_889] {strides = array<i32>} : memref<64x128xf32, #tpu.memory_space<vmem>>, vector<16xf32>,
        %parallel_loop3A_891 = arith.constant 0 : i32
        %parallel_loop3A_892 = arith.constant 0 : i32
        %parallel_loop3A_893 = tpu.memref_slice %arg13[%parallel_loop3A_387, %parallel_loop3A_891, %parallel_loop3A_892] : memref<2x64x128xf32, #tpu.memory_space<vmem>> -> memref<1x64x128xf32, #tpu.memory_space<vmem>>
        %parallel_loop3A_894 = tpu.memref_squeeze %parallel_loop3A_893 : memref<1x64x128xf32, #tpu.memory_space<vmem>> -> memref<64x128xf32, #tpu.memory_space<vmem>>
        %parallel_loop3A_895 = arith.index_cast %parallel_loop3A_590 : i32 to index
        %parallel_loop3A_896 = arith.constant 32 : index
        %parallel_loop3A_897 = tpu.vector_load %parallel_loop3A_894[%parallel_loop3A_895, %parallel_loop3A_896] {strides = array<i32>} : memref<64x128xf32, #tpu.memory_space<vmem>>, vector<16xf32>,
        %parallel_loop3A_898 = arith.constant 0 : i32
        %parallel_loop3A_899 = arith.constant 0 : i32
        %parallel_loop3A_900 = tpu.memref_slice %arg12[%parallel_loop3A_388, %parallel_loop3A_898, %parallel_loop3A_899] : memref<2x64x128xf32, #tpu.memory_space<vmem>> -> memref<1x64x128xf32, #tpu.memory_space<vmem>>
        %parallel_loop3A_901 = tpu.memref_squeeze %parallel_loop3A_900 : memref<1x64x128xf32, #tpu.memory_space<vmem>> -> memref<64x128xf32, #tpu.memory_space<vmem>>
        %parallel_loop3A_902 = arith.index_cast %parallel_loop3A_590 : i32 to index
        %parallel_loop3A_903 = arith.constant 32 : index
        %parallel_loop3A_904 = tpu.vector_load %parallel_loop3A_901[%parallel_loop3A_902, %parallel_loop3A_903] {strides = array<i32>} : memref<64x128xf32, #tpu.memory_space<vmem>>, vector<16xf32>,
        %parallel_loop3A_905 = arith.subf %parallel_loop3A_883, %parallel_loop3A_890 : vector<16xf32>
        %parallel_loop3A_906 = arith.addf %parallel_loop3A_905, %parallel_loop3A_904 : vector<16xf32>
        %parallel_loop3A_907 = arith.mulf %parallel_loop3A_810, %parallel_loop3A_897 : vector<16xf32>
        %parallel_loop3A_908 = arith.subf %parallel_loop3A_906, %parallel_loop3A_907 : vector<16xf32>
        %parallel_loop3A_909 = arith.mulf %parallel_loop3A_908, %parallel_loop3A_908 : vector<16xf32>
        %parallel_loop3A_910 = arith.constant 0 : i32
        %parallel_loop3A_911 = arith.constant 0 : i32
        %parallel_loop3A_912 = tpu.memref_slice %arg10[%parallel_loop3A_385, %parallel_loop3A_910, %parallel_loop3A_911] : memref<2x64x128xf32, #tpu.memory_space<vmem>> -> memref<1x64x128xf32, #tpu.memory_space<vmem>>
        %parallel_loop3A_913 = tpu.memref_squeeze %parallel_loop3A_912 : memref<1x64x128xf32, #tpu.memory_space<vmem>> -> memref<64x128xf32, #tpu.memory_space<vmem>>
        %parallel_loop3A_914 = arith.index_cast %parallel_loop3A_590 : i32 to index
        %parallel_loop3A_915 = arith.constant 48 : index
        %parallel_loop3A_916 = tpu.vector_load %parallel_loop3A_913[%parallel_loop3A_914, %parallel_loop3A_915] {strides = array<i32>} : memref<64x128xf32, #tpu.memory_space<vmem>>, vector<16xf32>,
        %parallel_loop3A_917 = arith.constant 0 : i32
        %parallel_loop3A_918 = arith.constant 0 : i32
        %parallel_loop3A_919 = tpu.memref_slice %arg11[%parallel_loop3A_386, %parallel_loop3A_917, %parallel_loop3A_918] : memref<2x64x128xf32, #tpu.memory_space<vmem>> -> memref<1x64x128xf32, #tpu.memory_space<vmem>>
        %parallel_loop3A_920 = tpu.memref_squeeze %parallel_loop3A_919 : memref<1x64x128xf32, #tpu.memory_space<vmem>> -> memref<64x128xf32, #tpu.memory_space<vmem>>
        %parallel_loop3A_921 = arith.index_cast %parallel_loop3A_590 : i32 to index
        %parallel_loop3A_922 = arith.constant 48 : index
        %parallel_loop3A_923 = tpu.vector_load %parallel_loop3A_920[%parallel_loop3A_921, %parallel_loop3A_922] {strides = array<i32>} : memref<64x128xf32, #tpu.memory_space<vmem>>, vector<16xf32>,
        %parallel_loop3A_924 = arith.constant 0 : i32
        %parallel_loop3A_925 = arith.constant 0 : i32
        %parallel_loop3A_926 = tpu.memref_slice %arg13[%parallel_loop3A_387, %parallel_loop3A_924, %parallel_loop3A_925] : memref<2x64x128xf32, #tpu.memory_space<vmem>> -> memref<1x64x128xf32, #tpu.memory_space<vmem>>
        %parallel_loop3A_927 = tpu.memref_squeeze %parallel_loop3A_926 : memref<1x64x128xf32, #tpu.memory_space<vmem>> -> memref<64x128xf32, #tpu.memory_space<vmem>>
        %parallel_loop3A_928 = arith.index_cast %parallel_loop3A_590 : i32 to index
        %parallel_loop3A_929 = arith.constant 48 : index
        %parallel_loop3A_930 = tpu.vector_load %parallel_loop3A_927[%parallel_loop3A_928, %parallel_loop3A_929] {strides = array<i32>} : memref<64x128xf32, #tpu.memory_space<vmem>>, vector<16xf32>,
        %parallel_loop3A_931 = arith.constant 0 : i32
        %parallel_loop3A_932 = arith.constant 0 : i32
        %parallel_loop3A_933 = tpu.memref_slice %arg12[%parallel_loop3A_388, %parallel_loop3A_931, %parallel_loop3A_932] : memref<2x64x128xf32, #tpu.memory_space<vmem>> -> memref<1x64x128xf32, #tpu.memory_space<vmem>>
        %parallel_loop3A_934 = tpu.memref_squeeze %parallel_loop3A_933 : memref<1x64x128xf32, #tpu.memory_space<vmem>> -> memref<64x128xf32, #tpu.memory_space<vmem>>
        %parallel_loop3A_935 = arith.index_cast %parallel_loop3A_590 : i32 to index
        %parallel_loop3A_936 = arith.constant 48 : index
        %parallel_loop3A_937 = tpu.vector_load %parallel_loop3A_934[%parallel_loop3A_935, %parallel_loop3A_936] {strides = array<i32>} : memref<64x128xf32, #tpu.memory_space<vmem>>, vector<16xf32>,
        %parallel_loop3A_938 = arith.subf %parallel_loop3A_916, %parallel_loop3A_923 : vector<16xf32>
        %parallel_loop3A_939 = arith.addf %parallel_loop3A_938, %parallel_loop3A_937 : vector<16xf32>
        %parallel_loop3A_940 = arith.mulf %parallel_loop3A_810, %parallel_loop3A_930 : vector<16xf32>
        %parallel_loop3A_941 = arith.subf %parallel_loop3A_939, %parallel_loop3A_940 : vector<16xf32>
        %parallel_loop3A_942 = arith.mulf %parallel_loop3A_941, %parallel_loop3A_941 : vector<16xf32>
        %parallel_loop3A_943 = arith.constant 0 : i32
        %parallel_loop3A_944 = arith.constant 0 : i32
        %parallel_loop3A_945 = tpu.memref_slice %arg10[%parallel_loop3A_385, %parallel_loop3A_943, %parallel_loop3A_944] : memref<2x64x128xf32, #tpu.memory_space<vmem>> -> memref<1x64x128xf32, #tpu.memory_space<vmem>>
        %parallel_loop3A_946 = tpu.memref_squeeze %parallel_loop3A_945 : memref<1x64x128xf32, #tpu.memory_space<vmem>> -> memref<64x128xf32, #tpu.memory_space<vmem>>
        %parallel_loop3A_947 = arith.index_cast %parallel_loop3A_590 : i32 to index
        %parallel_loop3A_948 = arith.constant 64 : index
        %parallel_loop3A_949 = tpu.vector_load %parallel_loop3A_946[%parallel_loop3A_947, %parallel_loop3A_948] {strides = array<i32>} : memref<64x128xf32, #tpu.memory_space<vmem>>, vector<16xf32>,
        %parallel_loop3A_950 = arith.constant 0 : i32
        %parallel_loop3A_951 = arith.constant 0 : i32
        %parallel_loop3A_952 = tpu.memref_slice %arg11[%parallel_loop3A_386, %parallel_loop3A_950, %parallel_loop3A_951] : memref<2x64x128xf32, #tpu.memory_space<vmem>> -> memref<1x64x128xf32, #tpu.memory_space<vmem>>
        %parallel_loop3A_953 = tpu.memref_squeeze %parallel_loop3A_952 : memref<1x64x128xf32, #tpu.memory_space<vmem>> -> memref<64x128xf32, #tpu.memory_space<vmem>>
        %parallel_loop3A_954 = arith.index_cast %parallel_loop3A_590 : i32 to index
        %parallel_loop3A_955 = arith.constant 64 : index
        %parallel_loop3A_956 = tpu.vector_load %parallel_loop3A_953[%parallel_loop3A_954, %parallel_loop3A_955] {strides = array<i32>} : memref<64x128xf32, #tpu.memory_space<vmem>>, vector<16xf32>,
        %parallel_loop3A_957 = arith.constant 0 : i32
        %parallel_loop3A_958 = arith.constant 0 : i32
        %parallel_loop3A_959 = tpu.memref_slice %arg13[%parallel_loop3A_387, %parallel_loop3A_957, %parallel_loop3A_958] : memref<2x64x128xf32, #tpu.memory_space<vmem>> -> memref<1x64x128xf32, #tpu.memory_space<vmem>>
        %parallel_loop3A_960 = tpu.memref_squeeze %parallel_loop3A_959 : memref<1x64x128xf32, #tpu.memory_space<vmem>> -> memref<64x128xf32, #tpu.memory_space<vmem>>
        %parallel_loop3A_961 = arith.index_cast %parallel_loop3A_590 : i32 to index
        %parallel_loop3A_962 = arith.constant 64 : index
        %parallel_loop3A_963 = tpu.vector_load %parallel_loop3A_960[%parallel_loop3A_961, %parallel_loop3A_962] {strides = array<i32>} : memref<64x128xf32, #tpu.memory_space<vmem>>, vector<16xf32>,
        %parallel_loop3A_964 = arith.constant 0 : i32
        %parallel_loop3A_965 = arith.constant 0 : i32
        %parallel_loop3A_966 = tpu.memref_slice %arg12[%parallel_loop3A_388, %parallel_loop3A_964, %parallel_loop3A_965] : memref<2x64x128xf32, #tpu.memory_space<vmem>> -> memref<1x64x128xf32, #tpu.memory_space<vmem>>
        %parallel_loop3A_967 = tpu.memref_squeeze %parallel_loop3A_966 : memref<1x64x128xf32, #tpu.memory_space<vmem>> -> memref<64x128xf32, #tpu.memory_space<vmem>>
        %parallel_loop3A_968 = arith.index_cast %parallel_loop3A_590 : i32 to index
        %parallel_loop3A_969 = arith.constant 64 : index
        %parallel_loop3A_970 = tpu.vector_load %parallel_loop3A_967[%parallel_loop3A_968, %parallel_loop3A_969] {strides = array<i32>} : memref<64x128xf32, #tpu.memory_space<vmem>>, vector<16xf32>,
        %parallel_loop3A_971 = arith.subf %parallel_loop3A_949, %parallel_loop3A_956 : vector<16xf32>
        %parallel_loop3A_972 = arith.addf %parallel_loop3A_971, %parallel_loop3A_970 : vector<16xf32>
        %parallel_loop3A_973 = arith.mulf %parallel_loop3A_810, %parallel_loop3A_963 : vector<16xf32>
        %parallel_loop3A_974 = arith.subf %parallel_loop3A_972, %parallel_loop3A_973 : vector<16xf32>
        %parallel_loop3A_975 = arith.mulf %parallel_loop3A_974, %parallel_loop3A_974 : vector<16xf32>
        %parallel_loop3A_976 = arith.constant 0 : i32
        %parallel_loop3A_977 = arith.constant 0 : i32
        %parallel_loop3A_978 = tpu.memref_slice %arg10[%parallel_loop3A_385, %parallel_loop3A_976, %parallel_loop3A_977] : memref<2x64x128xf32, #tpu.memory_space<vmem>> -> memref<1x64x128xf32, #tpu.memory_space<vmem>>
        %parallel_loop3A_979 = tpu.memref_squeeze %parallel_loop3A_978 : memref<1x64x128xf32, #tpu.memory_space<vmem>> -> memref<64x128xf32, #tpu.memory_space<vmem>>
        %parallel_loop3A_980 = arith.index_cast %parallel_loop3A_590 : i32 to index
        %parallel_loop3A_981 = arith.constant 80 : index
        %parallel_loop3A_982 = tpu.vector_load %parallel_loop3A_979[%parallel_loop3A_980, %parallel_loop3A_981] {strides = array<i32>} : memref<64x128xf32, #tpu.memory_space<vmem>>, vector<16xf32>,
        %parallel_loop3A_983 = arith.constant 0 : i32
        %parallel_loop3A_984 = arith.constant 0 : i32
        %parallel_loop3A_985 = tpu.memref_slice %arg11[%parallel_loop3A_386, %parallel_loop3A_983, %parallel_loop3A_984] : memref<2x64x128xf32, #tpu.memory_space<vmem>> -> memref<1x64x128xf32, #tpu.memory_space<vmem>>
        %parallel_loop3A_986 = tpu.memref_squeeze %parallel_loop3A_985 : memref<1x64x128xf32, #tpu.memory_space<vmem>> -> memref<64x128xf32, #tpu.memory_space<vmem>>
        %parallel_loop3A_987 = arith.index_cast %parallel_loop3A_590 : i32 to index
        %parallel_loop3A_988 = arith.constant 80 : index
        %parallel_loop3A_989 = tpu.vector_load %parallel_loop3A_986[%parallel_loop3A_987, %parallel_loop3A_988] {strides = array<i32>} : memref<64x128xf32, #tpu.memory_space<vmem>>, vector<16xf32>,
        %parallel_loop3A_990 = arith.constant 0 : i32
        %parallel_loop3A_991 = arith.constant 0 : i32
        %parallel_loop3A_992 = tpu.memref_slice %arg13[%parallel_loop3A_387, %parallel_loop3A_990, %parallel_loop3A_991] : memref<2x64x128xf32, #tpu.memory_space<vmem>> -> memref<1x64x128xf32, #tpu.memory_space<vmem>>
        %parallel_loop3A_993 = tpu.memref_squeeze %parallel_loop3A_992 : memref<1x64x128xf32, #tpu.memory_space<vmem>> -> memref<64x128xf32, #tpu.memory_space<vmem>>
        %parallel_loop3A_994 = arith.index_cast %parallel_loop3A_590 : i32 to index
        %parallel_loop3A_995 = arith.constant 80 : index
        %parallel_loop3A_996 = tpu.vector_load %parallel_loop3A_993[%parallel_loop3A_994, %parallel_loop3A_995] {strides = array<i32>} : memref<64x128xf32, #tpu.memory_space<vmem>>, vector<16xf32>,
        %parallel_loop3A_997 = arith.constant 0 : i32
        %parallel_loop3A_998 = arith.constant 0 : i32
        %parallel_loop3A_999 = tpu.memref_slice %arg12[%parallel_loop3A_388, %parallel_loop3A_997, %parallel_loop3A_998] : memref<2x64x128xf32, #tpu.memory_space<vmem>> -> memref<1x64x128xf32, #tpu.memory_space<vmem>>
        %parallel_loop3A_1000 = tpu.memref_squeeze %parallel_loop3A_999 : memref<1x64x128xf32, #tpu.memory_space<vmem>> -> memref<64x128xf32, #tpu.memory_space<vmem>>
        %parallel_loop3A_1001 = arith.index_cast %parallel_loop3A_590 : i32 to index
        %parallel_loop3A_1002 = arith.constant 80 : index
        %parallel_loop3A_1003 = tpu.vector_load %parallel_loop3A_1000[%parallel_loop3A_1001, %parallel_loop3A_1002] {strides = array<i32>} : memref<64x128xf32, #tpu.memory_space<vmem>>, vector<16xf32>,
        %parallel_loop3A_1004 = arith.subf %parallel_loop3A_982, %parallel_loop3A_989 : vector<16xf32>
        %parallel_loop3A_1005 = arith.addf %parallel_loop3A_1004, %parallel_loop3A_1003 : vector<16xf32>
        %parallel_loop3A_1006 = arith.mulf %parallel_loop3A_810, %parallel_loop3A_996 : vector<16xf32>
        %parallel_loop3A_1007 = arith.subf %parallel_loop3A_1005, %parallel_loop3A_1006 : vector<16xf32>
        %parallel_loop3A_1008 = arith.mulf %parallel_loop3A_1007, %parallel_loop3A_1007 : vector<16xf32>
        %parallel_loop3A_1009 = arith.constant 0 : i32
        %parallel_loop3A_1010 = arith.constant 0 : i32
        %parallel_loop3A_1011 = tpu.memref_slice %arg10[%parallel_loop3A_385, %parallel_loop3A_1009, %parallel_loop3A_1010] : memref<2x64x128xf32, #tpu.memory_space<vmem>> -> memref<1x64x128xf32, #tpu.memory_space<vmem>>
        %parallel_loop3A_1012 = tpu.memref_squeeze %parallel_loop3A_1011 : memref<1x64x128xf32, #tpu.memory_space<vmem>> -> memref<64x128xf32, #tpu.memory_space<vmem>>
        %parallel_loop3A_1013 = arith.index_cast %parallel_loop3A_590 : i32 to index
        %parallel_loop3A_1014 = arith.constant 96 : index
        %parallel_loop3A_1015 = tpu.vector_load %parallel_loop3A_1012[%parallel_loop3A_1013, %parallel_loop3A_1014] {strides = array<i32>} : memref<64x128xf32, #tpu.memory_space<vmem>>, vector<16xf32>,
        %parallel_loop3A_1016 = arith.constant 0 : i32
        %parallel_loop3A_1017 = arith.constant 0 : i32
        %parallel_loop3A_1018 = tpu.memref_slice %arg11[%parallel_loop3A_386, %parallel_loop3A_1016, %parallel_loop3A_1017] : memref<2x64x128xf32, #tpu.memory_space<vmem>> -> memref<1x64x128xf32, #tpu.memory_space<vmem>>
        %parallel_loop3A_1019 = tpu.memref_squeeze %parallel_loop3A_1018 : memref<1x64x128xf32, #tpu.memory_space<vmem>> -> memref<64x128xf32, #tpu.memory_space<vmem>>
        %parallel_loop3A_1020 = arith.index_cast %parallel_loop3A_590 : i32 to index
        %parallel_loop3A_1021 = arith.constant 96 : index
        %parallel_loop3A_1022 = tpu.vector_load %parallel_loop3A_1019[%parallel_loop3A_1020, %parallel_loop3A_1021] {strides = array<i32>} : memref<64x128xf32, #tpu.memory_space<vmem>>, vector<16xf32>,
        %parallel_loop3A_1023 = arith.constant 0 : i32
        %parallel_loop3A_1024 = arith.constant 0 : i32
        %parallel_loop3A_1025 = tpu.memref_slice %arg13[%parallel_loop3A_387, %parallel_loop3A_1023, %parallel_loop3A_1024] : memref<2x64x128xf32, #tpu.memory_space<vmem>> -> memref<1x64x128xf32, #tpu.memory_space<vmem>>
        %parallel_loop3A_1026 = tpu.memref_squeeze %parallel_loop3A_1025 : memref<1x64x128xf32, #tpu.memory_space<vmem>> -> memref<64x128xf32, #tpu.memory_space<vmem>>
        %parallel_loop3A_1027 = arith.index_cast %parallel_loop3A_590 : i32 to index
        %parallel_loop3A_1028 = arith.constant 96 : index
        %parallel_loop3A_1029 = tpu.vector_load %parallel_loop3A_1026[%parallel_loop3A_1027, %parallel_loop3A_1028] {strides = array<i32>} : memref<64x128xf32, #tpu.memory_space<vmem>>, vector<16xf32>,
        %parallel_loop3A_1030 = arith.constant 0 : i32
        %parallel_loop3A_1031 = arith.constant 0 : i32
        %parallel_loop3A_1032 = tpu.memref_slice %arg12[%parallel_loop3A_388, %parallel_loop3A_1030, %parallel_loop3A_1031] : memref<2x64x128xf32, #tpu.memory_space<vmem>> -> memref<1x64x128xf32, #tpu.memory_space<vmem>>
        %parallel_loop3A_1033 = tpu.memref_squeeze %parallel_loop3A_1032 : memref<1x64x128xf32, #tpu.memory_space<vmem>> -> memref<64x128xf32, #tpu.memory_space<vmem>>
        %parallel_loop3A_1034 = arith.index_cast %parallel_loop3A_590 : i32 to index
        %parallel_loop3A_1035 = arith.constant 96 : index
        %parallel_loop3A_1036 = tpu.vector_load %parallel_loop3A_1033[%parallel_loop3A_1034, %parallel_loop3A_1035] {strides = array<i32>} : memref<64x128xf32, #tpu.memory_space<vmem>>, vector<16xf32>,
        %parallel_loop3A_1037 = arith.subf %parallel_loop3A_1015, %parallel_loop3A_1022 : vector<16xf32>
        %parallel_loop3A_1038 = arith.addf %parallel_loop3A_1037, %parallel_loop3A_1036 : vector<16xf32>
        %parallel_loop3A_1039 = arith.mulf %parallel_loop3A_810, %parallel_loop3A_1029 : vector<16xf32>
        %parallel_loop3A_1040 = arith.subf %parallel_loop3A_1038, %parallel_loop3A_1039 : vector<16xf32>
        %parallel_loop3A_1041 = arith.mulf %parallel_loop3A_1040, %parallel_loop3A_1040 : vector<16xf32>
        %parallel_loop3A_1042 = arith.constant 0 : i32
        %parallel_loop3A_1043 = arith.constant 0 : i32
        %parallel_loop3A_1044 = tpu.memref_slice %arg10[%parallel_loop3A_385, %parallel_loop3A_1042, %parallel_loop3A_1043] : memref<2x64x128xf32, #tpu.memory_space<vmem>> -> memref<1x64x128xf32, #tpu.memory_space<vmem>>
        %parallel_loop3A_1045 = tpu.memref_squeeze %parallel_loop3A_1044 : memref<1x64x128xf32, #tpu.memory_space<vmem>> -> memref<64x128xf32, #tpu.memory_space<vmem>>
        %parallel_loop3A_1046 = arith.index_cast %parallel_loop3A_590 : i32 to index
        %parallel_loop3A_1047 = arith.constant 112 : index
        %parallel_loop3A_1048 = tpu.vector_load %parallel_loop3A_1045[%parallel_loop3A_1046, %parallel_loop3A_1047] {strides = array<i32>} : memref<64x128xf32, #tpu.memory_space<vmem>>, vector<16xf32>,
        %parallel_loop3A_1049 = arith.constant 0 : i32
        %parallel_loop3A_1050 = arith.constant 0 : i32
        %parallel_loop3A_1051 = tpu.memref_slice %arg11[%parallel_loop3A_386, %parallel_loop3A_1049, %parallel_loop3A_1050] : memref<2x64x128xf32, #tpu.memory_space<vmem>> -> memref<1x64x128xf32, #tpu.memory_space<vmem>>
        %parallel_loop3A_1052 = tpu.memref_squeeze %parallel_loop3A_1051 : memref<1x64x128xf32, #tpu.memory_space<vmem>> -> memref<64x128xf32, #tpu.memory_space<vmem>>
        %parallel_loop3A_1053 = arith.index_cast %parallel_loop3A_590 : i32 to index
        %parallel_loop3A_1054 = arith.constant 112 : index
        %parallel_loop3A_1055 = tpu.vector_load %parallel_loop3A_1052[%parallel_loop3A_1053, %parallel_loop3A_1054] {strides = array<i32>} : memref<64x128xf32, #tpu.memory_space<vmem>>, vector<16xf32>,
        %parallel_loop3A_1056 = arith.constant 0 : i32
        %parallel_loop3A_1057 = arith.constant 0 : i32
        %parallel_loop3A_1058 = tpu.memref_slice %arg13[%parallel_loop3A_387, %parallel_loop3A_1056, %parallel_loop3A_1057] : memref<2x64x128xf32, #tpu.memory_space<vmem>> -> memref<1x64x128xf32, #tpu.memory_space<vmem>>
        %parallel_loop3A_1059 = tpu.memref_squeeze %parallel_loop3A_1058 : memref<1x64x128xf32, #tpu.memory_space<vmem>> -> memref<64x128xf32, #tpu.memory_space<vmem>>
        %parallel_loop3A_1060 = arith.index_cast %parallel_loop3A_590 : i32 to index
        %parallel_loop3A_1061 = arith.constant 112 : index
        %parallel_loop3A_1062 = tpu.vector_load %parallel_loop3A_1059[%parallel_loop3A_1060, %parallel_loop3A_1061] {strides = array<i32>} : memref<64x128xf32, #tpu.memory_space<vmem>>, vector<16xf32>,
        %parallel_loop3A_1063 = arith.constant 0 : i32
        %parallel_loop3A_1064 = arith.constant 0 : i32
        %parallel_loop3A_1065 = tpu.memref_slice %arg12[%parallel_loop3A_388, %parallel_loop3A_1063, %parallel_loop3A_1064] : memref<2x64x128xf32, #tpu.memory_space<vmem>> -> memref<1x64x128xf32, #tpu.memory_space<vmem>>
        %parallel_loop3A_1066 = tpu.memref_squeeze %parallel_loop3A_1065 : memref<1x64x128xf32, #tpu.memory_space<vmem>> -> memref<64x128xf32, #tpu.memory_space<vmem>>
        %parallel_loop3A_1067 = arith.index_cast %parallel_loop3A_590 : i32 to index
        %parallel_loop3A_1068 = arith.constant 112 : index
        %parallel_loop3A_1069 = tpu.vector_load %parallel_loop3A_1066[%parallel_loop3A_1067, %parallel_loop3A_1068] {strides = array<i32>} : memref<64x128xf32, #tpu.memory_space<vmem>>, vector<16xf32>,
        %parallel_loop3A_1070 = arith.subf %parallel_loop3A_1048, %parallel_loop3A_1055 : vector<16xf32>
        %parallel_loop3A_1071 = arith.addf %parallel_loop3A_1070, %parallel_loop3A_1069 : vector<16xf32>
        %parallel_loop3A_1072 = arith.mulf %parallel_loop3A_810, %parallel_loop3A_1062 : vector<16xf32>
        %parallel_loop3A_1073 = arith.subf %parallel_loop3A_1071, %parallel_loop3A_1072 : vector<16xf32>
        %parallel_loop3A_1074 = arith.mulf %parallel_loop3A_1073, %parallel_loop3A_1073 : vector<16xf32>
        %parallel_loop3A_1075 = arith.addf %parallel_loop3A_843, %parallel_loop3A_876 : vector<16xf32>
        %parallel_loop3A_1076 = arith.addf %parallel_loop3A_909, %parallel_loop3A_942 : vector<16xf32>
        %parallel_loop3A_1077 = arith.addf %parallel_loop3A_975, %parallel_loop3A_1008 : vector<16xf32>
        %parallel_loop3A_1078 = arith.addf %parallel_loop3A_1041, %parallel_loop3A_1074 : vector<16xf32>
        %parallel_loop3A_1079 = arith.addf %parallel_loop3A_1075, %parallel_loop3A_1076 : vector<16xf32>
        %parallel_loop3A_1080 = arith.addf %parallel_loop3A_1077, %parallel_loop3A_1078 : vector<16xf32>
        %parallel_loop3A_1081 = arith.addf %parallel_loop3A_1079, %parallel_loop3A_1080 : vector<16xf32>
        %parallel_loop3A_1082 = tpu.iota {dimensions = array<i32: 0>} : vector<16xi32>
        %parallel_loop3A_1083 = arith.constant 8 : i32
        %parallel_loop3A_1084 = vector.broadcast %parallel_loop3A_1083 : i32 to vector<16xi32>
        %parallel_loop3A_1085 = arith.xori %parallel_loop3A_1082, %parallel_loop3A_1084 : vector<16xi32>
        %parallel_loop3A_1086 = vector.shape_cast %parallel_loop3A_1085 : vector<16xi32> to vector<16x1xi32>
        %parallel_loop3A_1087 = vector.shape_cast %parallel_loop3A_1086 : vector<16x1xi32> to vector<16xi32>
        %parallel_loop3A_1088 = tpu.dynamic_gather %parallel_loop3A_1081[%parallel_loop3A_1087] in [0] : vector<16xf32>, vector<16xi32> -> vector<16xf32>
        %parallel_loop3A_1089 = arith.addf %parallel_loop3A_1081, %parallel_loop3A_1088 : vector<16xf32>
        %parallel_loop3A_1090 = arith.constant 4 : i32
        %parallel_loop3A_1091 = vector.broadcast %parallel_loop3A_1090 : i32 to vector<16xi32>
        %parallel_loop3A_1092 = arith.xori %parallel_loop3A_1082, %parallel_loop3A_1091 : vector<16xi32>
        %parallel_loop3A_1093 = vector.shape_cast %parallel_loop3A_1092 : vector<16xi32> to vector<16x1xi32>
        %parallel_loop3A_1094 = vector.shape_cast %parallel_loop3A_1093 : vector<16x1xi32> to vector<16xi32>
        %parallel_loop3A_1095 = tpu.dynamic_gather %parallel_loop3A_1089[%parallel_loop3A_1094] in [0] : vector<16xf32>, vector<16xi32> -> vector<16xf32>
        %parallel_loop3A_1096 = arith.addf %parallel_loop3A_1089, %parallel_loop3A_1095 : vector<16xf32>
        %parallel_loop3A_1097 = arith.constant 2 : i32
        %parallel_loop3A_1098 = vector.broadcast %parallel_loop3A_1097 : i32 to vector<16xi32>
        %parallel_loop3A_1099 = arith.xori %parallel_loop3A_1082, %parallel_loop3A_1098 : vector<16xi32>
        %parallel_loop3A_1100 = vector.shape_cast %parallel_loop3A_1099 : vector<16xi32> to vector<16x1xi32>
        %parallel_loop3A_1101 = vector.shape_cast %parallel_loop3A_1100 : vector<16x1xi32> to vector<16xi32>
        %parallel_loop3A_1102 = tpu.dynamic_gather %parallel_loop3A_1096[%parallel_loop3A_1101] in [0] : vector<16xf32>, vector<16xi32> -> vector<16xf32>
        %parallel_loop3A_1103 = arith.addf %parallel_loop3A_1096, %parallel_loop3A_1102 : vector<16xf32>
        %parallel_loop3A_1104 = arith.constant 1 : i32
        %parallel_loop3A_1105 = vector.broadcast %parallel_loop3A_1104 : i32 to vector<16xi32>
        %parallel_loop3A_1106 = arith.xori %parallel_loop3A_1082, %parallel_loop3A_1105 : vector<16xi32>
        %parallel_loop3A_1107 = vector.shape_cast %parallel_loop3A_1106 : vector<16xi32> to vector<16x1xi32>
        %parallel_loop3A_1108 = vector.shape_cast %parallel_loop3A_1107 : vector<16x1xi32> to vector<16xi32>
        %parallel_loop3A_1109 = tpu.dynamic_gather %parallel_loop3A_1103[%parallel_loop3A_1108] in [0] : vector<16xf32>, vector<16xi32> -> vector<16xf32>
        %parallel_loop3A_1110 = arith.addf %parallel_loop3A_1103, %parallel_loop3A_1109 : vector<16xf32>
        %parallel_loop3A_1111 = arith.index_cast %parallel_loop3A_590 : i32 to index
        %parallel_loop3A_1112 = arith.constant 0 : index
        %parallel_loop3A_1113 = tpu.vector_load %arg15[%parallel_loop3A_1111, %parallel_loop3A_1112] {strides = array<i32>} : memref<64x16xf32, #tpu.memory_space<vmem>>, vector<16xf32>,
        tpu.vector_store %arg15[%parallel_loop3A_1111, %parallel_loop3A_1112], %parallel_loop3A_1110 {strides = array<i32>} : memref<64x16xf32, #tpu.memory_space<vmem>>, vector<16xf32>,
      } {sc.loop_unroll_factor = 4 : i64, sc.parallel_access}
      %iota3A_389 = tpu.iota {dimensions = array<i32: 0>} : vector<16xi32>
      %add3A_390 = arith.constant 0 : i32
      %add3A_391 = vector.broadcast %add3A_390 : i32 to vector<16xi32>
      %add3A_392 = arith.addi %add3A_391, %iota3A_389 : vector<16xi32>
      %gather3A_393 = tpu.vector_load_idx %arg15[%add3A_392, %iota3A_389] : memref<64x16xf32, #tpu.memory_space<vmem>>[vector<16xi32>, vector<16xi32>], vector<16xf32>,
      %max3A_394 = arith.constant 1.000000e-30 : f32
      %max3A_395 = vector.broadcast %max3A_394 : f32 to vector<16xf32>
      %max3A_396 = arith.maximumf %gather3A_393, %max3A_395 : vector<16xf32>
      %bitcast_convert_type3A_397 = tpu.bitcast %max3A_396 : vector<16xf32> -> vector<16xi32>
      %shift_right_arithmetic3A_398 = arith.constant 1 : i32
      %shift_right_arithmetic3A_399 = vector.broadcast %shift_right_arithmetic3A_398 : i32 to vector<16xi32>
      %shift_right_arithmetic3A_400 = arith.shrsi %bitcast_convert_type3A_397, %shift_right_arithmetic3A_399 : vector<16xi32>
      %sub3A_401 = arith.constant 1597463007 : i32
      %sub3A_402 = vector.broadcast %sub3A_401 : i32 to vector<16xi32>
      %sub3A_403 = arith.subi %sub3A_402, %shift_right_arithmetic3A_400 : vector<16xi32>
      %bitcast_convert_type3A_404 = tpu.bitcast %sub3A_403 : vector<16xi32> -> vector<16xf32>
      %mul3A_405 = arith.constant 5.000000e-01 : f32
      %mul3A_406 = vector.broadcast %mul3A_405 : f32 to vector<16xf32>
      %mul3A_407 = arith.mulf %mul3A_406, %max3A_396 : vector<16xf32>
      %mul3A_408 = arith.mulf %mul3A_407, %bitcast_convert_type3A_404 : vector<16xf32>
      %mul3A_409 = arith.mulf %mul3A_408, %bitcast_convert_type3A_404 : vector<16xf32>
      %sub3A_410 = arith.constant 1.500000e+00 : f32
      %sub3A_411 = vector.broadcast %sub3A_410 : f32 to vector<16xf32>
      %sub3A_412 = arith.subf %sub3A_411, %mul3A_409 : vector<16xf32>
      %mul3A_413 = arith.mulf %bitcast_convert_type3A_404, %sub3A_412 : vector<16xf32>
      %mul3A_414 = arith.constant 5.000000e-01 : f32
      %mul3A_415 = vector.broadcast %mul3A_414 : f32 to vector<16xf32>
      %mul3A_416 = arith.mulf %mul3A_415, %max3A_396 : vector<16xf32>
      %mul3A_417 = arith.mulf %mul3A_416, %mul3A_413 : vector<16xf32>
      %mul3A_418 = arith.mulf %mul3A_417, %mul3A_413 : vector<16xf32>
      %sub3A_419 = arith.constant 1.500000e+00 : f32
      %sub3A_420 = vector.broadcast %sub3A_419 : f32 to vector<16xf32>
      %sub3A_421 = arith.subf %sub3A_420, %mul3A_418 : vector<16xf32>
      %mul3A_422 = arith.mulf %mul3A_413, %sub3A_421 : vector<16xf32>
      %mul3A_423 = arith.constant 5.000000e-01 : f32
      %mul3A_424 = vector.broadcast %mul3A_423 : f32 to vector<16xf32>
      %mul3A_425 = arith.mulf %mul3A_424, %max3A_396 : vector<16xf32>
      %mul3A_426 = arith.mulf %mul3A_425, %mul3A_422 : vector<16xf32>
      %mul3A_427 = arith.mulf %mul3A_426, %mul3A_422 : vector<16xf32>
      %sub3A_428 = arith.constant 1.500000e+00 : f32
      %sub3A_429 = vector.broadcast %sub3A_428 : f32 to vector<16xf32>
      %sub3A_430 = arith.subf %sub3A_429, %mul3A_427 : vector<16xf32>
      %mul3A_431 = arith.mulf %mul3A_422, %sub3A_430 : vector<16xf32>
      %mul3A_432 = arith.mulf %max3A_396, %mul3A_431 : vector<16xf32>
      %neg3A_433 = arith.constant 0.000000e+00 : f32
      %neg3A_434 = vector.broadcast %neg3A_433 : f32 to vector<16xf32>
      %neg3A_435 = arith.subf %neg3A_434, %mul3A_432 : vector<16xf32>
      %add3A_436 = arith.constant 0 : i32
      %add3A_437 = arith.addi %mul3A_381, %add3A_436 : i32
      %swap3A_438 = arith.index_cast %add3A_437 : i32 to index
      %swap3A_439 = tpu.vector_load %arg14[%swap3A_438] {strides = array<i32>} : memref<512xf32, #tpu.memory_space<vmem>>, vector<16xf32>,
      tpu.vector_store %arg14[%swap3A_438], %neg3A_435 {strides = array<i32>} : memref<512xf32, #tpu.memory_space<vmem>>, vector<16xf32>,
      %add3A_440 = arith.constant 16 : i32
      %add3A_441 = vector.broadcast %add3A_440 : i32 to vector<16xi32>
      %add3A_442 = arith.addi %add3A_441, %iota3A_389 : vector<16xi32>
      %gather3A_443 = tpu.vector_load_idx %arg15[%add3A_442, %iota3A_389] : memref<64x16xf32, #tpu.memory_space<vmem>>[vector<16xi32>, vector<16xi32>], vector<16xf32>,
      %max3A_444 = arith.constant 1.000000e-30 : f32
      %max3A_445 = vector.broadcast %max3A_444 : f32 to vector<16xf32>
      %max3A_446 = arith.maximumf %gather3A_443, %max3A_445 : vector<16xf32>
      %bitcast_convert_type3A_447 = tpu.bitcast %max3A_446 : vector<16xf32> -> vector<16xi32>
      %shift_right_arithmetic3A_448 = arith.constant 1 : i32
      %shift_right_arithmetic3A_449 = vector.broadcast %shift_right_arithmetic3A_448 : i32 to vector<16xi32>
      %shift_right_arithmetic3A_450 = arith.shrsi %bitcast_convert_type3A_447, %shift_right_arithmetic3A_449 : vector<16xi32>
      %sub3A_451 = arith.constant 1597463007 : i32
      %sub3A_452 = vector.broadcast %sub3A_451 : i32 to vector<16xi32>
      %sub3A_453 = arith.subi %sub3A_452, %shift_right_arithmetic3A_450 : vector<16xi32>
      %bitcast_convert_type3A_454 = tpu.bitcast %sub3A_453 : vector<16xi32> -> vector<16xf32>
      %mul3A_455 = arith.constant 5.000000e-01 : f32
      %mul3A_456 = vector.broadcast %mul3A_455 : f32 to vector<16xf32>
      %mul3A_457 = arith.mulf %mul3A_456, %max3A_446 : vector<16xf32>
      %mul3A_458 = arith.mulf %mul3A_457, %bitcast_convert_type3A_454 : vector<16xf32>
      %mul3A_459 = arith.mulf %mul3A_458, %bitcast_convert_type3A_454 : vector<16xf32>
      %sub3A_460 = arith.constant 1.500000e+00 : f32
      %sub3A_461 = vector.broadcast %sub3A_460 : f32 to vector<16xf32>
      %sub3A_462 = arith.subf %sub3A_461, %mul3A_459 : vector<16xf32>
      %mul3A_463 = arith.mulf %bitcast_convert_type3A_454, %sub3A_462 : vector<16xf32>
      %mul3A_464 = arith.constant 5.000000e-01 : f32
      %mul3A_465 = vector.broadcast %mul3A_464 : f32 to vector<16xf32>
      %mul3A_466 = arith.mulf %mul3A_465, %max3A_446 : vector<16xf32>
      %mul3A_467 = arith.mulf %mul3A_466, %mul3A_463 : vector<16xf32>
      %mul3A_468 = arith.mulf %mul3A_467, %mul3A_463 : vector<16xf32>
      %sub3A_469 = arith.constant 1.500000e+00 : f32
      %sub3A_470 = vector.broadcast %sub3A_469 : f32 to vector<16xf32>
      %sub3A_471 = arith.subf %sub3A_470, %mul3A_468 : vector<16xf32>
      %mul3A_472 = arith.mulf %mul3A_463, %sub3A_471 : vector<16xf32>
      %mul3A_473 = arith.constant 5.000000e-01 : f32
      %mul3A_474 = vector.broadcast %mul3A_473 : f32 to vector<16xf32>
      %mul3A_475 = arith.mulf %mul3A_474, %max3A_446 : vector<16xf32>
      %mul3A_476 = arith.mulf %mul3A_475, %mul3A_472 : vector<16xf32>
      %mul3A_477 = arith.mulf %mul3A_476, %mul3A_472 : vector<16xf32>
      %sub3A_478 = arith.constant 1.500000e+00 : f32
      %sub3A_479 = vector.broadcast %sub3A_478 : f32 to vector<16xf32>
      %sub3A_480 = arith.subf %sub3A_479, %mul3A_477 : vector<16xf32>
      %mul3A_481 = arith.mulf %mul3A_472, %sub3A_480 : vector<16xf32>
      %mul3A_482 = arith.mulf %max3A_446, %mul3A_481 : vector<16xf32>
      %neg3A_483 = arith.constant 0.000000e+00 : f32
      %neg3A_484 = vector.broadcast %neg3A_483 : f32 to vector<16xf32>
      %neg3A_485 = arith.subf %neg3A_484, %mul3A_482 : vector<16xf32>
      %add3A_486 = arith.constant 16 : i32
      %add3A_487 = arith.addi %mul3A_381, %add3A_486 : i32
      %swap3A_488 = arith.index_cast %add3A_487 : i32 to index
      %swap3A_489 = tpu.vector_load %arg14[%swap3A_488] {strides = array<i32>} : memref<512xf32, #tpu.memory_space<vmem>>, vector<16xf32>,
      tpu.vector_store %arg14[%swap3A_488], %neg3A_485 {strides = array<i32>} : memref<512xf32, #tpu.memory_space<vmem>>, vector<16xf32>,
      %add3A_490 = arith.constant 32 : i32
      %add3A_491 = vector.broadcast %add3A_490 : i32 to vector<16xi32>
      %add3A_492 = arith.addi %add3A_491, %iota3A_389 : vector<16xi32>
      %gather3A_493 = tpu.vector_load_idx %arg15[%add3A_492, %iota3A_389] : memref<64x16xf32, #tpu.memory_space<vmem>>[vector<16xi32>, vector<16xi32>], vector<16xf32>,
      %max3A_494 = arith.constant 1.000000e-30 : f32
      %max3A_495 = vector.broadcast %max3A_494 : f32 to vector<16xf32>
      %max3A_496 = arith.maximumf %gather3A_493, %max3A_495 : vector<16xf32>
      %bitcast_convert_type3A_497 = tpu.bitcast %max3A_496 : vector<16xf32> -> vector<16xi32>
      %shift_right_arithmetic3A_498 = arith.constant 1 : i32
      %shift_right_arithmetic3A_499 = vector.broadcast %shift_right_arithmetic3A_498 : i32 to vector<16xi32>
      %shift_right_arithmetic3A_500 = arith.shrsi %bitcast_convert_type3A_497, %shift_right_arithmetic3A_499 : vector<16xi32>
      %sub3A_501 = arith.constant 1597463007 : i32
      %sub3A_502 = vector.broadcast %sub3A_501 : i32 to vector<16xi32>
      %sub3A_503 = arith.subi %sub3A_502, %shift_right_arithmetic3A_500 : vector<16xi32>
      %bitcast_convert_type3A_504 = tpu.bitcast %sub3A_503 : vector<16xi32> -> vector<16xf32>
      %mul3A_505 = arith.constant 5.000000e-01 : f32
      %mul3A_506 = vector.broadcast %mul3A_505 : f32 to vector<16xf32>
      %mul3A_507 = arith.mulf %mul3A_506, %max3A_496 : vector<16xf32>
      %mul3A_508 = arith.mulf %mul3A_507, %bitcast_convert_type3A_504 : vector<16xf32>
      %mul3A_509 = arith.mulf %mul3A_508, %bitcast_convert_type3A_504 : vector<16xf32>
      %sub3A_510 = arith.constant 1.500000e+00 : f32
      %sub3A_511 = vector.broadcast %sub3A_510 : f32 to vector<16xf32>
      %sub3A_512 = arith.subf %sub3A_511, %mul3A_509 : vector<16xf32>
      %mul3A_513 = arith.mulf %bitcast_convert_type3A_504, %sub3A_512 : vector<16xf32>
      %mul3A_514 = arith.constant 5.000000e-01 : f32
      %mul3A_515 = vector.broadcast %mul3A_514 : f32 to vector<16xf32>
      %mul3A_516 = arith.mulf %mul3A_515, %max3A_496 : vector<16xf32>
      %mul3A_517 = arith.mulf %mul3A_516, %mul3A_513 : vector<16xf32>
      %mul3A_518 = arith.mulf %mul3A_517, %mul3A_513 : vector<16xf32>
      %sub3A_519 = arith.constant 1.500000e+00 : f32
      %sub3A_520 = vector.broadcast %sub3A_519 : f32 to vector<16xf32>
      %sub3A_521 = arith.subf %sub3A_520, %mul3A_518 : vector<16xf32>
      %mul3A_522 = arith.mulf %mul3A_513, %sub3A_521 : vector<16xf32>
      %mul3A_523 = arith.constant 5.000000e-01 : f32
      %mul3A_524 = vector.broadcast %mul3A_523 : f32 to vector<16xf32>
      %mul3A_525 = arith.mulf %mul3A_524, %max3A_496 : vector<16xf32>
      %mul3A_526 = arith.mulf %mul3A_525, %mul3A_522 : vector<16xf32>
      %mul3A_527 = arith.mulf %mul3A_526, %mul3A_522 : vector<16xf32>
      %sub3A_528 = arith.constant 1.500000e+00 : f32
      %sub3A_529 = vector.broadcast %sub3A_528 : f32 to vector<16xf32>
      %sub3A_530 = arith.subf %sub3A_529, %mul3A_527 : vector<16xf32>
      %mul3A_531 = arith.mulf %mul3A_522, %sub3A_530 : vector<16xf32>
      %mul3A_532 = arith.mulf %max3A_496, %mul3A_531 : vector<16xf32>
      %neg3A_533 = arith.constant 0.000000e+00 : f32
      %neg3A_534 = vector.broadcast %neg3A_533 : f32 to vector<16xf32>
      %neg3A_535 = arith.subf %neg3A_534, %mul3A_532 : vector<16xf32>
      %add3A_536 = arith.constant 32 : i32
      %add3A_537 = arith.addi %mul3A_381, %add3A_536 : i32
      %swap3A_538 = arith.index_cast %add3A_537 : i32 to index
      %swap3A_539 = tpu.vector_load %arg14[%swap3A_538] {strides = array<i32>} : memref<512xf32, #tpu.memory_space<vmem>>, vector<16xf32>,
      tpu.vector_store %arg14[%swap3A_538], %neg3A_535 {strides = array<i32>} : memref<512xf32, #tpu.memory_space<vmem>>, vector<16xf32>,
      %add3A_540 = arith.constant 48 : i32
      %add3A_541 = vector.broadcast %add3A_540 : i32 to vector<16xi32>
      %add3A_542 = arith.addi %add3A_541, %iota3A_389 : vector<16xi32>
      %gather3A_543 = tpu.vector_load_idx %arg15[%add3A_542, %iota3A_389] : memref<64x16xf32, #tpu.memory_space<vmem>>[vector<16xi32>, vector<16xi32>], vector<16xf32>,
      %max3A_544 = arith.constant 1.000000e-30 : f32
      %max3A_545 = vector.broadcast %max3A_544 : f32 to vector<16xf32>
      %max3A_546 = arith.maximumf %gather3A_543, %max3A_545 : vector<16xf32>
      %bitcast_convert_type3A_547 = tpu.bitcast %max3A_546 : vector<16xf32> -> vector<16xi32>
      %shift_right_arithmetic3A_548 = arith.constant 1 : i32
      %shift_right_arithmetic3A_549 = vector.broadcast %shift_right_arithmetic3A_548 : i32 to vector<16xi32>
      %shift_right_arithmetic3A_550 = arith.shrsi %bitcast_convert_type3A_547, %shift_right_arithmetic3A_549 : vector<16xi32>
      %sub3A_551 = arith.constant 1597463007 : i32
      %sub3A_552 = vector.broadcast %sub3A_551 : i32 to vector<16xi32>
      %sub3A_553 = arith.subi %sub3A_552, %shift_right_arithmetic3A_550 : vector<16xi32>
      %bitcast_convert_type3A_554 = tpu.bitcast %sub3A_553 : vector<16xi32> -> vector<16xf32>
      %mul3A_555 = arith.constant 5.000000e-01 : f32
      %mul3A_556 = vector.broadcast %mul3A_555 : f32 to vector<16xf32>
      %mul3A_557 = arith.mulf %mul3A_556, %max3A_546 : vector<16xf32>
      %mul3A_558 = arith.mulf %mul3A_557, %bitcast_convert_type3A_554 : vector<16xf32>
      %mul3A_559 = arith.mulf %mul3A_558, %bitcast_convert_type3A_554 : vector<16xf32>
      %sub3A_560 = arith.constant 1.500000e+00 : f32
      %sub3A_561 = vector.broadcast %sub3A_560 : f32 to vector<16xf32>
      %sub3A_562 = arith.subf %sub3A_561, %mul3A_559 : vector<16xf32>
      %mul3A_563 = arith.mulf %bitcast_convert_type3A_554, %sub3A_562 : vector<16xf32>
      %mul3A_564 = arith.constant 5.000000e-01 : f32
      %mul3A_565 = vector.broadcast %mul3A_564 : f32 to vector<16xf32>
      %mul3A_566 = arith.mulf %mul3A_565, %max3A_546 : vector<16xf32>
      %mul3A_567 = arith.mulf %mul3A_566, %mul3A_563 : vector<16xf32>
      %mul3A_568 = arith.mulf %mul3A_567, %mul3A_563 : vector<16xf32>
      %sub3A_569 = arith.constant 1.500000e+00 : f32
      %sub3A_570 = vector.broadcast %sub3A_569 : f32 to vector<16xf32>
      %sub3A_571 = arith.subf %sub3A_570, %mul3A_568 : vector<16xf32>
      %mul3A_572 = arith.mulf %mul3A_563, %sub3A_571 : vector<16xf32>
      %mul3A_573 = arith.constant 5.000000e-01 : f32
      %mul3A_574 = vector.broadcast %mul3A_573 : f32 to vector<16xf32>
      %mul3A_575 = arith.mulf %mul3A_574, %max3A_546 : vector<16xf32>
      %mul3A_576 = arith.mulf %mul3A_575, %mul3A_572 : vector<16xf32>
      %mul3A_577 = arith.mulf %mul3A_576, %mul3A_572 : vector<16xf32>
      %sub3A_578 = arith.constant 1.500000e+00 : f32
      %sub3A_579 = vector.broadcast %sub3A_578 : f32 to vector<16xf32>
      %sub3A_580 = arith.subf %sub3A_579, %mul3A_577 : vector<16xf32>
      %mul3A_581 = arith.mulf %mul3A_572, %sub3A_580 : vector<16xf32>
      %mul3A_582 = arith.mulf %max3A_546, %mul3A_581 : vector<16xf32>
      %neg3A_583 = arith.constant 0.000000e+00 : f32
      %neg3A_584 = vector.broadcast %neg3A_583 : f32 to vector<16xf32>
      %neg3A_585 = arith.subf %neg3A_584, %mul3A_582 : vector<16xf32>
      %add3A_586 = arith.constant 48 : i32
      %add3A_587 = arith.addi %mul3A_381, %add3A_586 : i32
      %swap3A_588 = arith.index_cast %add3A_587 : i32 to index
      %swap3A_589 = tpu.vector_load %arg14[%swap3A_588] {strides = array<i32>} : memref<512xf32, #tpu.memory_space<vmem>>, vector<16xf32>,
      tpu.vector_store %arg14[%swap3A_588], %neg3A_585 {strides = array<i32>} : memref<512xf32, #tpu.memory_space<vmem>>, vector<16xf32>,
    }
    %scan3A_50 = arith.constant 4 : i32
    "tpu.region"() ({
      %run_scoped3A = tpu.sem_alloc : memref<!tpu.dma_semaphore, #tpu.memory_space<semaphore_mem>>
      %dma_start3A_51 = tpu.memref_slice %arg6[%mul3A_2] : memref<16384xf32, #tpu.memory_space<hbm>> -> memref<512xf32, #tpu.memory_space<hbm>>
      %dma_start3A_52 = tpu.memref_slice %arg6[%mul3A_2] : memref<16384xf32, #tpu.memory_space<hbm>> -> memref<512xf32, #tpu.memory_space<hbm>>
      tpu.enqueue_dma source(%arg14 : memref<512xf32, #tpu.memory_space<vmem>>) target(%dma_start3A_52 : memref<512xf32, #tpu.memory_space<hbm>>) target_semaphore(%run_scoped3A : memref<!tpu.dma_semaphore, #tpu.memory_space<semaphore_mem>>)
      %dma_wait3A = tpu.memref_slice %arg6[%mul3A_2] : memref<16384xf32, #tpu.memory_space<hbm>> -> memref<512xf32, #tpu.memory_space<hbm>>
      %dma_wait3A_53 = tpu.memref_slice %arg6[%mul3A_2] : memref<16384xf32, #tpu.memory_space<hbm>> -> memref<512xf32, #tpu.memory_space<hbm>>
      tpu.wait_dma2 semaphore(%run_scoped3A : memref<!tpu.dma_semaphore, #tpu.memory_space<semaphore_mem>>) src(%arg14 : memref<512xf32, #tpu.memory_space<vmem>>) dst(%dma_wait3A_53 : memref<512xf32, #tpu.memory_space<hbm>>)
      tpu.yield
    }) : () -> ()
    return
  }
}

</mosaic_0001>

<sc_bundles>
// kernel: kernel.3.cloned.1.call-start
scs
__scs_entry_jumppad:
0x0: {  	(pc) =	sbr.rel $0x88, $3  }
0x1: {  	(tag) =	ssettag $0x0;
	lr =	simm.s32 $0x1  }
0x2: {  	[smem:$0x3F9D] =	sst lr;
	_ =	strace $0xD0000000  }
0x3: {  	_ = 	snop  }
0x4: {  	_ = 	snop  }
0x5: {  	_ = 	snop  }
0x6: {  	_ = 	snop  }
0x7: {  	_ = 	snop  }
__scs_overlays_trampoline_lowered:
0x8: {  	[smem:$0x3FAC] =	sst s0  }
0x9: {  	[smem:$0x3FAD] =	sst s1  }
0xa: {  	[smem:$0x3FAE] =	sst s2  }
0xb: {  	[smem:$0x3FAF] =	sst s3  }
0xc: {  	[smem:$0x3FB0] =	sst s4  }
0xd: {  	[smem:$0x3FB1] =	sst s5  }
0xe: {  	[smem:$0x3FB2] =	sst s6  }
0xf: {  	[smem:$0x3FB3] =	sst s7  }
0x10: {  	[smem:$0x3FB4] =	sst s8  }
0x11: {  	[smem:$0x3FB5] =	sst s9;
	s0 =	simm.s32 @!p0 $0x0  }
0x12: {  	s1 =	sld [smem:$0x3F9B];
	s0 =	simm.s32 @p0 $0x1  }
0x13: {  	[smem:$0x3FB6] =	sst s0;
	s0 =	simm.s32 @!p1 $0x0  }
0x14: {  	s2 =	sld [smem:$0x3F9A];
	s0 =	simm.s32 @p1 $0x1  }
0x15: {  	[smem:$0x3FB7] =	sst s0;
	s0 =	simm.s32 @!p2 $0x0  }
0x16: {  	s3 =	sld [smem:$0x3FDB];
	s0 =	simm.s32 @p2 $0x1  }
0x17: {  	s4 =	simm.s32 $0x1BF5;
	[smem:$0x3FB9] =	sst s0  }
0x18: {  	s0 =	sld [smem:$0x3F9C];
	_ =	swait.ge [sflag:s4], $0x0  }
0x19: {  	s7 =	sld [smem:$0x3F9D]  }
0x1a: {  	s8 =	sadd.s32 $0xFFFFE003, lr  }
0x1b: {  	s9 =	sadd.s32 $0xFFFFFEF7, lr;
	s5 =	simm.s32 $0xFFFFFFFF;
	p2 =	slt.u32 s8, $0xFFFFF086  }
0x1c: {  	p1 =	slt.u32 s9, $0xF7A;
	s5 =	simm.s32 @!p2 $0x0  }
0x1d: {  	s5 =	simm.s32 @p1 $0x1;
	p0 =	seq.s32 s7, s2  }
0x1e: {  	s7 =	smul.u32 @!p0 $0xF7A, s2;
	p2 =	seq.s32 @!p0 s5, $0x0  }
0x1f: {  	s9 =	smul.u32 $0xF7A, s1;
	s8 =	simm.s32 @!p0 $0x1BF5;
	p2 =	por !p2, p0  }
0x20: {  	[sflag:s8] =	ssyncset.s32 @!p0 $0xFFFFF086;
	s6 =	sadd.s32 @!p0 s3, s7;
	s7 =	simm.s32 @!p0 $0x108  }
0x21: {  	s3 =	sadd.s32 s3, s9;
	s6 =	sadd.s32 @!p0 $0x88, s6;
	s7 =	simm.s32 @p2 $0x1082  }
0x22: {  	[simem:s7], [sflag:s8] =	dma.local @!p0 [hbm:s6], $0xF7A  }
0x23: {  	s9 =	sor.u32 $0xD0000000, s2;
	s6 =	simm.s32 $0x108;
	_ =	swait.ge @!p0 [sflag:s8], $0x0  }
0x24: {  	s3 =	sadd.s32 $0x88, s3;
	s6 =	simm.s32 @!p1 $0x1082;
	[sflag:s4] =	ssyncset.s32 $0xFFFFF086  }
0x25: {  	[simem:s6], [sflag:s4] =	dma.local [hbm:s3], $0xF7A  }
0x26: {  	[smem:$0x3F9D] =	sst s1;
	(tag) =	ssettag s2;
	_ =	strace s9  }
0x27: {  	s1 =	sld [smem:$0x3FAD]  }
0x28: {  	s2 =	sld [smem:$0x3FAE]  }
0x29: {  	s4 =	sld [smem:$0x3FB0]  }
0x2a: {  	p0 =	seq.s32 s5, $0x0;
	s5 =	sld [smem:$0x3FB1]  }
0x2b: {  	s6 =	sld [smem:$0x3FB2]  }
0x2c: {  	s7 =	sld [smem:$0x3FB3]  }
0x2d: {  	s3 =	simm.s32 $0x108;
	s8 =	sld [smem:$0x3FB4]  }
0x2e: {  	s3 =	simm.s32 @!p0 $0x1082;
	s9 =	sld [smem:$0x3FB5]  }
0x2f: {  	lr =	sadd.s32 s0, s3;
	s0 =	sld [smem:$0x3FAC]  }
0x30: {  	s3 =	sld [smem:$0x3FAF]  }
0x31: {  	[smem:$0x3FB8] =	sst s10  }
0x32: {  	s10 =	sld [smem:$0x3FB6];
	_ =	sdelay $0x3  }
0x33: {  	p0 =	seq.s32 s10, $0x1;
	s10 =	sld [smem:$0x3FB8];
	_ =	sdelay $0x3  }
0x34: {  	[smem:$0x3FB8] =	sst s10  }
0x35: {  	s10 =	sld [smem:$0x3FB7];
	_ =	sdelay $0x3  }
0x36: {  	p1 =	seq.s32 s10, $0x1;
	s10 =	sld [smem:$0x3FB8];
	_ =	sdelay $0x3  }
0x37: {  	[smem:$0x3FB8] =	sst s10  }
0x38: {  	s10 =	sld [smem:$0x3FB9]  }
0x39: {  	_ = 	snop;
	(pc) =	sbr.ind lr, $3  }
0x3a: {  	_ = 	snop  }
0x3b: {  	_ = 	snop  }
0x3c: {  	p2 =	seq.s32 s10, $0x1;
	s10 =	sld [smem:$0x3FB8]  }
0x3d: {  	_ =	shalt  }
0x3e: {  	_ =	shalt  }
0x3f: {  	_ =	shalt  }
0x40: {  	_ =	shalt  }
0x41: {  	_ =	shalt  }
0x42: {  	_ =	shalt  }
0x43: {  	_ =	shalt  }
0x44: {  	_ =	shalt  }
0x45: {  	_ =	shalt  }
0x46: {  	_ =	shalt  }
0x47: {  	_ =	shalt  }
0x48: {  	_ =	shalt  }
0x49: {  	_ =	shalt  }
0x4a: {  	_ =	shalt  }
0x4b: {  	_ =	shalt  }
0x4c: {  	_ =	shalt  }
0x4d: {  	_ =	shalt  }
0x4e: {  	_ =	shalt  }
0x4f: {  	_ =	shalt  }
0x50: {  	_ =	shalt  }
0x51: {  	_ =	shalt  }
0x52: {  	_ =	shalt  }
0x53: {  	_ =	shalt  }
0x54: {  	_ =	shalt  }
0x55: {  	_ =	shalt  }
0x56: {  	_ =	shalt  }
0x57: {  	_ =	shalt  }
0x58: {  	_ =	shalt  }
0x59: {  	_ =	shalt  }
0x5a: {  	_ =	shalt  }
0x5b: {  	_ =	shalt  }
0x5c: {  	_ =	shalt  }
0x5d: {  	_ =	shalt  }
0x5e: {  	_ =	shalt  }
0x5f: {  	_ =	shalt  }
0x60: {  	_ =	shalt  }
0x61: {  	_ =	shalt  }
0x62: {  	_ =	shalt  }
0x63: {  	_ =	shalt  }
0x64: {  	_ =	shalt  }
0x65: {  	_ =	shalt  }
0x66: {  	_ =	shalt  }
0x67: {  	_ =	shalt  }
0x68: {  	_ =	shalt  }
0x69: {  	_ =	shalt  }
0x6a: {  	_ =	shalt  }
0x6b: {  	_ =	shalt  }
0x6c: {  	_ =	shalt  }
0x6d: {  	_ =	shalt  }
0x6e: {  	_ =	shalt  }
0x6f: {  	_ =	shalt  }
0x70: {  	_ =	shalt  }
0x71: {  	_ =	shalt  }
0x72: {  	_ =	shalt  }
0x73: {  	_ =	shalt  }
0x74: {  	_ =	shalt  }
0x75: {  	_ =	shalt  }
0x76: {  	_ =	shalt  }
0x77: {  	_ =	shalt  }
0x78: {  	_ =	shalt  }
0x79: {  	_ =	shalt  }
0x7a: {  	_ =	shalt  }
0x7b: {  	_ =	shalt  }
0x7c: {  	_ =	shalt  }
0x7d: {  	_ =	shalt  }
0x7e: {  	_ =	shalt  }
0x7f: {  	_ =	shalt  }
0x80: {  	_ =	shalt  }
0x81: {  	_ =	shalt  }
0x82: {  	_ =	shalt  }
0x83: {  	_ =	shalt  }
0x84: {  	_ =	shalt  }
0x85: {  	_ =	shalt  }
0x86: {  	_ =	shalt  }
0x87: {  	_ =	shalt  }
.Lfunc_end0:
.L_simem_size_0:
called_computation_lowered:
.L_overlay_start_0:
0x88: {  	s2 =	sld [smem:$0x3FD9]  }
0x89: {  	s3 =	sld [smem:$0x3FFE];
	_ =	sdelay $0x1  }
0x8a: {  	s1 =	srdreg.scid  }
0x8b: {  	s0 =	sand.u32 $0x1, s1  }
0x8c: {  	s17 =	sshll.u32 s0, $0xA;
	s2 =	sadd.s32 s3, s2  }
0x8d: {  	s2 =	sadd.s32 s2, s17  }
0x8e: {  	[smem:$0x3FC4] =	sst s2  }
0x8f: {  	_ = 	snop  }
0x90: {  	s2 =	sld [smem:$0x3FC8]  }
0x91: {  	s18 =	sld [smem:$0x3FC7]  }
0x92: {  	s4 =	sld [smem:$0x3FC6]  }
0x93: {  	s5 =	sld [smem:$0x3FD0];
	(tm) =	ssettm $0x1  }
0x94: {  	s6 =	sld [smem:$0x3FFB];
	_ =	sdelay $0x3  }
0x95: {  	_ =	strace s6  }
0x96: {  	s6 =	sld [smem:$0x3FFC];
	_ =	sdelay $0x3  }
0x97: {  	_ =	strace s6  }
0x98: {  	s6 =	sld [smem:$0x3FFD];
	_ =	sdelay $0x3  }
0x99: {  	_ =	strace s6  }
0x9a: {  	_ =	strace $0x8FFFFFFF  }
0x9b: {  	s19 =	sld [smem:$0x3FDB];
	_ =	sdelay $0x1  }
0x9c: {  	s7 =	simm.s32 $_scs_section_size  }
0x9d: {  	s8 =	simm.s32 $_size__tile_overlayer_lowered;
	s9 =	simm.s32 $_tile_overlayer_lowered  }
0x9e: {  	s22 =	simm.s32 $0x1BFF;
	s21 =	sshll.u32 s9, $0x1;
	s6 =	sadd.s32 s7, s19  }
0x9f: {  	s10 =	simm.s32 $0x0;
	s20 =	sshll.u32 s8, $0x1;
	s8 =	sadd.s32 s21, s6  }
0xa0: {  	[timem:s10], [sflag:s22] =	dma.local [hbm:s8], s20  }
0xa1: {  	_ =	swait.ge [sflag:s22], s20  }
0xa2: {  	s7 =	ssub.s32 $0x0, s20;
	[sflag:s22] =	ssyncset.done $0x0  }
0xa3: {  	[sflag:s22] =	ssyncadd.s32 s7;
	_ =	sdelay $0x1  }
0xa4: {  	s23 =	simm.s32 $0x1B8B  }
0xa5: {  	_ =	swait.ge [sflag:s23], $0x1  }
0xa6: {  	[sflag:s23] =	ssyncset.done $0x0  }
0xa7: {  	s25 =	simm.s32 $0x1B8E;
	s24 =	sld [smem:$0x3FFE];
	[sflag:s23] =	ssyncadd.s32 $0xFFFFFFFF  }
0xa8: {  	s26 =	simm.s32 $execute0_lowered;
	[smem:$0x3FD2] =	sst s25  }
0xa9: {  	s8 =	sshll.u32 s26, $0x1;
	_ =	strace $0x80000046;
	[dreg:$0x1] =	wrdreg $0xFFFFFFFF  }
0xaa: {  	s28 =	simm.s32 $_size_execute0_lowered;
	s6 =	sadd.s32 s6, s8;
	[dreg:$0x0] =	wrdreg $0x0  }
0xab: {  	s8 =	sshll.u32 s28, $0x1;
	[dreg:$0x2] =	wrdreg s6  }
0xac: {  	[dreg:$0x3] =	wrdreg s8  }
0xad: {  	[dreg:$0x4] =	wrdreg $0xC0  }
0xae: {  	_ =	task [dreg:s10], $0x5FFFF  }
0xaf: {  	[dreg:$0x1] =	wrdreg $0xFFFFFFFF  }
0xb0: {  	[dreg:$0x0] =	wrdreg $0x60  }
0xb1: {  	[dreg:$0x2] =	wrdreg s24  }
0xb2: {  	[dreg:$0x3] =	wrdreg s2  }
0xb3: {  	[dreg:$0x4] =	wrdreg s18  }
0xb4: {  	[dreg:$0x5] =	wrdreg s4  }
0xb5: {  	[dreg:$0x6] =	wrdreg s5  }
0xb6: {  	[dreg:$0x7] =	wrdreg $0x9  }
0xb7: {  	_ =	task.clear_ibuf [dreg:s10], $0x8FFFF;
	_ =	strace $0x90000046  }
0xb8: {  	s29 =	simm.s32 $0x9;
	_ =	strace $0x80000048  }
0xb9: {  	_ =	swait.ge [sflag:s29], $0x1  }
0xba: {  	[sflag:s29] =	ssyncadd.s32 $0xFFFFFFFF  }
0xbb: {  	_ =	strace $0x90000048  }
0xbc: {  	_ =	sfence  }
0xbd: {  	s30 =	sld [smem:$0x0];
	_ =	sdelay $0x2  }
0xbe: {  	s31 =	sshll.u32 s1, $0xD;
	s1 =	sshrl.u32 s1, $0x2  }
0xbf: {  	s3 =	sand.u32 $0x4000, s31;
	s1 =	sadd.s32 s1, s30  }
0xc0: {  	s0 =	sor.u32 s3, s0;
	s1 =	sshll.u32 s1, $0x11  }
0xc1: {  	s0 =	sor.u32 s1, s0  }
0xc2: {  	s0 =	sadd.s32 $0x8F2B, s0  }
0xc3: {  	[sflag:s0] =	ssyncadd.remote.s32 $0x1  }
0xc4: {  	_ =	sfence.sel $0xFFFF  }
0xc5: {  	[dreg:$0x0] =	wrdreg $0xFFFFFFFF;
	(pc) =	sbr.abs _section_cstart, $3  }
0xc6: {  	[dreg:$0x1] =	wrdreg $0xFFFFFFFF  }
0xc7: {  	_ =	task.clear_ibuf [dreg:s10], $0x2FFFF;
	_ =	strace $0x9FFFFFFF  }
0xc8: {  	(tm) =	ssettm $0x7FFFFFFF  }
0xc9: {  	_ =	shalt  }
tec
execute0_lowered:
.L_overlay_start_1:
0x0: {  	(tag) =	ssettag $0x1  }
0x1: {  	s2 =	rddreg [dreg:$0x0];
	v0 =	vimm.s32 $0xFEDCBA98;
	v1 =	vimm.s32 $0x76543210;
	v2 =	vimm.s32 $0xBA98FEDC  }
0x2: {  	s0 =	rddreg [dreg:$0x1];
	v3 =	vimm.s32 $0x32107654;
	v4 =	vimm.s32 $0xDCFE98BA;
	v5 =	vimm.s32 $0x54761032  }
0x3: {  	s1 =	rddreg [dreg:$0x2];
	v6 =	vimm.s32 $0xEFCDAB89;
	v7 =	vimm.s32 $0x67452301;
	v0 =	vunpack.c.l.s4.s8 v0  }
0x4: {  	s3 =	rddreg [dreg:$0x3];
	s4 =	srdreg.scid;
	v1 =	vunpack.c.l.s4.s8 v1;
	v2 =	vunpack.c.l.s4.s8 v2;
	v3 =	vunpack.c.l.s4.s8 v3  }
0x5: {  	s5 =	rddreg [dreg:$0x4];
	s7 =	stileid.u32;
	v4 =	vunpack.c.l.s4.s8 v4;
	v5 =	vunpack.c.l.s4.s8 v5;
	v6 =	vunpack.c.l.s4.s8 v6  }
0x6: {  	s11 =	simm.s32 $0x3;
	s12 =	simm.s32 $0x200;
	s13 =	simm.s32 $0x400;
	v7 =	vunpack.c.l.s4.s8 v7;
	v0 =	vunpack.c.0.s8.s32 v0;
	v2 =	vunpack.c.0.s8.s32 v2  }
0x7: {  	s14 =	simm.s32 $0x40;
	s18 =	simm.s32 $0xC600;
	s19 =	simm.s32 $0x1;
	v3 =	vunpack.c.0.s8.s32 v3;
	v4 =	vunpack.c.0.s8.s32 v4;
	v1 =	vunpack.c.0.s8.s32 v1  }
0x8: {  	s20 =	simm.s32 $0x2600;
	s21 =	simm.s32 $0x6600;
	s22 =	simm.s32 $0xA600;
	v5 =	vunpack.c.0.s8.s32 v5;
	v6 =	vunpack.c.0.s8.s32 v6;
	v0 =	vand.u32 $0xF, v0  }
0x9: {  	s23 =	simm.s32 $0xE600;
	s6 =	sand.u32 $0x1, s4;
	s4 =	simm.s32 $0x0;
	v7 =	vunpack.c.0.s8.s32 v7;
	v2 =	vcombine.low v3, v2;
	v50 =	vcombine.low v0, v1  }
0xa: {  	s24 =	simm.s32 $0x10800;
	s25 =	simm.s32 $0x2;
	[smem:$0x7FF] =	sst s4;
	v3 =	vcombine.low v5, v4  }
0xb: {  	s7 =	sshll.u32 s7, $0x7;
	s8 =	sshll.u32 s6, $0x6;
	_ =	strace $0x80000047;
	v4 =	vcombine.low v7, v6;
	v2 =	vand.u32 $0xF, v2;
	[tilespmem:$0x1FFC0] =	vst v50  }
0xc: {  	s26 =	simm.s32 $0x10600;
	s30 =	ssub.s32 $0x2, s6;
	s9 =	sor.u32 s8, s7;
	v0 =	vlaneseq.u32;
	v3 =	vand.u32 $0xF, v3;
	[tilespmem:$0x1FFD0] =	vst v2  }
0xd: {  	s28 =	simm.s32 $0x0;
	s31 =	sshrl.u32 s30, $0x1;
	s2 =	sadd.s32 s9, s2;
	v32 =	vand.u32 $0xF, v4;
	v0 =	vmul.u32 $0x81, v0;
	[tilespmem:$0x1FFE0] =	vst v3  }
0xe: {  	s10 =	ssub.s32 s30, s31;
	s9 =	sadd.s32 s5, s9;
	s6 =	sadd.s32 $0x400, s2;
	[tilespmem:$0x1FFF0] =	vst v32  }
0xf: {  	s7 =	sadd.s32 $0xC00, s2;
	s8 =	sadd.s32 $0x1400, s2;
	s10 =	smax.u32 s10, $0x1;
	[tilespmem:$0x1FFB0] =	vst v0  }
.LBB2_1:
0x10: {  	[tilespmem:s4], [sflag:$0x3] =	stream.linear.gather [hbm4b:s6+s4], $0x200, $0x38;
	[tilespmem:$0x12800] =	vst v63  }
0x11: {  	_ =	swait.ge [sflag:s11], $0x200  }
0x12: {  	[sflag:s11] =	ssyncset.done $0x0  }
0x13: {  	[sflag:s11] =	ssyncadd.s32 $0xFFFFFE00  }
0x14: {  	[tilespmem:s12], [sflag:$0x3] =	stream.linear.gather [hbm4b:s7+s4], $0x200, $0x38;
	[tilespmem:$0x12800] =	vst v63  }
0x15: {  	_ =	swait.ge [sflag:s11], $0x200  }
0x16: {  	[sflag:s11] =	ssyncset.done $0x0  }
0x17: {  	[sflag:s11] =	ssyncadd.s32 $0xFFFFFE00  }
0x18: {  	[tilespmem:s13], [sflag:$0x3] =	stream.linear.gather [hbm4b:s8+s4], $0x200, $0x38;
	[tilespmem:$0x12800] =	vst v63  }
0x19: {  	_ =	swait.ge [sflag:s11], $0x200  }
0x1a: {  	[sflag:s11] =	ssyncset.done $0x0  }
0x1b: {  	s2 =	simm.s32 $0x600;
	[sflag:s11] =	ssyncadd.s32 $0xFFFFFE00  }
0x1c: {  	[tilespmem:s2], [sflag:$0x1] =	stream.indirect.gather [hbm4b:s0+s14], $0x80, s4, s14, $0xb8;
	[tilespmem:$0x12800] =	vst v63  }
0x1d: {  	s30 =	simm.s32 $0x4600  }
0x1e: {  	[tilespmem:s30], [sflag:$0x1] =	stream.indirect.gather [hbm4b:s0+s14], $0x80, s13, s14, $0xb8;
	[tilespmem:$0x12800] =	vst v63  }
0x1f: {  	s31 =	simm.s32 $0x8600  }
0x20: {  	[tilespmem:s31], [sflag:$0x1] =	stream.indirect.gather [hbm4b:s1+s14], $0x80, s12, s14, $0xb8;
	[tilespmem:$0x12800] =	vst v63  }
0x21: {  	s29 =	simm.s32 $0x0  }
0x22: {  	[tilespmem:s18], [sflag:$0x1] =	stream.indirect.gather [hbm4b:s3+s14], $0x80, s12, s14, $0xb8;
	[tilespmem:$0x12800] =	vst v63  }
.LBB2_2:
0x23: {  	_ =	swait.ge [sflag:s19], $0x2000  }
0x24: {  	[sflag:s19] =	ssyncset.done $0x0  }
0x25: {  	[sflag:s19] =	ssyncadd.s32 $0xFFFFE000  }
0x26: {  	_ =	swait.ge [sflag:s19], $0x2000  }
0x27: {  	[sflag:s19] =	ssyncset.done $0x0  }
0x28: {  	[sflag:s19] =	ssyncadd.s32 $0xFFFFE000  }
0x29: {  	_ =	swait.ge [sflag:s19], $0x2000  }
0x2a: {  	[sflag:s19] =	ssyncset.done $0x0  }
0x2b: {  	[sflag:s19] =	ssyncadd.s32 $0xFFFFE000  }
0x2c: {  	_ =	swait.ge [sflag:s19], $0x2000  }
0x2d: {  	s31 =	sshll.u32 s29, $0x7;
	[sflag:s19] =	ssyncset.done $0x0  }
0x2e: {  	s2 =	sor.u32 $0x40, s31;
	[sflag:s19] =	ssyncadd.s32 $0xFFFFE000  }
0x2f: {  	[tilespmem:s20], [sflag:$0x2] =	stream.indirect.gather [hbm4b:s0+s14], $0x80, s2, s14, $0xb8;
	[tilespmem:$0x12800] =	vst v63  }
0x30: {  	s16 =	sadd.s32 $0x440, s31  }
0x31: {  	[tilespmem:s21], [sflag:$0x2] =	stream.indirect.gather [hbm4b:s0+s14], $0x80, s16, s14, $0xb8;
	[tilespmem:$0x12800] =	vst v63  }
0x32: {  	s17 =	sadd.s32 $0x240, s31  }
0x33: {  	[tilespmem:s22], [sflag:$0x2] =	stream.indirect.gather [hbm4b:s1+s14], $0x80, s17, s14, $0xb8;
	[tilespmem:$0x12800] =	vst v63  }
0x34: {  	s15 =	simm.s32 $0xC700  }
0x35: {  	[tilespmem:s23], [sflag:$0x2] =	stream.indirect.gather [hbm4b:s3+s14], $0x80, s17, s14, $0xb8;
	[tilespmem:$0x12800] =	vst v63  }
0x36: {  	v0 =	vld [tilespmem:s15+$0x80]  }
0x37: {  	v4 =	vld [tilespmem:s15+$0x90]  }
0x38: {  	v5 =	vld [tilespmem:s15+$0xA0]  }
0x39: {  	v7 =	vld [tilespmem:s15+$0xB0]  }
0x3a: {  	v8 =	vld [tilespmem:s15+$0xC0]  }
0x3b: {  	s30 =	simm.s32 $0x700;
	v9 =	vld [tilespmem:s15+$0xD0]  }
0x3c: {  	s5 =	simm.s32 $0x4700;
	v10 =	vld [tilespmem:s30+$0x80]  }
0x3d: {  	v11 =	vld [tilespmem:s5+$0x80]  }
0x3e: {  	v12 =	vld [tilespmem:s30+$0x90]  }
0x3f: {  	v13 =	vld [tilespmem:s5+$0x90]  }
0x40: {  	v14 =	vld [tilespmem:s30+$0xA0]  }
0x41: {  	v15 =	vld [tilespmem:s5+$0xA0]  }
0x42: {  	v16 =	vld [tilespmem:s30+$0xB0]  }
0x43: {  	v17 =	vld [tilespmem:s5+$0xB0]  }
0x44: {  	v18 =	vld [tilespmem:s30+$0xC0]  }
0x45: {  	v19 =	vld [tilespmem:s5+$0xC0]  }
0x46: {  	v20 =	vld [tilespmem:s30+$0xD0]  }
0x47: {  	v21 =	vld [tilespmem:s5+$0xD0]  }
0x48: {  	v22 =	vld [tilespmem:s30+$0xE0]  }
0x49: {  	v6 =	vld [tilespmem:s5+$0xFFFFFF00]  }
0x4a: {  	v23 =	vld [tilespmem:s5+$0xE0]  }
0x4b: {  	v24 =	vld [tilespmem:s30+$0xF0]  }
0x4c: {  	v25 =	vld [tilespmem:s5+$0xF0]  }
0x4d: {  	v26 =	vld [tilespmem:s15+$0xE0]  }
0x4e: {  	v27 =	vld [tilespmem:s15+$0xF0];
	[tilespmem:$0x1FEE0] =	vst v6  }
0x4f: {  	v6 =	vld [tilespmem:s30+$0xFFFFFF20];
	_ =	sdelay $0x3  }
0x50: {  	v63 =	vld [tilespmem:s30+$0xFFFFFF10]  }
0x51: {  	v30 =	vld [tilespmem:s5+$0xFFFFFF10];
	[tilespmem:$0x1FEC0] =	vst v6  }
0x52: {  	v6 =	vld [tilespmem:s30+$0xFFFFFF30];
	_ =	sdelay $0x4  }
0x53: {  	v35 =	vld [tilespmem:s5+$0xFFFFFF20];
	[tilespmem:$0x1FED0] =	vst v6  }
0x54: {  	v33 =	vld [tilespmem:s5+$0xFFFFFF30]  }
0x55: {  	v34 =	vld [tilespmem:s30+$0xFFFFFF40]  }
0x56: {  	v31 =	vld [tilespmem:s5+$0xFFFFFF40]  }
0x57: {  	v36 =	vld [tilespmem:s30+$0xFFFFFF50]  }
0x58: {  	v10 =	vsub.f32 v10, v11;
	v11 =	vsub.f32 v12, v13;
	v12 =	vld [tilespmem:s5+$0xFFFFFF50]  }
0x59: {  	v13 =	vsub.f32 v14, v15;
	v14 =	vsub.f32 v16, v17;
	v29 =	vld [tilespmem:s30+$0xFFFFFF60]  }
0x5a: {  	v16 =	vsub.f32 v18, v19;
	v17 =	vsub.f32 v20, v21;
	v28 =	vld [tilespmem:s5+$0xFFFFFF60]  }
0x5b: {  	v21 =	vsub.f32 v22, v23;
	v19 =	vmul.f32 v0, v10;
	v20 =	vmul.f32 v4, v11;
	v22 =	vld [tilespmem:s30+$0xFFFFFF70]  }
0x5c: {  	v24 =	vsub.f32 v24, v25;
	v23 =	vmul.f32 v5, v13;
	v37 =	vmul.f32 v7, v14;
	v25 =	vld [tilespmem:s5+$0xFFFFFF70]  }
0x5d: {  	v38 =	vmul.f32 v8, v16;
	v39 =	vmul.f32 v9, v17;
	v40 =	vld [tilespmem:s30+$0xFFFFFF80]  }
0x5e: {  	v41 =	vmul.f32 v26, v21;
	v42 =	vmul.f32 v27, v24;
	v43 =	vld [tilespmem:s5+$0xFFFFFF80]  }
0x5f: {  	s2 =	simm.s32 $0x8700;
	v19 =	vadd.f32 v20, v19;
	v20 =	vadd.f32 v37, v23;
	v23 =	vld [tilespmem:s30+$0xFFFFFF90]  }
0x60: {  	v61 =	vadd.f32 v39, v38;
	v62 =	vadd.f32 v42, v41;
	v39 =	vld [tilespmem:s2+$0x80]  }
0x61: {  	v1 =	vld [tilespmem:s2+$0x90]  }
0x62: {  	v19 =	vadd.f32 v20, v19;
	v20 =	vadd.f32 v62, v61;
	v60 =	vld [tilespmem:s2+$0xA0]  }
0x63: {  	v61 =	vld [tilespmem:s2+$0xB0]  }
0x64: {  	v19 =	vadd.f32 v20, v19;
	v20 =	vld [tilespmem:s2+$0xC0]  }
0x65: {  	v62 =	vld [tilespmem:s2+$0xD0]  }
0x66: {  	v44 =	vperm.xlane v19, v50;
	v45 =	vld [tilespmem:s2+$0xE0]  }
0x67: {  	v46 =	vld [tilespmem:s2+$0xF0]  }
0x68: {  	v19 =	vadd.f32 v19, v44;
	v44 =	vld [tilespmem:s5+$0xFFFFFF90]  }
0x69: {  	v47 =	vld [tilespmem:s30+$0xFFFFFFA0]  }
0x6a: {  	v49 =	vld [tilespmem:s5+$0xFFFFFFA0]  }
0x6b: {  	v6 =	vld [tilespmem:s30+$0xFFFFFFB0]  }
0x6c: {  	v52 =	vld [tilespmem:s30+$0xFFFFFFC0]  }
0x6d: {  	v53 =	vld [tilespmem:s5+$0xFFFFFFC0]  }
0x6e: {  	v54 =	vld [tilespmem:s30+$0xFFFFFFD0]  }
0x6f: {  	v55 =	vld [tilespmem:s5+$0xFFFFFFD0]  }
0x70: {  	v56 =	vld [tilespmem:s30+$0xFFFFFFE0]  }
0x71: {  	v57 =	vld [tilespmem:s5+$0xFFFFFFE0];
	v48 =	vperm.xlane v19, v2  }
0x72: {  	v58 =	vld [tilespmem:s5+$0xFFFFFFF0]  }
0x73: {  	v37 =	vld [tilespmem:s30+$0x0];
	v19 =	vadd.f32 v19, v48  }
0x74: {  	v38 =	vld [tilespmem:s5+$0x0]  }
0x75: {  	v59 =	vld [tilespmem:s5+$0x10];
	v51 =	vperm.xlane v19, v3  }
0x76: {  	v41 =	vld [tilespmem:s15+$0xFFFFFF10]  }
0x77: {  	v42 =	vld [tilespmem:s15+$0xFFFFFF20];
	v19 =	vadd.f32 v19, v51  }
0x78: {  	v48 =	vld [tilespmem:s5+$0xFFFFFFB0]  }
0x79: {  	v10 =	vadd.f32 v39, v10;
	v39 =	vld [tilespmem:s30+$0xFFFFFFF0];
	v51 =	vperm.xlane v19, v32  }
0x7a: {  	v11 =	vadd.f32 v1, v11;
	v16 =	vadd.f32 v20, v16;
	v1 =	vld [tilespmem:$0x1FEC0]  }
0x7b: {  	v20 =	vadd.f32 v45, v21;
	v21 =	vld [tilespmem:s30+$0x10];
	v19 =	vadd.f32 v19, v51  }
0x7c: {  	v13 =	vadd.f32 v60, v13;
	v60 =	vld [tilespmem:s5+$0x50]  }
0x7d: {  	v14 =	vadd.f32 v61, v14;
	v17 =	vadd.f32 v62, v17;
	v61 =	vld [tilespmem:s30+$0x70];
	v0 =	vmul.f32 v19, v0  }
0x7e: {  	v24 =	vadd.f32 v46, v24;
	v62 =	vld [tilespmem:s5+$0x70];
	v4 =	vmul.f32 v19, v4;
	v5 =	vmul.f32 v19, v5  }
0x7f: {  	v45 =	vld [tilespmem:s15+$0xFFFFFF30];
	v15 =	vsub.f32 v1, v35;
	v7 =	vmul.f32 v19, v7;
	v8 =	vmul.f32 v19, v8  }
0x80: {  	v35 =	vld [tilespmem:s15+$0xFFFFFF00];
	v9 =	vmul.f32 v19, v9;
	v0 =	vsub.f32 v10, v0;
	v4 =	vsub.f32 v11, v4  }
0x81: {  	v51 =	vld [tilespmem:$0x1FED0];
	v5 =	vsub.f32 v13, v5;
	v7 =	vsub.f32 v14, v7;
	v11 =	vmul.f32 v19, v26  }
0x82: {  	v10 =	vld [tilespmem:s30+$0x20];
	v8 =	vsub.f32 v16, v8;
	v9 =	vsub.f32 v17, v9;
	v14 =	vmul.f32 v19, v27  }
0x83: {  	v13 =	vld [tilespmem:s5+$0x20];
	v0 =	vmul.f32 v0, v0;
	v4 =	vmul.f32 v4, v4;
	v11 =	vsub.f32 v20, v11  }
0x84: {  	v16 =	vld [tilespmem:s30+$0x30];
	v5 =	vmul.f32 v5, v5;
	v7 =	vmul.f32 v7, v7;
	v14 =	vsub.f32 v24, v14  }
0x85: {  	v17 =	vld [tilespmem:s5+$0x30];
	v8 =	vmul.f32 v8, v8;
	v9 =	vmul.f32 v9, v9  }
0x86: {  	v26 =	vld [tilespmem:s5+$0x40];
	v18 =	vsub.f32 v51, v33;
	v11 =	vmul.f32 v11, v11;
	v14 =	vmul.f32 v14, v14  }
0x87: {  	v27 =	vld [tilespmem:s30+$0x50];
	v0 =	vadd.f32 v4, v0;
	v4 =	vadd.f32 v7, v5  }
0x88: {  	v51 =	vld [tilespmem:s15+$0xFFFFFF40];
	v5 =	vadd.f32 v9, v8;
	v7 =	vadd.f32 v14, v11  }
0x89: {  	v1 =	vsub.f32 v6, v48;
	v24 =	vld [tilespmem:s30+$0x40]  }
0x8a: {  	v11 =	vld [tilespmem:s30+$0x60];
	v0 =	vadd.f32 v4, v0;
	v4 =	vadd.f32 v7, v5  }
0x8b: {  	v52 =	vsub.f32 v52, v53;
	v14 =	vld [tilespmem:s5+$0x60]  }
0x8c: {  	v0 =	vadd.f32 v4, v0;
	v4 =	vld [tilespmem:s30+$0xFFFFFF00];
	[tilespmem:$0x1FF50] =	vst v1  }
0x8d: {  	[tilespmem:$0x1FF60] =	vst v52  }
0x8e: {  	v8 =	vld [tilespmem:s15+$0xFFFFFF50]  }
0x8f: {  	v63 =	vsub.f32 v63, v30;
	v54 =	vsub.f32 v54, v55  }
0x90: {  	v30 =	vsub.f32 v47, v49;
	v49 =	vsub.f32 v56, v57  }
0x91: {  	[tilespmem:$0x1FF70] =	vst v54;
	v5 =	vperm.xlane v0, v50  }
0x92: {  	v48 =	vsub.f32 v39, v58;
	v19 =	vsub.f32 v36, v12;
	[tilespmem:$0x1FF80] =	vst v49  }
0x93: {  	v58 =	vld [tilespmem:$0x1FEE0];
	v36 =	vsub.f32 v40, v43;
	v5 =	vadd.f32 v0, v5;
	[tilespmem:$0x1FF40] =	vst v8  }
0x94: {  	v33 =	vsub.f32 v34, v31;
	v34 =	vsub.f32 v22, v25;
	v46 =	vld [tilespmem:s15+$0xFFFFFF60];
	[tilespmem:$0x1FFA0] =	vst v48  }
0x95: {  	v20 =	vsub.f32 v29, v28;
	v9 =	vsub.f32 v23, v44;
	v6 =	vperm.xlane v5, v2;
	v40 =	vld [tilespmem:s15+$0xFFFFFF70]  }
0x96: {  	v22 =	vmul.f32 v45, v18;
	v31 =	vsub.f32 v16, v17;
	v7 =	vsub.f32 v37, v38;
	v37 =	vld [tilespmem:s15+$0xFFFFFF80]  }
0x97: {  	v17 =	vmul.f32 v41, v63;
	v53 =	vsub.f32 v24, v26;
	v12 =	vadd.f32 v5, v6;
	v43 =	vld [tilespmem:s15+$0xFFFFFF90]  }
0x98: {  	v23 =	vmul.f32 v51, v33;
	v0 =	vsub.f32 v21, v59;
	v4 =	vsub.f32 v4, v58;
	v44 =	vld [tilespmem:s15+$0xFFFFFFA0]  }
0x99: {  	v21 =	vmul.f32 v42, v15;
	v6 =	vsub.f32 v10, v13;
	v55 =	vld [tilespmem:s15+$0xFFFFFFB0];
	v13 =	vperm.xlane v12, v3  }
0x9a: {  	v57 =	vsub.f32 v11, v14;
	v24 =	vmul.f32 v8, v19;
	v16 =	vmul.f32 v35, v4;
	v5 =	vld [tilespmem:s15+$0xFFFFFFC0]  }
0x9b: {  	v47 =	vld [tilespmem:s15+$0xFFFFFFD0];
	v13 =	vadd.f32 v12, v13;
	v12 =	vmul.f32 v46, v20;
	v26 =	vmul.f32 v40, v34  }
0x9c: {  	v25 =	vld [tilespmem:s15+$0xFFFFFFE0];
	v16 =	vadd.f32 v17, v16;
	v17 =	vadd.f32 v22, v21  }
0x9d: {  	v10 =	vld [tilespmem:s15+$0xFFFFFFF0];
	v22 =	vadd.f32 v24, v23;
	v14 =	vperm.xlane v13, v32;
	v12 =	vadd.f32 v26, v12  }
0x9e: {  	v58 =	vsub.f32 v61, v62;
	v8 =	vld [tilespmem:s15+$0x0];
	v16 =	vadd.f32 v17, v16  }
0x9f: {  	v11 =	vld [tilespmem:s15+$0x20];
	v61 =	vmul.f32 v5, v52;
	v52 =	vadd.f32 v13, v14;
	v26 =	vadd.f32 v12, v22  }
0xa0: {  	v24 =	vmov v9;
	v28 =	vmul.f32 v43, v9;
	v9 =	vld [tilespmem:s15+$0x10]  }
0xa1: {  	v17 =	vmul.f32 v37, v36;
	v16 =	vadd.f32 v26, v16;
	v26 =	vld [tilespmem:s15+$0x30];
	[tilespmem:$0x1FF90] =	vst v52  }
0xa2: {  	v56 =	vsub.f32 v27, v60;
	v21 =	vmovc v30;
	v29 =	vmul.f32 v44, v30;
	v30 =	vmul.f32 v55, v1;
	v27 =	vld [tilespmem:s15+$0x40]  }
0xa3: {  	v17 =	vadd.f32 v28, v17;
	v28 =	vld [tilespmem:s15+$0x50]  }
0xa4: {  	v62 =	vmul.f32 v47, v54;
	v54 =	vadd.f32 v30, v29;
	v29 =	vld [tilespmem:s15+$0x60];
	[tilespmem:$0x1FEF0] =	vst v8  }
0xa5: {  	[tilespmem:$0x1FF00] =	vst v0;
	v30 =	vperm.xlane v16, v50  }
0xa6: {  	v13 =	vmul.f32 v25, v49;
	v14 =	vmul.f32 v10, v48;
	[tilespmem:$0x1FF10] =	vst v9  }
0xa7: {  	v60 =	vmul.f32 v11, v6;
	v38 =	vadd.f32 v62, v61;
	v16 =	vadd.f32 v16, v30;
	v30 =	vld [tilespmem:s15+$0x70];
	[tilespmem:$0x1FF20] =	vst v6  }
0xa8: {  	v13 =	vadd.f32 v14, v13;
	v14 =	vmul.f32 v8, v7;
	v59 =	vmul.f32 v9, v0;
	[tilespmem:$0x1FF30] =	vst v11  }
0xa9: {  	v17 =	vadd.f32 v54, v17;
	v49 =	vld [tilespmem:s2+$0xFFFFFF00];
	v61 =	vmul.f32 v26, v31;
	v62 =	vperm.xlane v16, v2  }
0xaa: {  	v13 =	vadd.f32 v13, v38;
	v14 =	vadd.f32 v59, v14  }
0xab: {  	v23 =	vmovc v53;
	v52 =	vld [tilespmem:s2+$0xFFFFFF10];
	v53 =	vmul.f32 v27, v53;
	v38 =	vadd.f32 v61, v60;
	v16 =	vadd.f32 v16, v62  }
0xac: {  	v13 =	vadd.f32 v13, v17;
	v54 =	vld [tilespmem:s2+$0xFFFFFF20];
	v17 =	vmul.f32 v28, v56;
	v1 =	vmul.f32 v29, v57  }
0xad: {  	v0 =	vld [tilespmem:s2+$0xFFFFFF30];
	v60 =	vmul.f32 v30, v58;
	v61 =	vadd.f32 v38, v14;
	v14 =	vperm.xlane v16, v3  }
0xae: {  	v9 =	vmov v58;
	v17 =	vadd.f32 v17, v53;
	v58 =	vld [tilespmem:s2+$0xFFFFFF50];
	v38 =	vadd.f32 v49, v4  }
0xaf: {  	v62 =	vperm.xlane v13, v50;
	v49 =	vld [tilespmem:s2+$0xFFFFFF70];
	v4 =	vadd.f32 v60, v1;
	v16 =	vadd.f32 v16, v14;
	_ =	sdelay $0x1  }
0xb0: {  	v8 =	vmovc v57;
	v57 =	vadd.f32 v13, v62;
	v4 =	vadd.f32 v4, v17;
	v17 =	vperm.xlane v16, v32  }
0xb1: {  	v22 =	vmov v31;
	v31 =	vadd.f32 v52, v63;
	v52 =	vld [tilespmem:s2+$0xFFFFFF80];
	v6 =	vadd.f32 v54, v15  }
0xb2: {  	v15 =	vadd.f32 v0, v18;
	v62 =	vld [tilespmem:s2+$0xFFFFFFC0];
	v54 =	vperm.xlane v57, v2;
	v60 =	vadd.f32 v16, v17  }
0xb3: {  	v39 =	vadd.f32 v58, v19;
	v19 =	vadd.f32 v49, v34;
	v34 =	vld [tilespmem:$0x1FF40]  }
0xb4: {  	v0 =	vadd.f32 v57, v54;
	v4 =	vadd.f32 v4, v61;
	v54 =	vmul.f32 v60, v40;
	v40 =	vld [tilespmem:$0x1FF60]  }
0xb5: {  	v48 =	vld [tilespmem:s2+$0xFFFFFF60]  }
0xb6: {  	v59 =	vld [tilespmem:s2+$0xFFFFFF90];
	v18 =	vperm.xlane v4, v50  }
0xb7: {  	v12 =	vmov v56;
	v56 =	vld [tilespmem:s2+$0xFFFFFF40]  }
0xb8: {  	v63 =	vld [tilespmem:s2+$0xFFFFFFE0];
	v4 =	vadd.f32 v4, v18  }
0xb9: {  	v18 =	vadd.f32 v52, v36;
	v52 =	vmul.f32 v60, v34;
	v34 =	vadd.f32 v62, v40;
	v62 =	vld [tilespmem:$0x1FF80]  }
0xba: {  	v1 =	vld [tilespmem:s2+$0xFFFFFFA0]  }
0xbb: {  	v57 =	vld [tilespmem:s2+$0x10]  }
0xbc: {  	v61 =	vld [tilespmem:s2+$0xFFFFFFB0];
	v17 =	vadd.f32 v48, v20;
	v20 =	vperm.xlane v0, v3  }
0xbd: {  	v16 =	vadd.f32 v56, v33;
	v33 =	vld [tilespmem:s2+$0xFFFFFFD0];
	v48 =	vmul.f32 v60, v35;
	v49 =	vmul.f32 v60, v41  }
0xbe: {  	v58 =	vadd.f32 v0, v20;
	v36 =	vperm.xlane v4, v2;
	v35 =	vadd.f32 v63, v62;
	v63 =	vld [tilespmem:$0x1FF90]  }
0xbf: {  	v56 =	vld [tilespmem:s2+$0x0];
	v41 =	vmul.f32 v60, v42;
	v45 =	vmul.f32 v60, v45  }
0xc0: {  	v0 =	vld [tilespmem:s2+$0xFFFFFFF0];
	v50 =	vperm.xlane v58, v32;
	v32 =	vadd.f32 v1, v21;
	v1 =	vadd.f32 v4, v36  }
0xc1: {  	v42 =	vmul.f32 v60, v51;
	v53 =	vmul.f32 v60, v46;
	v46 =	vld [tilespmem:$0x1FF70]  }
0xc2: {  	s15 =	simm.s32 $0x10900;
	v20 =	vadd.f32 v59, v24;
	v60 =	vld [tilespmem:s2+$0x40];
	v59 =	vadd.f32 v58, v50;
	v50 =	vperm.xlane v1, v3  }
0xc3: {  	v36 =	vld [tilespmem:$0x1FF50];
	[tilespmem:s15+$0x80] =	vst v63  }
0xc4: {  	v62 =	vadd.f32 v1, v50;
	v1 =	vld [tilespmem:$0x1FFA0]  }
0xc5: {  	v58 =	vld [tilespmem:s2+$0x30]  }
0xc6: {  	v4 =	vld [tilespmem:s2+$0x20];
	v40 =	vmul.f32 v59, v43  }
0xc7: {  	v43 =	vmul.f32 v59, v44;
	v44 =	vmul.f32 v59, v55;
	v55 =	vld [tilespmem:s2+$0x60]  }
0xc8: {  	v37 =	vmul.f32 v59, v37;
	v47 =	vmul.f32 v59, v47;
	v51 =	vadd.f32 v61, v36;
	v61 =	vld [tilespmem:s2+$0x50]  }
0xc9: {  	s16 =	simm.s32 $0x0;
	s17 =	simm.s32 $0xC900;
	v36 =	vadd.f32 v33, v46;
	v46 =	vmul.f32 v59, v5;
	v50 =	vld [tilespmem:s2+$0x70];
	v33 =	vadd.f32 v0, v1  }
.LBB2_3:
0xca: {  	v1 =	vld [tilespmem:s17+$0x80]  }
0xcb: {  	v2 =	vld [tilespmem:$0x1FFF0]  }
0xcc: {  	v5 =	vld [tilespmem:s17+$0x90]  }
0xcd: {  	v3 =	vld [tilespmem:$0x1FF00]  }
0xce: {  	v63 =	vld [tilespmem:s17+$0xA0];
	s5 =	sadd.s32 $0x200, s5  }
0xcf: {  	v38 =	vsub.f32 v38, v48;
	v48 =	vld [tilespmem:s5+$0x80]  }
0xd0: {  	s30 =	sadd.s32 $0x200, s30;
	v14 =	vsub.f32 v6, v41;
	v41 =	vld [tilespmem:s5+$0x90]  }
0xd1: {  	v16 =	vsub.f32 v16, v42;
	v42 =	vld [tilespmem:s30+$0xA0]  }
0xd2: {  	v15 =	vsub.f32 v15, v45;
	v45 =	vld [tilespmem:s5+$0xA0]  }
0xd3: {  	v18 =	vsub.f32 v18, v37;
	v37 =	vld [tilespmem:s30+$0xB0]  }
0xd4: {  	v32 =	vsub.f32 v32, v43;
	v43 =	vld [tilespmem:s5+$0xB0]  }
0xd5: {  	v24 =	vmul.f32 v59, v10;
	v13 =	vsub.f32 v31, v49;
	v57 =	vadd.f32 v57, v3;
	v3 =	vld [tilespmem:$0x1FF20]  }
0xd6: {  	v0 =	vmul.f32 v59, v25;
	v39 =	vsub.f32 v39, v52;
	v17 =	vsub.f32 v17, v53;
	v53 =	vld [tilespmem:s5+$0xFFFFFF30]  }
0xd7: {  	v19 =	vsub.f32 v19, v54;
	v24 =	vsub.f32 v33, v24;
	v33 =	vld [tilespmem:s5+$0xC0]  }
0xd8: {  	v20 =	vsub.f32 v20, v40;
	v0 =	vsub.f32 v35, v0;
	v35 =	vld [tilespmem:s30+$0xFFFFFF10]  }
0xd9: {  	v38 =	vmul.f32 v38, v38;
	v13 =	vmul.f32 v13, v13;
	v56 =	vadd.f32 v56, v7;
	v7 =	vld [tilespmem:s17+$0xB0]  }
0xda: {  	v14 =	vmul.f32 v14, v14;
	v15 =	vmul.f32 v15, v15;
	v4 =	vadd.f32 v4, v3;
	v3 =	vld [tilespmem:$0x1FEF0]  }
0xdb: {  	v59 =	vadd.f32 v60, v23;
	v10 =	vadd.f32 v61, v12;
	v60 =	vld [tilespmem:s17+$0xC0];
	v25 =	vperm.xlane v62, v2  }
0xdc: {  	v16 =	vmul.f32 v16, v16;
	v11 =	vadd.f32 v55, v8;
	v12 =	vadd.f32 v50, v9;
	v50 =	vld [tilespmem:s30+$0x80]  }
0xdd: {  	v39 =	vmul.f32 v39, v39;
	v55 =	vsub.f32 v51, v44;
	v44 =	vld [tilespmem:s30+$0xC0];
	v25 =	vadd.f32 v62, v25  }
0xde: {  	v34 =	vsub.f32 v34, v46;
	v17 =	vmul.f32 v17, v17;
	v19 =	vmul.f32 v19, v19;
	v61 =	vld [tilespmem:s5+$0xD0]  }
0xdf: {  	v36 =	vsub.f32 v36, v47;
	v18 =	vmul.f32 v18, v18;
	v21 =	vmul.f32 v25, v3;
	v3 =	vld [tilespmem:$0x1FF10]  }
0xe0: {  	v20 =	vmul.f32 v20, v20;
	v32 =	vmul.f32 v32, v32;
	v38 =	vadd.f32 v13, v38;
	v13 =	vld [tilespmem:s30+$0xF0]  }
0xe1: {  	v34 =	vmul.f32 v34, v34;
	v58 =	vadd.f32 v58, v22;
	v52 =	vadd.f32 v15, v14;
	v14 =	vld [tilespmem:s5+$0xF0]  }
0xe2: {  	v15 =	vmul.f32 v36, v36;
	v36 =	vadd.f32 v39, v16;
	v18 =	vadd.f32 v20, v18;
	v20 =	vld [tilespmem:s30+$0xFFFFFF30]  }
0xe3: {  	v19 =	vadd.f32 v19, v17;
	v40 =	vmul.f32 v55, v55;
	v62 =	vld [tilespmem:s5+$0xE0];
	v27 =	vmul.f32 v25, v27  }
0xe4: {  	v34 =	vadd.f32 v15, v34;
	v28 =	vmul.f32 v25, v28;
	v22 =	vmul.f32 v25, v3;
	v3 =	vld [tilespmem:$0x1FF30]  }
0xe5: {  	v32 =	vadd.f32 v40, v32;
	v29 =	vmul.f32 v25, v29;
	v47 =	vsub.f32 v59, v27;
	v27 =	vld [tilespmem:s30+$0xE0]  }
0xe6: {  	v26 =	vmul.f32 v25, v26;
	v48 =	vsub.f32 v50, v48;
	v28 =	vsub.f32 v10, v28;
	v10 =	vld [tilespmem:s17+$0xE0]  }
0xe7: {  	v16 =	vmul.f32 v24, v24;
	v24 =	vsub.f32 v44, v33;
	v29 =	vsub.f32 v11, v29;
	v11 =	vld [tilespmem:s17+$0xF0]  }
0xe8: {  	v26 =	vsub.f32 v58, v26;
	v22 =	vsub.f32 v57, v22;
	v57 =	vld [tilespmem:s30+$0xD0]  }
0xe9: {  	v15 =	vsub.f32 v20, v53;
	v23 =	vmul.f32 v25, v3;
	v25 =	vmul.f32 v25, v30;
	v30 =	vld [tilespmem:s30+$0x90]  }
0xea: {  	v8 =	vld [tilespmem:s17+$0xD0];
	v18 =	vadd.f32 v32, v18;
	v33 =	vmul.f32 v26, v26;
	v26 =	vsub.f32 v27, v62  }
0xeb: {  	v17 =	vld [tilespmem:s5+$0xFFFFFF20];
	v54 =	vmul.f32 v1, v48;
	v27 =	vsub.f32 v13, v14;
	v13 =	vmul.f32 v60, v24  }
0xec: {  	v55 =	vld [tilespmem:s5+$0xFFFFFF10];
	v59 =	vmul.f32 v10, v26;
	v4 =	vsub.f32 v4, v23;
	v49 =	vsub.f32 v12, v25  }
0xed: {  	v20 =	vld [tilespmem:s30+$0xFFFFFF60];
	v23 =	vsub.f32 v37, v43;
	v25 =	vsub.f32 v57, v61;
	v61 =	vmul.f32 v11, v27  }
0xee: {  	s2 =	sadd.s32 $0x200, s2;
	v32 =	vld [tilespmem:s30+$0xFFFFFF90];
	v12 =	vsub.f32 v30, v41;
	v30 =	vmul.f32 v22, v22;
	v22 =	vsub.f32 v42, v45  }
0xef: {  	v53 =	vld [tilespmem:s2+$0x80];
	v21 =	vsub.f32 v56, v21;
	v57 =	vmul.f32 v7, v23;
	v58 =	vmul.f32 v8, v25  }
0xf0: {  	v14 =	vld [tilespmem:s30+$0xFFFFFF20];
	v41 =	vmul.f32 v5, v12;
	v56 =	vmul.f32 v63, v22  }
0xf1: {  	v39 =	vmul.f32 v21, v21;
	v21 =	vld [tilespmem:s5+$0xFFFFFF00];
	v46 =	vadd.f32 v61, v59;
	v45 =	vadd.f32 v58, v13  }
0xf2: {  	v3 =	vld [tilespmem:$0x1FFC0];
	v37 =	vadd.f32 v41, v54;
	v62 =	vadd.f32 v57, v56  }
0xf3: {  	v43 =	vmul.f32 v47, v47;
	v47 =	vld [tilespmem:s30+$0xFFFFFF80]  }
0xf4: {  	v59 =	vld [tilespmem:s5+$0xFFFFFF60];
	v57 =	vadd.f32 v46, v45;
	v37 =	vadd.f32 v62, v37  }
0xf5: {  	v50 =	vsub.f32 v35, v55;
	v55 =	vmul.f32 v49, v49;
	v49 =	vld [tilespmem:s5+$0xFFFFFF80]  }
0xf6: {  	v0 =	vmul.f32 v0, v0;
	v58 =	vld [tilespmem:s5+$0xFFFFFF50];
	v37 =	vadd.f32 v57, v37  }
0xf7: {  	v13 =	vld [tilespmem:$0x1FFD0]  }
0xf8: {  	v0 =	vadd.f32 v16, v0;
	v54 =	vld [tilespmem:s30+$0xFFFFFF40];
	v61 =	vperm.xlane v37, v3  }
0xf9: {  	v38 =	vadd.f32 v52, v38;
	v36 =	vadd.f32 v19, v36;
	v4 =	vmul.f32 v4, v4;
	v56 =	vld [tilespmem:s5+$0xFFFFFF40]  }
0xfa: {  	v28 =	vmul.f32 v28, v28;
	v46 =	vsub.f32 v14, v17;
	v17 =	vld [tilespmem:s30+$0xFFFFFF50];
	v37 =	vadd.f32 v37, v61  }
0xfb: {  	v29 =	vmul.f32 v29, v29;
	v4 =	vadd.f32 v33, v4;
	v30 =	vadd.f32 v30, v39;
	v14 =	vld [tilespmem:$0x1FFE0]  }
0xfc: {  	v0 =	vadd.f32 v0, v34;
	v28 =	vadd.f32 v28, v43;
	v45 =	vld [tilespmem:s5+$0xFFFFFF70];
	v51 =	vperm.xlane v37, v13  }
0xfd: {  	v29 =	vadd.f32 v55, v29;
	v4 =	vadd.f32 v4, v30;
	v30 =	vld [tilespmem:s2+$0x90]  }
0xfe: {  	v19 =	vsub.f32 v20, v59;
	v59 =	vld [tilespmem:s2+$0xD0];
	v52 =	vadd.f32 v37, v51  }
0xff: {  	v0 =	vadd.f32 v0, v18;
	v55 =	vadd.f32 v36, v38;
	v62 =	vld [tilespmem:s30+$0xFFFFFF70]  }
0x100: {  	v28 =	vadd.f32 v29, v28;
	v18 =	vsub.f32 v47, v49;
	v49 =	vld [tilespmem:s2+$0xF0];
	v29 =	vperm.xlane v52, v14  }
0x101: {  	v57 =	vperm.xlane v55, v3;
	v16 =	vsub.f32 v54, v56;
	v54 =	vld [tilespmem:s2+$0xA0]  }
0x102: {  	v4 =	vadd.f32 v28, v4;
	v56 =	vld [tilespmem:s2+$0xB0];
	v28 =	vadd.f32 v52, v29  }
0x103: {  	v47 =	vadd.f32 v55, v57;
	v55 =	vld [tilespmem:s5+$0xFFFFFFB0]  }
0x104: {  	v20 =	vsub.f32 v62, v45;
	v45 =	vld [tilespmem:s2+$0xE0];
	v62 =	vperm.xlane v28, v2  }
0x105: {  	v48 =	vadd.f32 v53, v48;
	v17 =	vsub.f32 v17, v58;
	v29 =	vld [tilespmem:s2+$0xC0]  }
0x106: {  	v22 =	vadd.f32 v54, v22;
	v54 =	vld [tilespmem:s5+$0xFFFFFFA0];
	v28 =	vadd.f32 v28, v62  }
0x107: {  	v58 =	vperm.xlane v0, v3;
	v12 =	vadd.f32 v30, v12;
	v23 =	vadd.f32 v56, v23;
	v56 =	vld [tilespmem:s30+$0xFFFFFFC0]  }
0x108: {  	v25 =	vadd.f32 v59, v25;
	v51 =	vld [tilespmem:s5+$0xFFFFFF90];
	v31 =	vmul.f32 v28, v1;
	v5 =	vmul.f32 v28, v5  }
0x109: {  	v27 =	vadd.f32 v49, v27;
	v52 =	vld [tilespmem:s30+$0xFFFFFFA0];
	v6 =	vmul.f32 v28, v63;
	v7 =	vmul.f32 v28, v7  }
0x10a: {  	v24 =	vadd.f32 v29, v24;
	v29 =	vld [tilespmem:s30+$0xFFFFFFB0];
	v9 =	vmul.f32 v28, v60;
	v8 =	vmul.f32 v28, v8  }
0x10b: {  	v0 =	vadd.f32 v0, v58;
	v10 =	vmul.f32 v28, v10;
	v11 =	vmul.f32 v28, v11;
	v28 =	vld [tilespmem:s5+$0xFFFFFFF0]  }
0x10c: {  	v26 =	vadd.f32 v45, v26;
	v5 =	vsub.f32 v12, v5;
	v12 =	vld [tilespmem:s5+$0xFFFFFFC0]  }
0x10d: {  	v31 =	vsub.f32 v48, v31;
	v6 =	vsub.f32 v22, v6;
	v22 =	vld [tilespmem:s30+$0xFFFFFFD0]  }
0x10e: {  	v61 =	vperm.xlane v4, v3;
	v7 =	vsub.f32 v23, v7;
	v9 =	vsub.f32 v24, v9;
	v23 =	vld [tilespmem:s5+$0xFFFFFFD0]  }
0x10f: {  	v53 =	vperm.xlane v0, v13;
	v8 =	vsub.f32 v25, v8;
	v10 =	vsub.f32 v26, v10;
	v25 =	vld [tilespmem:s30+$0xFFFFFFE0]  }
0x110: {  	v11 =	vsub.f32 v27, v11;
	v26 =	vld [tilespmem:s5+$0xFFFFFFE0];
	v24 =	vmul.f32 v31, v31;
	v5 =	vmul.f32 v5, v5  }
0x111: {  	v4 =	vadd.f32 v4, v61;
	v27 =	vld [tilespmem:s30+$0xFFFFFFF0];
	v9 =	vmul.f32 v9, v9;
	v8 =	vmul.f32 v8, v8  }
0x112: {  	v10 =	vmul.f32 v10, v10;
	v11 =	vmul.f32 v11, v11;
	v37 =	vsub.f32 v29, v55;
	v29 =	vld [tilespmem:s5+$0x60]  }
0x113: {  	v6 =	vmul.f32 v6, v6;
	v7 =	vmul.f32 v7, v7;
	v5 =	vadd.f32 v5, v24;
	v24 =	vld [tilespmem:s30+$0x0]  }
0x114: {  	v30 =	vperm.xlane v47, v13;
	v8 =	vadd.f32 v8, v9;
	v9 =	vadd.f32 v11, v10;
	v10 =	vld [tilespmem:s5+$0x0]  }
0x115: {  	v0 =	vadd.f32 v0, v53;
	v6 =	vadd.f32 v7, v6;
	v11 =	vld [tilespmem:s30+$0x10]  }
0x116: {  	v33 =	vsub.f32 v22, v23;
	v22 =	vld [tilespmem:s5+$0x20];
	v23 =	vadd.f32 v47, v30  }
0x117: {  	v7 =	vperm.xlane v4, v13;
	v5 =	vadd.f32 v6, v5;
	v6 =	vadd.f32 v9, v8;
	v8 =	vld [tilespmem:s5+$0x10]  }
0x118: {  	v34 =	vsub.f32 v56, v12;
	v35 =	vsub.f32 v25, v26;
	v26 =	vperm.xlane v0, v14;
	v9 =	vld [tilespmem:s30+$0x20]  }
0x119: {  	v49 =	vsub.f32 v27, v28;
	v25 =	vld [tilespmem:s5+$0x30];
	v4 =	vadd.f32 v4, v7;
	v7 =	vperm.xlane v23, v14  }
0x11a: {  	v0 =	vadd.f32 v0, v26;
	v26 =	vld [tilespmem:s5+$0x50];
	v12 =	vadd.f32 v6, v5  }
0x11b: {  	v58 =	vsub.f32 v24, v10;
	v10 =	vld [tilespmem:s30+$0x30];
	v23 =	vadd.f32 v23, v7  }
0x11c: {  	v28 =	vperm.xlane v0, v2;
	v24 =	vperm.xlane v12, v3;
	v1 =	vsub.f32 v11, v8;
	v11 =	vld [tilespmem:s30+$0x40]  }
0x11d: {  	v5 =	vsub.f32 v9, v22;
	v22 =	vld [tilespmem:s30+$0x50];
	v27 =	vperm.xlane v23, v2  }
0x11e: {  	v0 =	vadd.f32 v0, v28;
	v12 =	vadd.f32 v12, v24;
	v24 =	vld [tilespmem:s5+$0x40]  }
0x11f: {  	v23 =	vadd.f32 v23, v27;
	v27 =	vld [tilespmem:s5+$0x70]  }
0x120: {  	[tilespmem:s15+$0xFFFFFF80] =	vst v0;
	v6 =	vsub.f32 v10, v25;
	v25 =	vld [tilespmem:s30+$0x60]  }
0x121: {  	v40 =	vld [tilespmem:s17+$0xFFFFFF80]  }
0x122: {  	v43 =	vld [tilespmem:s17+$0xFFFFFF90];
	[tilespmem:s15+$0xFFFFFF00] =	vst v23  }
0x123: {  	v23 =	vld [tilespmem:s30+$0xFFFFFF00]  }
0x124: {  	v8 =	vperm.xlane v4, v14;
	v9 =	vperm.xlane v12, v13;
	v45 =	vld [tilespmem:s17+$0xFFFFFF00]  }
0x125: {  	v38 =	vsub.f32 v52, v54;
	v41 =	vld [tilespmem:s17+$0xFFFFFF10]  }
0x126: {  	v4 =	vadd.f32 v4, v8;
	v12 =	vadd.f32 v12, v9;
	v52 =	vld [tilespmem:s17+$0xFFFFFF20]  }
0x127: {  	v42 =	vld [tilespmem:s17+$0xFFFFFF30]  }
0x128: {  	v7 =	vmovc v2;
	v10 =	vperm.xlane v4, v2;
	v55 =	vld [tilespmem:s17+$0xFFFFFF40];
	v2 =	vsub.f32 v11, v24;
	v11 =	vperm.xlane v12, v14  }
0x129: {  	v31 =	vsub.f32 v22, v26;
	v53 =	vld [tilespmem:s17+$0xFFFFFF50]  }
0x12a: {  	v24 =	vld [tilespmem:s30+$0x70];
	v4 =	vadd.f32 v4, v10;
	v22 =	vadd.f32 v12, v11  }
0x12b: {  	v54 =	vld [tilespmem:s17+$0xFFFFFF60]  }
0x12c: {  	v32 =	vsub.f32 v32, v51;
	v51 =	vld [tilespmem:s17+$0xFFFFFF70];
	[tilespmem:s15+$0x0] =	vst v4;
	v4 =	vsub.f32 v23, v21;
	v57 =	vperm.xlane v22, v7  }
0x12d: {  	v44 =	vld [tilespmem:s17+$0xFFFFFFA0];
	v62 =	vsub.f32 v25, v29  }
0x12e: {  	v47 =	vld [tilespmem:s17+$0xFFFFFFC0];
	v21 =	vmul.f32 v41, v50;
	v59 =	vmul.f32 v45, v4;
	v0 =	vadd.f32 v22, v57  }
0x12f: {  	s15 =	sadd.s32 $0x200, s15;
	v11 =	vld [tilespmem:s17+$0xFFFFFFB0];
	v23 =	vmul.f32 v42, v15;
	v63 =	vsub.f32 v24, v27;
	v22 =	vmul.f32 v52, v46  }
0x130: {  	v10 =	vld [tilespmem:s17+$0xFFFFFFF0];
	v24 =	vmul.f32 v53, v17;
	[tilespmem:s15+$0x80] =	vst v0;
	v0 =	vadd.f32 v21, v59;
	v21 =	vmul.f32 v55, v16  }
0x131: {  	v8 =	vld [tilespmem:s17+$0x0];
	v25 =	vmul.f32 v51, v20;
	v22 =	vadd.f32 v23, v22;
	v23 =	vmul.f32 v54, v19  }
0x132: {  	v21 =	vadd.f32 v24, v21;
	v24 =	vld [tilespmem:s17+$0xFFFFFFD0]  }
0x133: {  	v26 =	vmul.f32 v43, v32;
	v27 =	vmul.f32 v44, v38;
	v23 =	vadd.f32 v25, v23;
	v25 =	vld [tilespmem:s17+$0xFFFFFFE0]  }
0x134: {  	v9 =	vld [tilespmem:s17+$0x10];
	v28 =	vmul.f32 v11, v37;
	v0 =	vadd.f32 v22, v0;
	v22 =	vmul.f32 v40, v18  }
0x135: {  	v12 =	vld [tilespmem:s17+$0x20];
	v23 =	vadd.f32 v23, v21  }
0x136: {  	v59 =	vld [tilespmem:s2+$0xFFFFFF10];
	v27 =	vadd.f32 v28, v27;
	v29 =	vadd.f32 v26, v22  }
0x137: {  	v30 =	vmul.f32 v47, v34;
	v61 =	vmul.f32 v10, v49;
	v26 =	vld [tilespmem:s17+$0x30];
	v0 =	vadd.f32 v23, v0  }
0x138: {  	[tilespmem:$0x1FEB0] =	vst v49;
	v49 =	vadd.f32 v27, v29;
	v27 =	vld [tilespmem:s17+$0x40];
	v60 =	vmul.f32 v24, v33;
	v39 =	vmul.f32 v25, v35  }
0x139: {  	v28 =	vld [tilespmem:s17+$0x50]  }
0x13a: {  	v36 =	vmovc v38;
	v29 =	vld [tilespmem:s17+$0x60];
	v38 =	vadd.f32 v60, v30;
	v30 =	vperm.xlane v0, v3;
	v39 =	vadd.f32 v61, v39  }
0x13b: {  	v21 =	vmov v58;
	v60 =	vmul.f32 v8, v58;
	v61 =	vmul.f32 v9, v1;
	v58 =	vld [tilespmem:s2+$0xFFFFFF00]  }
0x13c: {  	v57 =	vmul.f32 v12, v5;
	v0 =	vadd.f32 v0, v30;
	v30 =	vld [tilespmem:s17+$0x70];
	v38 =	vadd.f32 v39, v38  }
0x13d: {  	[tilespmem:$0x1FF00] =	vst v1;
	v39 =	vmul.f32 v26, v6;
	v48 =	vadd.f32 v61, v60;
	v60 =	vmul.f32 v27, v2  }
0x13e: {  	[tilespmem:$0x1FF20] =	vst v5;
	v56 =	vld [tilespmem:s2+$0xFFFFFF30];
	v1 =	vperm.xlane v0, v13;
	v49 =	vadd.f32 v38, v49;
	v38 =	vmul.f32 v28, v31  }
0x13f: {  	[tilespmem:$0x1FF30] =	vst v12;
	v12 =	vmov v31;
	v5 =	vld [tilespmem:s2+$0xFFFFFFF0];
	v39 =	vadd.f32 v39, v57;
	v31 =	vadd.f32 v59, v50  }
0x140: {  	[tilespmem:$0x1FF10] =	vst v9;
	v61 =	vld [tilespmem:s2+$0xFFFFFF20];
	v0 =	vadd.f32 v0, v1;
	v1 =	vmul.f32 v29, v62;
	v60 =	vadd.f32 v38, v60  }
0x141: {  	v9 =	vmovc v63;
	v59 =	vld [tilespmem:s2+$0xFFFFFF60];
	v38 =	vadd.f32 v58, v4;
	v58 =	vperm.xlane v49, v3;
	v63 =	vmul.f32 v30, v63  }
0x142: {  	[tilespmem:$0x1FEF0] =	vst v8;
	v8 =	vmov v62;
	v62 =	vld [tilespmem:s2+$0xFFFFFF40];
	v39 =	vadd.f32 v39, v48  }
0x143: {  	v23 =	vmovc v2;
	v4 =	vld [tilespmem:s2+$0xFFFFFF50];
	v2 =	vperm.xlane v0, v14;
	v48 =	vadd.f32 v49, v58;
	v57 =	vadd.f32 v63, v1  }
0x144: {  	v63 =	vld [tilespmem:s2+$0xFFFFFF70]  }
0x145: {  	v58 =	vld [tilespmem:s2+$0xFFFFFF80];
	v0 =	vadd.f32 v0, v2;
	v50 =	vperm.xlane v48, v13;
	v1 =	vadd.f32 v57, v60  }
0x146: {  	v15 =	vadd.f32 v56, v15;
	v22 =	vmov v6;
	v6 =	vadd.f32 v61, v46;
	v61 =	vld [tilespmem:s2+$0xFFFFFFA0]  }
0x147: {  	v60 =	vld [tilespmem:s2+$0xFFFFFF90];
	v2 =	vperm.xlane v0, v7;
	v56 =	vadd.f32 v48, v50;
	v46 =	vadd.f32 v1, v39  }
0x148: {  	v57 =	vld [tilespmem:s2+$0x10];
	v39 =	vadd.f32 v4, v17;
	v17 =	vadd.f32 v59, v19  }
0x149: {  	v1 =	vld [tilespmem:s2+$0xFFFFFFB0];
	v0 =	vadd.f32 v0, v2;
	v19 =	vadd.f32 v63, v20;
	v20 =	vperm.xlane v56, v14  }
0x14a: {  	v16 =	vadd.f32 v62, v16;
	v18 =	vadd.f32 v58, v18;
	v63 =	vld [tilespmem:s2+$0xFFFFFFD0];
	v4 =	vperm.xlane v46, v3  }
0x14b: {  	v58 =	vld [tilespmem:s2+$0x30];
	v48 =	vmul.f32 v0, v45;
	v49 =	vmul.f32 v0, v41;
	v62 =	vadd.f32 v56, v20  }
0x14c: {  	v2 =	vld [tilespmem:s2+$0xFFFFFFC0];
	v41 =	vmul.f32 v0, v52;
	v45 =	vmul.f32 v0, v42;
	v4 =	vadd.f32 v46, v4  }
0x14d: {  	v3 =	vld [tilespmem:s2+$0xFFFFFFE0];
	v42 =	vmul.f32 v0, v55;
	v50 =	vperm.xlane v62, v7  }
0x14e: {  	s16 =	sadd.s32 $0x4, s16;
	v56 =	vld [tilespmem:s2+$0x0];
	v20 =	vadd.f32 v60, v32;
	v32 =	vadd.f32 v61, v36;
	v46 =	vperm.xlane v4, v13  }
0x14f: {  	p0 =	slt.u32 s16, $0x3C;
	v52 =	vmul.f32 v0, v53;
	v36 =	vadd.f32 v63, v33;
	v63 =	vld [tilespmem:$0x1FEB0];
	v59 =	vadd.f32 v62, v50  }
.Ltmp0:
0x150: {  	v53 =	vmul.f32 v0, v54;
	v54 =	vmul.f32 v0, v51;
	v60 =	vld [tilespmem:s2+$0x40];
	v0 =	vadd.f32 v4, v46;
	(pc) =	sbr.rel @p0 .LBB2_3-.Ltmp0, $4  }
0x151: {  	v61 =	vld [tilespmem:s2+$0x50];
	v51 =	vadd.f32 v1, v37;
	v37 =	vmul.f32 v59, v40;
	v40 =	vmul.f32 v59, v43  }
0x152: {  	v34 =	vadd.f32 v2, v34;
	v50 =	vld [tilespmem:s2+$0x70];
	v43 =	vmul.f32 v59, v44;
	v55 =	vperm.xlane v0, v14  }
0x153: {  	v35 =	vadd.f32 v3, v35;
	v4 =	vld [tilespmem:s2+$0x20];
	v44 =	vmul.f32 v59, v11;
	v46 =	vmul.f32 v59, v47  }
0x154: {  	s17 =	sadd.s32 $0x200, s17;
	v7 =	vmovc v21;
	v47 =	vmul.f32 v59, v24;
	v33 =	vadd.f32 v5, v63;
	v62 =	vadd.f32 v0, v55;
	v55 =	vld [tilespmem:s2+$0x60]  }
0x155: {  	v1 =	vadd.f32 v56, v7;
	v56 =	vadd.f32 v58, v22  }
0x156: {  	v13 =	vsub.f32 v31, v49;
	v14 =	vsub.f32 v6, v41  }
0x157: {  	v15 =	vsub.f32 v15, v45;
	v16 =	vsub.f32 v16, v42  }
0x158: {  	v63 =	vld [tilespmem:$0x1FFF0];
	v17 =	vsub.f32 v17, v53;
	v19 =	vsub.f32 v19, v54  }
0x159: {  	v2 =	vmul.f32 v59, v25;
	v7 =	vld [tilespmem:$0x1FF20];
	v18 =	vsub.f32 v18, v37;
	v20 =	vsub.f32 v20, v40  }
0x15a: {  	v5 =	vmul.f32 v59, v10;
	v61 =	vadd.f32 v61, v12;
	v31 =	vsub.f32 v36, v47  }
0x15b: {  	v3 =	vld [tilespmem:$0x1FF00];
	v12 =	vadd.f32 v50, v9;
	v13 =	vmul.f32 v13, v13;
	v14 =	vmul.f32 v14, v14  }
0x15c: {  	v10 =	vld [tilespmem:$0x1FEF0];
	v15 =	vmul.f32 v15, v15;
	v16 =	vmul.f32 v16, v16;
	v2 =	vsub.f32 v35, v2  }
0x15d: {  	v5 =	vsub.f32 v33, v5;
	v11 =	vadd.f32 v55, v8;
	v8 =	vld [tilespmem:$0x1FF30];
	v0 =	vperm.xlane v62, v63  }
0x15e: {  	v17 =	vmul.f32 v17, v17;
	v4 =	vadd.f32 v4, v7;
	v7 =	vadd.f32 v60, v23  }
0x15f: {  	v19 =	vmul.f32 v19, v19;
	v23 =	vsub.f32 v38, v48;
	v0 =	vadd.f32 v62, v0  }
0x160: {  	v14 =	vadd.f32 v15, v14;
	v2 =	vmul.f32 v2, v2;
	v5 =	vmul.f32 v5, v5  }
0x161: {  	v3 =	vadd.f32 v57, v3;
	v23 =	vmul.f32 v23, v23;
	v62 =	vmul.f32 v0, v10  }
0x162: {  	v2 =	vadd.f32 v5, v2;
	v21 =	vmul.f32 v0, v8;
	v22 =	vmul.f32 v0, v26  }
0x163: {  	v24 =	vmul.f32 v0, v27;
	v25 =	vmul.f32 v0, v28;
	v27 =	vsub.f32 v39, v52  }
0x164: {  	v26 =	vmul.f32 v0, v29;
	v28 =	vsub.f32 v32, v43;
	v29 =	vsub.f32 v51, v44  }
0x165: {  	v9 =	vmul.f32 v18, v18;
	v10 =	vld [tilespmem:$0x1FF10];
	v13 =	vadd.f32 v13, v23;
	v1 =	vsub.f32 v1, v62  }
0x166: {  	v27 =	vmul.f32 v27, v27;
	v4 =	vsub.f32 v4, v21;
	v6 =	vsub.f32 v56, v22  }
0x167: {  	v7 =	vsub.f32 v7, v24;
	v8 =	vsub.f32 v61, v25;
	v18 =	vmul.f32 v28, v28  }
0x168: {  	v11 =	vsub.f32 v11, v26;
	v21 =	vmul.f32 v31, v31;
	v5 =	vadd.f32 v14, v13  }
0x169: {  	v15 =	vadd.f32 v27, v16;
	v1 =	vmul.f32 v1, v1;
	v4 =	vmul.f32 v4, v4  }
0x16a: {  	v6 =	vmul.f32 v6, v6;
	v16 =	vadd.f32 v19, v17;
	v10 =	vmul.f32 v0, v10  }
0x16b: {  	v7 =	vmul.f32 v7, v7;
	v0 =	vmul.f32 v0, v30;
	v30 =	vsub.f32 v34, v46  }
0x16c: {  	v8 =	vmul.f32 v8, v8;
	v3 =	vsub.f32 v3, v10;
	v10 =	vmul.f32 v20, v20  }
0x16d: {  	v0 =	vsub.f32 v12, v0;
	v12 =	vmul.f32 v29, v29;
	v20 =	vmul.f32 v30, v30  }
0x16e: {  	v3 =	vmul.f32 v3, v3;
	v9 =	vadd.f32 v10, v9;
	v10 =	vmul.f32 v11, v11  }
0x16f: {  	v11 =	vadd.f32 v12, v18;
	v12 =	vadd.f32 v21, v20;
	v0 =	vmul.f32 v0, v0  }
0x170: {  	v1 =	vadd.f32 v3, v1;
	v3 =	vadd.f32 v6, v4  }
0x171: {  	v35 =	vld [tilespmem:$0x1FFC0];
	v4 =	vadd.f32 v8, v7;
	v0 =	vadd.f32 v0, v10  }
0x172: {  	v6 =	vadd.f32 v16, v15;
	v7 =	vadd.f32 v11, v9  }
0x173: {  	v2 =	vadd.f32 v2, v12;
	v1 =	vadd.f32 v3, v1  }
0x174: {  	v0 =	vadd.f32 v0, v4;
	v3 =	vadd.f32 v6, v5  }
0x175: {  	v37 =	vld [tilespmem:$0x1FFD0];
	v2 =	vadd.f32 v2, v7  }
0x176: {  	v0 =	vadd.f32 v0, v1;
	v1 =	vperm.xlane v3, v35  }
0x177: {  	v4 =	vperm.xlane v2, v35  }
0x178: {  	v5 =	vperm.xlane v0, v35;
	v1 =	vadd.f32 v3, v1  }
0x179: {  	v44 =	vld [tilespmem:$0x1FFE0];
	v2 =	vadd.f32 v2, v4  }
0x17a: {  	v0 =	vadd.f32 v0, v5;
	v3 =	vperm.xlane v1, v37  }
0x17b: {  	v4 =	vperm.xlane v2, v37  }
0x17c: {  	v5 =	vperm.xlane v0, v37;
	v1 =	vadd.f32 v1, v3  }
0x17d: {  	v2 =	vadd.f32 v2, v4  }
0x17e: {  	v0 =	vadd.f32 v0, v5;
	v3 =	vperm.xlane v1, v44  }
0x17f: {  	v4 =	vperm.xlane v2, v44  }
0x180: {  	v5 =	vperm.xlane v0, v44;
	v1 =	vadd.f32 v1, v3  }
0x181: {  	v2 =	vadd.f32 v2, v4  }
0x182: {  	v0 =	vadd.f32 v0, v5;
	v3 =	vperm.xlane v1, v63  }
0x183: {  	v4 =	vperm.xlane v2, v63  }
0x184: {  	v5 =	vperm.xlane v0, v63;
	v1 =	vadd.f32 v1, v3  }
0x185: {  	v2 =	vadd.f32 v2, v4  }
0x186: {  	v0 =	vadd.f32 v0, v5;
	[tilespmem:s15+$0xFFFFFF00] =	vst v1  }
0x187: {  	[tilespmem:s15+$0xFFFFFF80] =	vst v2  }
0x188: {  	[tilespmem:s15+$0x0] =	vst v0  }
0x189: {  	v4 =	vld [tilespmem:$0x1FFB0];
	_ =	sdelay $0x7  }
0x18a: {  	v0 =	vld.idx.msk [tilespmem:v4+s24+$0x0], $0xffff;
	_ =	sdelay $0x4  }
0x18b: {  	v0 =	vmax.f32 v0, $1.000000000e-30  }
0x18c: {  	v1 =	vshra.s32 v0, $0x1;
	v2 =	vmul.f32 $5.000000000e-01, v0  }
0x18d: {  	v1 =	vsub.s32 $0x5F3759DF, v1  }
0x18e: {  	v3 =	vmul.f32 v1, v2;
	_ =	sdelay $0x1  }
0x18f: {  	v3 =	vmul.f32 v1, v3;
	_ =	sdelay $0x1  }
0x190: {  	v3 =	vsub.f32 $1.500000000e+00, v3;
	_ =	sdelay $0x1  }
0x191: {  	v1 =	vmul.f32 v1, v3;
	_ =	sdelay $0x1  }
0x192: {  	v3 =	vmul.f32 v1, v2;
	_ =	sdelay $0x1  }
0x193: {  	v3 =	vmul.f32 v3, v1;
	_ =	sdelay $0x1  }
0x194: {  	v3 =	vsub.f32 $1.500000000e+00, v3;
	_ =	sdelay $0x1  }
0x195: {  	v1 =	vmul.f32 v3, v1;
	_ =	sdelay $0x1  }
0x196: {  	v2 =	vmul.f32 v1, v2;
	_ =	sdelay $0x1  }
0x197: {  	v2 =	vmul.f32 v2, v1;
	_ =	sdelay $0x1  }
0x198: {  	v2 =	vsub.f32 $1.500000000e+00, v2;
	_ =	sdelay $0x1  }
0x199: {  	v1 =	vmul.f32 v2, v1;
	_ =	sdelay $0x1  }
0x19a: {  	v0 =	vmul.f32 v1, v0;
	v1 =	vor.u32 $0x800, v4;
	_ =	sdelay $0x1  }
0x19b: {  	v0 =	vsub.f32 $0.0e+00, v0  }
0x19c: {  	s30 =	sand.u32 $0x3FFFFF80, s31  }
0x19d: {  	[tilespmem:s30+$0x10600] =	vst v0  }
0x19e: {  	v0 =	vld.idx.msk [tilespmem:v1+s24+$0x0], $0xffff;
	_ =	sdelay $0x4  }
0x19f: {  	v0 =	vmax.f32 v0, $1.000000000e-30  }
0x1a0: {  	[tilespmem:$0x1FDF0] =	vst v1;
	v1 =	vshra.s32 v0, $0x1;
	v2 =	vmul.f32 $5.000000000e-01, v0  }
0x1a1: {  	v1 =	vsub.s32 $0x5F3759DF, v1  }
0x1a2: {  	v3 =	vmul.f32 v1, v2;
	_ =	sdelay $0x1  }
0x1a3: {  	v3 =	vmul.f32 v1, v3;
	_ =	sdelay $0x1  }
0x1a4: {  	v3 =	vsub.f32 $1.500000000e+00, v3;
	_ =	sdelay $0x1  }
0x1a5: {  	v1 =	vmul.f32 v1, v3;
	_ =	sdelay $0x1  }
0x1a6: {  	v3 =	vmul.f32 v1, v2;
	_ =	sdelay $0x1  }
0x1a7: {  	v3 =	vmul.f32 v3, v1;
	_ =	sdelay $0x1  }
0x1a8: {  	v3 =	vsub.f32 $1.500000000e+00, v3;
	_ =	sdelay $0x1  }
0x1a9: {  	v1 =	vmul.f32 v3, v1;
	_ =	sdelay $0x1  }
0x1aa: {  	v2 =	vmul.f32 v1, v2;
	_ =	sdelay $0x1  }
0x1ab: {  	v2 =	vmul.f32 v2, v1;
	_ =	sdelay $0x1  }
0x1ac: {  	v2 =	vsub.f32 $1.500000000e+00, v2;
	_ =	sdelay $0x1  }
0x1ad: {  	v1 =	vmul.f32 v2, v1;
	_ =	sdelay $0x1  }
0x1ae: {  	v0 =	vmul.f32 v1, v0;
	v1 =	vor.u32 $0x1000, v4;
	_ =	sdelay $0x1  }
0x1af: {  	v0 =	vsub.f32 $0.0e+00, v0;
	_ =	sdelay $0x1  }
0x1b0: {  	[tilespmem:s30+$0x10610] =	vst v0  }
0x1b1: {  	v0 =	vld.idx.msk [tilespmem:v1+s24+$0x0], $0xffff;
	_ =	sdelay $0x4  }
0x1b2: {  	v0 =	vmax.f32 v0, $1.000000000e-30  }
0x1b3: {  	[tilespmem:$0x1FE00] =	vst v1;
	v1 =	vshra.s32 v0, $0x1;
	v2 =	vmul.f32 $5.000000000e-01, v0  }
0x1b4: {  	v1 =	vsub.s32 $0x5F3759DF, v1  }
0x1b5: {  	v3 =	vmul.f32 v1, v2;
	_ =	sdelay $0x1  }
0x1b6: {  	v3 =	vmul.f32 v1, v3;
	_ =	sdelay $0x1  }
0x1b7: {  	v3 =	vsub.f32 $1.500000000e+00, v3;
	_ =	sdelay $0x1  }
0x1b8: {  	v1 =	vmul.f32 v1, v3;
	_ =	sdelay $0x1  }
0x1b9: {  	v3 =	vmul.f32 v1, v2;
	_ =	sdelay $0x1  }
0x1ba: {  	v3 =	vmul.f32 v3, v1;
	_ =	sdelay $0x1  }
0x1bb: {  	v3 =	vsub.f32 $1.500000000e+00, v3;
	_ =	sdelay $0x1  }
0x1bc: {  	v1 =	vmul.f32 v3, v1;
	_ =	sdelay $0x1  }
0x1bd: {  	v2 =	vmul.f32 v1, v2;
	_ =	sdelay $0x1  }
0x1be: {  	v2 =	vmul.f32 v2, v1;
	_ =	sdelay $0x1  }
0x1bf: {  	v2 =	vsub.f32 $1.500000000e+00, v2;
	_ =	sdelay $0x1  }
0x1c0: {  	v1 =	vmul.f32 v2, v1;
	_ =	sdelay $0x1  }
0x1c1: {  	v0 =	vmul.f32 v1, v0;
	v1 =	vor.u32 $0x1800, v4;
	_ =	sdelay $0x1  }
0x1c2: {  	v0 =	vsub.f32 $0.0e+00, v0;
	_ =	sdelay $0x1  }
0x1c3: {  	[tilespmem:s30+$0x10620] =	vst v0  }
0x1c4: {  	v0 =	vld.idx.msk [tilespmem:v1+s24+$0x0], $0xffff;
	_ =	sdelay $0x4  }
0x1c5: {  	v0 =	vmax.f32 v0, $1.000000000e-30  }
0x1c6: {  	[tilespmem:$0x1FE10] =	vst v1;
	v1 =	vshra.s32 v0, $0x1;
	v2 =	vmul.f32 $5.000000000e-01, v0  }
0x1c7: {  	v1 =	vsub.s32 $0x5F3759DF, v1  }
0x1c8: {  	v3 =	vmul.f32 v1, v2;
	_ =	sdelay $0x1  }
0x1c9: {  	v3 =	vmul.f32 v1, v3;
	_ =	sdelay $0x1  }
0x1ca: {  	v3 =	vsub.f32 $1.500000000e+00, v3;
	_ =	sdelay $0x1  }
0x1cb: {  	v1 =	vmul.f32 v1, v3;
	_ =	sdelay $0x1  }
0x1cc: {  	v3 =	vmul.f32 v1, v2;
	_ =	sdelay $0x1  }
0x1cd: {  	v3 =	vmul.f32 v3, v1;
	_ =	sdelay $0x1  }
0x1ce: {  	v3 =	vsub.f32 $1.500000000e+00, v3;
	_ =	sdelay $0x1  }
0x1cf: {  	v1 =	vmul.f32 v3, v1;
	_ =	sdelay $0x1  }
0x1d0: {  	v2 =	vmul.f32 v1, v2;
	_ =	sdelay $0x1  }
0x1d1: {  	v2 =	vmul.f32 v2, v1;
	_ =	sdelay $0x1  }
0x1d2: {  	v2 =	vsub.f32 $1.500000000e+00, v2;
	_ =	sdelay $0x1  }
0x1d3: {  	v1 =	vmul.f32 v2, v1;
	_ =	sdelay $0x1  }
0x1d4: {  	v0 =	vmul.f32 v1, v0;
	_ =	sdelay $0x1  }
0x1d5: {  	v0 =	vsub.f32 $0.0e+00, v0;
	_ =	sdelay $0x1  }
0x1d6: {  	[tilespmem:s30+$0x10630] =	vst v0  }
0x1d7: {  	_ =	swait.ge [sflag:s25], $0x2000  }
0x1d8: {  	[sflag:s25] =	ssyncset.done $0x0  }
0x1d9: {  	[sflag:s25] =	ssyncadd.s32 $0xFFFFE000  }
0x1da: {  	_ =	swait.ge [sflag:s25], $0x2000  }
0x1db: {  	[sflag:s25] =	ssyncset.done $0x0  }
0x1dc: {  	[sflag:s25] =	ssyncadd.s32 $0xFFFFE000  }
0x1dd: {  	_ =	swait.ge [sflag:s25], $0x2000  }
0x1de: {  	[sflag:s25] =	ssyncset.done $0x0  }
0x1df: {  	[sflag:s25] =	ssyncadd.s32 $0xFFFFE000  }
0x1e0: {  	p0 =	seq.s32 s29, $0x3;
	_ =	swait.ge [sflag:s25], $0x2000  }
0x1e1: {  	s2 =	sadd.s32 @!p0 $0x80, s31;
	[sflag:s25] =	ssyncset.done $0x0  }
0x1e2: {  	s5 =	simm.s32 @!p0 $0x40;
	s15 =	simm.s32 @!p0 $0x600;
	[sflag:s25] =	ssyncadd.s32 $0xFFFFE000  }
0x1e3: {  	[tilespmem:s15], [sflag:$0x1] =	stream.indirect.gather @!p0 [hbm4b:s0+s5], $0x80, s2, s5, $0xb8;
	[tilespmem:$0x12800] =	vst v63  }
0x1e4: {  	s2 =	sadd.s32 @!p0 $0x480, s31;
	s15 =	simm.s32 @!p0 $0x4600  }
0x1e5: {  	[tilespmem:s15], [sflag:$0x1] =	stream.indirect.gather @!p0 [hbm4b:s0+s5], $0x80, s2, s5, $0xb8;
	[tilespmem:$0x12800] =	vst v63  }
0x1e6: {  	s2 =	sadd.s32 @!p0 $0x280, s31;
	s15 =	simm.s32 @!p0 $0x8600  }
0x1e7: {  	[tilespmem:s15], [sflag:$0x1] =	stream.indirect.gather @!p0 [hbm4b:s1+s5], $0x80, s2, s5, $0xb8;
	[tilespmem:$0x12800] =	vst v63  }
0x1e8: {  	s17 =	simm.s32 $0xE7F0;
	s15 =	simm.s32 @!p0 $0xC600  }
0x1e9: {  	[tilespmem:s15], [sflag:$0x1] =	stream.indirect.gather @!p0 [hbm4b:s3+s5], $0x80, s2, s5, $0xb8;
	[tilespmem:$0x12800] =	vst v63  }
0x1ea: {  	v0 =	vld [tilespmem:s17+$0xFFFFFF90]  }
0x1eb: {  	v1 =	vld [tilespmem:s17+$0xFFFFFFA0]  }
0x1ec: {  	v2 =	vld [tilespmem:s17+$0xFFFFFFB0]  }
0x1ed: {  	v3 =	vld [tilespmem:s17+$0xFFFFFFC0]  }
0x1ee: {  	v4 =	vld [tilespmem:s17+$0xFFFFFFD0]  }
0x1ef: {  	s31 =	simm.s32 $0x27F0;
	v5 =	vld [tilespmem:s17+$0xFFFFFFE0]  }
0x1f0: {  	s5 =	simm.s32 $0x67F0;
	v6 =	vld [tilespmem:s31+$0xFFFFFF90]  }
0x1f1: {  	v7 =	vld [tilespmem:s5+$0xFFFFFF90]  }
0x1f2: {  	v8 =	vld [tilespmem:s31+$0xFFFFFFA0]  }
0x1f3: {  	v10 =	vld [tilespmem:s5+$0xFFFFFFA0]  }
0x1f4: {  	v11 =	vld [tilespmem:s31+$0xFFFFFFB0]  }
0x1f5: {  	v12 =	vld [tilespmem:s5+$0xFFFFFFB0]  }
0x1f6: {  	v13 =	vld [tilespmem:s31+$0xFFFFFFC0]  }
0x1f7: {  	v14 =	vld [tilespmem:s5+$0xFFFFFFC0]  }
0x1f8: {  	v15 =	vld [tilespmem:s31+$0xFFFFFFD0]  }
0x1f9: {  	v16 =	vld [tilespmem:s5+$0xFFFFFFD0]  }
0x1fa: {  	v17 =	vld [tilespmem:s31+$0xFFFFFFE0]  }
0x1fb: {  	v18 =	vld [tilespmem:s5+$0xFFFFFFE0]  }
0x1fc: {  	v19 =	vld [tilespmem:s31+$0xFFFFFFF0]  }
0x1fd: {  	v9 =	vld [tilespmem:s5+$0xFFFFFE10]  }
0x1fe: {  	v20 =	vld [tilespmem:s5+$0xFFFFFFF0]  }
0x1ff: {  	v21 =	vld [tilespmem:s31+$0x0]  }
0x200: {  	v22 =	vld [tilespmem:s5+$0x0]  }
0x201: {  	v23 =	vld [tilespmem:s17+$0xFFFFFFF0]  }
0x202: {  	v24 =	vld [tilespmem:s17+$0x0];
	[tilespmem:$0x1FE20] =	vst v9  }
0x203: {  	v62 =	vld [tilespmem:s31+$0xFFFFFE20]  }
0x204: {  	v26 =	vld [tilespmem:s5+$0xFFFFFE20]  }
0x205: {  	v60 =	vld [tilespmem:s31+$0xFFFFFE30]  }
0x206: {  	v28 =	vld [tilespmem:s5+$0xFFFFFE30]  }
0x207: {  	v29 =	vld [tilespmem:s31+$0xFFFFFE40]  }
0x208: {  	v30 =	vld [tilespmem:s5+$0xFFFFFE40]  }
0x209: {  	v31 =	vld [tilespmem:s31+$0xFFFFFE50]  }
0x20a: {  	v32 =	vld [tilespmem:s5+$0xFFFFFE50]  }
0x20b: {  	v33 =	vld [tilespmem:s31+$0xFFFFFE60]  }
0x20c: {  	v6 =	vsub.f32 v6, v7;
	v7 =	vsub.f32 v8, v10;
	v8 =	vld [tilespmem:s5+$0xFFFFFE60]  }
0x20d: {  	v10 =	vsub.f32 v11, v12;
	v25 =	vld [tilespmem:s31+$0xFFFFFE70]  }
0x20e: {  	v11 =	vsub.f32 v13, v14;
	v13 =	vsub.f32 v15, v16;
	v15 =	vld [tilespmem:s5+$0xFFFFFE70]  }
0x20f: {  	v47 =	vld [tilespmem:s31+$0xFFFFFE80]  }
0x210: {  	v14 =	vsub.f32 v17, v18;
	v49 =	vld [tilespmem:s5+$0xFFFFFE80]  }
0x211: {  	v18 =	vsub.f32 v19, v20;
	v9 =	vld [tilespmem:s31+$0xFFFFFE90];
	v16 =	vmul.f32 v0, v6;
	v17 =	vmul.f32 v1, v7  }
0x212: {  	v21 =	vsub.f32 v21, v22;
	v40 =	vld [tilespmem:s5+$0xFFFFFE90];
	v20 =	vmul.f32 v2, v10;
	v54 =	vmul.f32 v3, v11  }
0x213: {  	s2 =	simm.s32 $0xA7F0;
	v50 =	vld [tilespmem:s31+$0xFFFFFEA0];
	v22 =	vmul.f32 v4, v13;
	v55 =	vmul.f32 v5, v14  }
0x214: {  	v36 =	vld [tilespmem:s2+$0xFFFFFF90];
	v56 =	vmul.f32 v23, v18;
	v57 =	vmul.f32 v24, v21  }
0x215: {  	v38 =	vld [tilespmem:s2+$0xFFFFFFA0];
	v16 =	vadd.f32 v17, v16;
	v17 =	vadd.f32 v54, v20  }
0x216: {  	v34 =	vld [tilespmem:s2+$0xFFFFFFC0];
	v22 =	vadd.f32 v55, v22;
	v58 =	vadd.f32 v57, v56  }
0x217: {  	v39 =	vld [tilespmem:s2+$0xFFFFFFE0]  }
0x218: {  	v42 =	vld [tilespmem:s2+$0xFFFFFFF0];
	v16 =	vadd.f32 v17, v16;
	v17 =	vadd.f32 v58, v22  }
0x219: {  	v61 =	vld [tilespmem:s2+$0x0]  }
0x21a: {  	v41 =	vld [tilespmem:s5+$0xFFFFFEA0];
	v16 =	vadd.f32 v17, v16  }
0x21b: {  	v27 =	vld [tilespmem:s31+$0xFFFFFEB0]  }
0x21c: {  	v48 =	vld [tilespmem:s5+$0xFFFFFEB0];
	v59 =	vperm.xlane v16, v35  }
0x21d: {  	v51 =	vld [tilespmem:s31+$0xFFFFFEC0]  }
0x21e: {  	v45 =	vld [tilespmem:s5+$0xFFFFFEC0];
	v16 =	vadd.f32 v16, v59  }
0x21f: {  	v52 =	vld [tilespmem:s31+$0xFFFFFED0]  }
0x220: {  	v53 =	vld [tilespmem:s5+$0xFFFFFED0];
	v58 =	vperm.xlane v16, v37  }
0x221: {  	v54 =	vld [tilespmem:s31+$0xFFFFFEE0]  }
0x222: {  	v55 =	vld [tilespmem:s5+$0xFFFFFEE0];
	v16 =	vadd.f32 v16, v58  }
0x223: {  	v56 =	vld [tilespmem:s31+$0xFFFFFEF0]  }
0x224: {  	v57 =	vld [tilespmem:s5+$0xFFFFFEF0];
	v59 =	vperm.xlane v16, v44  }
0x225: {  	v22 =	vld [tilespmem:s2+$0xFFFFFFB0]  }
0x226: {  	v11 =	vadd.f32 v34, v11;
	v34 =	vld [tilespmem:s31+$0xFFFFFF10];
	v16 =	vadd.f32 v16, v59  }
0x227: {  	v18 =	vadd.f32 v42, v18;
	v42 =	vld [tilespmem:s31+$0xFFFFFF20]  }
0x228: {  	v7 =	vadd.f32 v38, v7;
	v17 =	vld [tilespmem:s2+$0xFFFFFFD0];
	v46 =	vperm.xlane v16, v63  }
0x229: {  	v21 =	vadd.f32 v61, v21;
	v61 =	vld [tilespmem:s5+$0xFFFFFF20];
	v38 =	vsub.f32 v9, v40  }
0x22a: {  	v40 =	vsub.f32 v50, v41;
	v50 =	vld [tilespmem:s17+$0xFFFFFE50];
	v16 =	vadd.f32 v16, v46  }
0x22b: {  	v10 =	vadd.f32 v22, v10;
	v22 =	vsub.f32 v47, v49;
	v47 =	vld [tilespmem:s17+$0xFFFFFE30]  }
0x22c: {  	v6 =	vadd.f32 v36, v6;
	v49 =	vld [tilespmem:s17+$0xFFFFFE40];
	v0 =	vmul.f32 v16, v0  }
0x22d: {  	v13 =	vadd.f32 v17, v13;
	v17 =	vld [tilespmem:s5+$0xFFFFFF10];
	v1 =	vmul.f32 v16, v1;
	v2 =	vmul.f32 v16, v2  }
0x22e: {  	v14 =	vadd.f32 v39, v14;
	v58 =	vld [tilespmem:s31+$0xFFFFFF00];
	v3 =	vmul.f32 v16, v3;
	v4 =	vmul.f32 v16, v4  }
0x22f: {  	v59 =	vld [tilespmem:s5+$0xFFFFFF00];
	v5 =	vmul.f32 v16, v5;
	v0 =	vsub.f32 v6, v0;
	v1 =	vsub.f32 v7, v1  }
0x230: {  	v46 =	vld [tilespmem:s17+$0xFFFFFE20];
	v2 =	vsub.f32 v10, v2;
	v3 =	vsub.f32 v11, v3;
	v7 =	vmul.f32 v16, v23  }
0x231: {  	v6 =	vld [tilespmem:s31+$0xFFFFFF30];
	v4 =	vsub.f32 v13, v4;
	v5 =	vsub.f32 v14, v5;
	v11 =	vmul.f32 v16, v24  }
0x232: {  	v10 =	vld [tilespmem:s5+$0xFFFFFF30];
	v0 =	vmul.f32 v0, v0;
	v1 =	vmul.f32 v1, v1;
	v7 =	vsub.f32 v18, v7  }
0x233: {  	v13 =	vld [tilespmem:s31+$0xFFFFFF40];
	v2 =	vmul.f32 v2, v2;
	v3 =	vmul.f32 v3, v3;
	v11 =	vsub.f32 v21, v11  }
0x234: {  	v14 =	vld [tilespmem:s5+$0xFFFFFF40];
	v4 =	vmul.f32 v4, v4;
	v5 =	vmul.f32 v5, v5  }
0x235: {  	v16 =	vld [tilespmem:s31+$0xFFFFFF50];
	v7 =	vmul.f32 v7, v7;
	v11 =	vmul.f32 v11, v11  }
0x236: {  	v23 =	vld [tilespmem:s17+$0xFFFFFE10];
	v0 =	vadd.f32 v1, v0;
	v1 =	vadd.f32 v3, v2  }
0x237: {  	v18 =	vld [tilespmem:s5+$0xFFFFFF50];
	v3 =	vadd.f32 v5, v4;
	v4 =	vadd.f32 v11, v7  }
0x238: {  	v21 =	vld [tilespmem:s31+$0xFFFFFF60]  }
0x239: {  	v2 =	vld [tilespmem:s5+$0xFFFFFF60];
	v0 =	vadd.f32 v1, v0;
	v1 =	vadd.f32 v4, v3  }
0x23a: {  	v19 =	vsub.f32 v29, v30;
	v5 =	vld [tilespmem:s31+$0xFFFFFF70]  }
0x23b: {  	v20 =	vsub.f32 v31, v32;
	v7 =	vld [tilespmem:s5+$0xFFFFFF70];
	v0 =	vadd.f32 v1, v0  }
0x23c: {  	v31 =	vsub.f32 v51, v45;
	v29 =	vsub.f32 v52, v53;
	v3 =	vld [tilespmem:s31+$0xFFFFFF80]  }
0x23d: {  	v12 =	vmovc v63;
	v63 =	vsub.f32 v60, v28;
	v60 =	vsub.f32 v33, v8;
	v4 =	vld [tilespmem:s5+$0xFFFFFF80];
	v8 =	vperm.xlane v0, v35  }
0x23e: {  	v55 =	vsub.f32 v54, v55;
	v1 =	vld [tilespmem:s31+$0xFFFFFE10];
	[tilespmem:$0x1FE50] =	vst v31  }
0x23f: {  	v30 =	vsub.f32 v56, v57;
	[tilespmem:$0x1FE60] =	vst v29;
	v8 =	vadd.f32 v0, v8  }
0x240: {  	v43 =	vld [tilespmem:s17+$0xFFFFFE60];
	[tilespmem:$0x1FE70] =	vst v55  }
0x241: {  	v28 =	vsub.f32 v58, v59;
	[tilespmem:$0x1FE80] =	vst v30;
	v11 =	vperm.xlane v8, v37  }
0x242: {  	v0 =	vsub.f32 v27, v48;
	v48 =	vld [tilespmem:s17+$0xFFFFFE70]  }
0x243: {  	v39 =	vsub.f32 v25, v15;
	[tilespmem:$0x1FEA0] =	vst v28;
	v15 =	vadd.f32 v8, v11;
	v8 =	vld [tilespmem:$0x1FE20]  }
0x244: {  	v62 =	vsub.f32 v62, v26;
	v52 =	vld [tilespmem:s17+$0xFFFFFE80]  }
0x245: {  	v59 =	vld [tilespmem:s17+$0xFFFFFE90]  }
0x246: {  	v9 =	vsub.f32 v34, v17;
	v24 =	vmul.f32 v46, v62;
	v10 =	vsub.f32 v6, v10;
	v36 =	vld [tilespmem:s17+$0xFFFFFEA0]  }
0x247: {  	v41 =	vsub.f32 v13, v14;
	v53 =	vsub.f32 v21, v2;
	v2 =	vmul.f32 v50, v20;
	v45 =	vld [tilespmem:s17+$0xFFFFFEB0]  }
0x248: {  	v21 =	vld [tilespmem:s17+$0xFFFFFED0];
	v25 =	vmul.f32 v43, v60;
	v6 =	vperm.xlane v15, v44;
	v17 =	vsub.f32 v1, v8  }
0x249: {  	v51 =	vsub.f32 v16, v18;
	v16 =	vmul.f32 v47, v63;
	v18 =	vmul.f32 v49, v19;
	v27 =	vld [tilespmem:s17+$0xFFFFFEF0]  }
0x24a: {  	v2 =	vadd.f32 v25, v2;
	v25 =	vld [tilespmem:s17+$0xFFFFFF00];
	v6 =	vadd.f32 v15, v6;
	v14 =	vmul.f32 v23, v17  }
0x24b: {  	v33 =	vsub.f32 v42, v61;
	v11 =	vld [tilespmem:s17+$0xFFFFFF10];
	v26 =	vmul.f32 v52, v22;
	v15 =	vmul.f32 v48, v39  }
0x24c: {  	v61 =	vsub.f32 v5, v7;
	v8 =	vld [tilespmem:s17+$0xFFFFFEC0];
	v5 =	vperm.xlane v6, v12;
	v24 =	vadd.f32 v24, v14  }
0x24d: {  	v16 =	vadd.f32 v18, v16;
	v1 =	vld [tilespmem:s17+$0xFFFFFEE0];
	v15 =	vadd.f32 v26, v15  }
0x24e: {  	v18 =	vmul.f32 v36, v40;
	v56 =	vmul.f32 v21, v29;
	v29 =	vld [tilespmem:s17+$0xFFFFFF40];
	v5 =	vadd.f32 v6, v5  }
0x24f: {  	v57 =	vmovc v12;
	v12 =	vld [tilespmem:s17+$0xFFFFFF20];
	v2 =	vadd.f32 v15, v2;
	v6 =	vmul.f32 v25, v28;
	v7 =	vadd.f32 v16, v24  }
0x250: {  	v26 =	vld [tilespmem:s17+$0xFFFFFF30];
	[tilespmem:$0x1FE90] =	vst v5;
	v5 =	vmul.f32 v27, v30;
	v24 =	vmov v9;
	v9 =	vsub.f32 v3, v4  }
0x251: {  	v30 =	vld [tilespmem:s17+$0xFFFFFF50];
	v3 =	vmul.f32 v45, v0;
	v4 =	vmul.f32 v8, v31;
	v2 =	vadd.f32 v2, v7  }
0x252: {  	v16 =	vmul.f32 v59, v38;
	v32 =	vld [tilespmem:s17+$0xFFFFFF70];
	v7 =	vmul.f32 v1, v55  }
0x253: {  	v5 =	vadd.f32 v6, v5;
	v31 =	vld [tilespmem:s17+$0xFFFFFF60];
	[tilespmem:$0x1FE30] =	vst v11;
	v3 =	vadd.f32 v4, v3;
	v4 =	vperm.xlane v2, v35  }
0x254: {  	v16 =	vadd.f32 v18, v16;
	[tilespmem:$0x1FE40] =	vst v12;
	v7 =	vadd.f32 v7, v56  }
0x255: {  	v18 =	vmul.f32 v12, v33;
	v6 =	vmul.f32 v11, v24;
	v11 =	vmovc v33;
	v33 =	vld [tilespmem:s17+$0xFFFFFF80];
	v2 =	vadd.f32 v2, v4  }
0x256: {  	v3 =	vadd.f32 v3, v16;
	v4 =	vmul.f32 v26, v10;
	v5 =	vadd.f32 v5, v7  }
0x257: {  	v6 =	vadd.f32 v18, v6;
	v16 =	vld [tilespmem:s2+$0xFFFFFE10];
	v7 =	vmul.f32 v29, v41;
	v18 =	vperm.xlane v2, v37  }
0x258: {  	v58 =	vmul.f32 v30, v51;
	v3 =	vadd.f32 v5, v3;
	v5 =	vmul.f32 v31, v53  }
0x259: {  	v42 =	vld [tilespmem:s2+$0xFFFFFE20];
	v4 =	vadd.f32 v7, v4;
	v2 =	vadd.f32 v2, v18  }
0x25a: {  	v14 =	vmovc v51;
	v51 =	vld [tilespmem:s2+$0xFFFFFE30];
	v54 =	vmul.f32 v33, v9;
	v18 =	vmul.f32 v32, v61;
	v5 =	vadd.f32 v5, v58  }
0x25b: {  	v34 =	vmovc v61;
	v4 =	vadd.f32 v4, v6;
	v61 =	vperm.xlane v3, v35;
	v6 =	vperm.xlane v2, v44  }
0x25c: {  	v13 =	vmov v41;
	v7 =	vld [tilespmem:s2+$0xFFFFFE40];
	v41 =	vadd.f32 v16, v17;
	v17 =	vadd.f32 v54, v18  }
0x25d: {  	v15 =	vmov v53;
	v53 =	vld [tilespmem:s2+$0xFFFFFE50];
	v3 =	vadd.f32 v3, v61;
	v2 =	vadd.f32 v2, v6  }
0x25e: {  	v28 =	vmov v9;
	v9 =	vadd.f32 v42, v62;
	v54 =	vld [tilespmem:s2+$0xFFFFFE70];
	v5 =	vadd.f32 v17, v5  }
0x25f: {  	v17 =	vadd.f32 v51, v63;
	v63 =	vperm.xlane v3, v37;
	v62 =	vperm.xlane v2, v57;
	_ =	sdelay $0x1  }
0x260: {  	v12 =	vmovc v10;
	v10 =	vmov v57;
	v57 =	vld [tilespmem:s2+$0xFFFFFEA0];
	v3 =	vadd.f32 v3, v63;
	v2 =	vadd.f32 v2, v62  }
0x261: {  	v56 =	vld [tilespmem:s2+$0xFFFFFE90];
	v18 =	vadd.f32 v7, v19;
	v19 =	vadd.f32 v53, v20  }
0x262: {  	v20 =	vadd.f32 v54, v39;
	v54 =	vmul.f32 v2, v23;
	v23 =	vperm.xlane v3, v44  }
0x263: {  	v58 =	vmul.f32 v2, v46;
	v51 =	vmul.f32 v2, v47  }
0x264: {  	v55 =	vld [tilespmem:s2+$0xFFFFFE60];
	v53 =	vmul.f32 v2, v49;
	v50 =	vmul.f32 v2, v50  }
0x265: {  	v7 =	vld [tilespmem:s2+$0xFFFFFEC0];
	v61 =	vmul.f32 v2, v52;
	v49 =	vadd.f32 v57, v40;
	v57 =	vmul.f32 v2, v43  }
0x266: {  	v3 =	vadd.f32 v3, v23;
	v23 =	vadd.f32 v56, v38;
	v56 =	vmul.f32 v2, v48;
	v2 =	vld [tilespmem:$0x1FE50];
	_ =	sdelay $0x2  }
0x267: {  	v42 =	vadd.f32 v55, v60;
	v60 =	vld [tilespmem:s2+$0xFFFFFED0]  }
0x268: {  	v6 =	vld [tilespmem:s2+$0xFFFFFE80]  }
0x269: {  	v4 =	vadd.f32 v5, v4;
	v52 =	vadd.f32 v7, v2;
	v2 =	vld [tilespmem:$0x1FE60];
	_ =	sdelay $0x1  }
0x26a: {  	v35 =	vperm.xlane v4, v35  }
0x26b: {  	v5 =	vld [tilespmem:s2+$0xFFFFFEB0]  }
0x26c: {  	v39 =	vld [tilespmem:s2+$0xFFFFFEE0];
	v22 =	vadd.f32 v6, v22;
	v6 =	vadd.f32 v4, v35  }
0x26d: {  	v55 =	vadd.f32 v60, v2;
	v2 =	vld [tilespmem:$0x1FE70]  }
0x26e: {  	v37 =	vperm.xlane v6, v37;
	_ =	sdelay $0x1  }
0x26f: {  	v35 =	vadd.f32 v5, v0;
	v0 =	vadd.f32 v6, v37;
	_ =	sdelay $0x1  }
0x270: {  	v37 =	vadd.f32 v39, v2;
	v2 =	vperm.xlane v0, v44  }
0x271: {  	v63 =	vld [tilespmem:s2+$0xFFFFFF10]  }
0x272: {  	v0 =	vadd.f32 v0, v2;
	v2 =	vld [tilespmem:$0x1FE90]  }
0x273: {  	v46 =	vld [tilespmem:s2+$0xFFFFFEF0]  }
0x274: {  	v47 =	vld [tilespmem:s2+$0xFFFFFF00];
	v38 =	vperm.xlane v3, v10  }
0x275: {  	v4 =	vld [tilespmem:s2+$0xFFFFFF20]  }
0x276: {  	s15 =	simm.s32 $0x10900;
	v5 =	vld [tilespmem:s2+$0xFFFFFF30];
	v62 =	vadd.f32 v3, v38  }
0x277: {  	v3 =	vld [tilespmem:$0x1FE80];
	[tilespmem:s15+$0x80] =	vst v2  }
0x278: {  	v43 =	vmul.f32 v62, v45;
	v45 =	vmul.f32 v62, v1;
	v1 =	vld [tilespmem:$0x1FEA0]  }
0x279: {  	v6 =	vld [tilespmem:s2+$0xFFFFFF40]  }
0x27a: {  	v7 =	vld [tilespmem:s2+$0xFFFFFF50]  }
0x27b: {  	v40 =	vmul.f32 v62, v59;
	v59 =	vld [tilespmem:s2+$0xFFFFFF60]  }
0x27c: {  	v38 =	vadd.f32 v46, v3;
	v46 =	vmul.f32 v62, v21;
	v60 =	vld [tilespmem:s2+$0xFFFFFF70]  }
0x27d: {  	s16 =	simm.s32 $0x0;
	s17 =	simm.s32 $0xE9F0;
	v39 =	vmul.f32 v62, v36;
	v44 =	vmul.f32 v62, v8;
	v36 =	vld [tilespmem:s2+$0xFFFFFF80];
	v21 =	vadd.f32 v47, v1  }
.LBB2_5:
0x27e: {  	v8 =	vld [tilespmem:s17+$0xFFFFFF90]  }
0x27f: {  	v2 =	vld [tilespmem:$0x1FFF0]  }
0x280: {  	v1 =	vmul.f32 v62, v27;
	v27 =	vmul.f32 v62, v25;
	v62 =	vld [tilespmem:s17+$0xFFFFFFB0]  }
0x281: {  	v10 =	vld [tilespmem:s17+$0xFFFFFFC0];
	s31 =	sadd.s32 $0x200, s31  }
0x282: {  	s5 =	sadd.s32 $0x200, s5;
	v47 =	vld [tilespmem:s31+$0xFFFFFFB0]  }
0x283: {  	v16 =	vsub.f32 v9, v58;
	v48 =	vld [tilespmem:s5+$0xFFFFFFB0]  }
0x284: {  	v17 =	vsub.f32 v17, v51;
	v42 =	vsub.f32 v42, v57;
	v57 =	vld [tilespmem:s5+$0xFFFFFFC0]  }
0x285: {  	v18 =	vsub.f32 v18, v53;
	v19 =	vsub.f32 v19, v50;
	v58 =	vld [tilespmem:s31+$0xFFFFFFD0]  }
0x286: {  	v20 =	vsub.f32 v20, v56;
	v22 =	vsub.f32 v22, v61;
	v61 =	vld [tilespmem:s5+$0xFFFFFFF0]  }
0x287: {  	s2 =	sadd.s32 $0x200, s2;
	v23 =	vsub.f32 v23, v40;
	v56 =	vsub.f32 v52, v44;
	v52 =	vld [tilespmem:s5+$0xFFFFFE40]  }
0x288: {  	v39 =	vsub.f32 v49, v39;
	v35 =	vsub.f32 v35, v43;
	v44 =	vld [tilespmem:s2+$0xFFFFFFE0]  }
0x289: {  	v17 =	vmul.f32 v17, v17;
	v18 =	vmul.f32 v18, v18;
	v21 =	vsub.f32 v21, v27;
	v27 =	vld [tilespmem:s5+$0xFFFFFFD0]  }
0x28a: {  	v37 =	vsub.f32 v37, v45;
	v19 =	vmul.f32 v19, v19;
	v43 =	vmul.f32 v56, v56;
	v56 =	vld [tilespmem:s5+$0xFFFFFE20]  }
0x28b: {  	v42 =	vmul.f32 v42, v42;
	v20 =	vmul.f32 v20, v20;
	v3 =	vadd.f32 v63, v24;
	v63 =	vld [tilespmem:s17+$0xFFFFFFA0]  }
0x28c: {  	v1 =	vsub.f32 v38, v1;
	v22 =	vmul.f32 v22, v22;
	v5 =	vadd.f32 v5, v12;
	v12 =	vld [tilespmem:s17+$0xFFFFFFD0]  }
0x28d: {  	v23 =	vmul.f32 v23, v23;
	v4 =	vadd.f32 v4, v11;
	v11 =	vld [tilespmem:$0x1FE30];
	v2 =	vperm.xlane v0, v2  }
0x28e: {  	v51 =	vadd.f32 v18, v17;
	v18 =	vmul.f32 v37, v37;
	v17 =	vld [tilespmem:s5+$0x0];
	v37 =	vadd.f32 v42, v19  }
0x28f: {  	v19 =	vmul.f32 v21, v21;
	v21 =	vld [tilespmem:s31+$0xFFFFFE20];
	v22 =	vadd.f32 v22, v20;
	v0 =	vadd.f32 v0, v2  }
0x290: {  	v39 =	vmul.f32 v39, v39;
	v20 =	vld [tilespmem:s5+$0xFFFFFE30];
	v2 =	vadd.f32 v6, v13;
	v6 =	vadd.f32 v7, v14  }
0x291: {  	v1 =	vmul.f32 v1, v1;
	v7 =	vadd.f32 v59, v15;
	v15 =	vadd.f32 v36, v28;
	v28 =	vld [tilespmem:s31+$0xFFFFFF90]  }
0x292: {  	v46 =	vsub.f32 v55, v46;
	v36 =	vld [tilespmem:s5+$0xFFFFFF90]  }
0x293: {  	v16 =	vmul.f32 v16, v16;
	v23 =	vadd.f32 v39, v23;
	v1 =	vadd.f32 v19, v1;
	v59 =	vld [tilespmem:s31+$0xFFFFFFE0]  }
0x294: {  	v14 =	vadd.f32 v60, v34;
	v60 =	vld [tilespmem:s5+$0xFFFFFFE0];
	v27 =	vsub.f32 v58, v27;
	v13 =	vmul.f32 v0, v11  }
0x295: {  	v11 =	vld [tilespmem:$0x1FE40];
	v25 =	vmul.f32 v0, v26;
	v26 =	vmul.f32 v0, v29;
	v29 =	vsub.f32 v41, v54  }
0x296: {  	v30 =	vmul.f32 v0, v30;
	v31 =	vmul.f32 v0, v31;
	v41 =	vld [tilespmem:s5+$0xFFFFFFA0];
	v3 =	vsub.f32 v3, v13  }
0x297: {  	v32 =	vmul.f32 v0, v32;
	v54 =	vld [tilespmem:s31+$0xFFFFFFC0];
	v5 =	vsub.f32 v5, v25;
	v2 =	vsub.f32 v2, v26  }
0x298: {  	v46 =	vmul.f32 v46, v46;
	v6 =	vsub.f32 v6, v30;
	v7 =	vsub.f32 v7, v31;
	v30 =	vld [tilespmem:s31+$0xFFFFFFF0]  }
0x299: {  	v29 =	vmul.f32 v29, v29;
	v32 =	vsub.f32 v14, v32;
	v13 =	vld [tilespmem:s17+$0xFFFFFFF0];
	v25 =	vsub.f32 v47, v48  }
0x29a: {  	v14 =	vld [tilespmem:s17+$0x0];
	v36 =	vsub.f32 v28, v36;
	v5 =	vmul.f32 v5, v5;
	v2 =	vmul.f32 v2, v2  }
0x29b: {  	v50 =	vadd.f32 v16, v29;
	v16 =	vld [tilespmem:s31+$0x0];
	v6 =	vmul.f32 v6, v6;
	v7 =	vmul.f32 v7, v7  }
0x29c: {  	v28 =	vsub.f32 v59, v60;
	v24 =	vmul.f32 v0, v11;
	v0 =	vmul.f32 v0, v33;
	v33 =	vld [tilespmem:s31+$0xFFFFFFA0]  }
0x29d: {  	v3 =	vmul.f32 v3, v3;
	v11 =	vld [tilespmem:s17+$0xFFFFFFE0];
	v26 =	vsub.f32 v54, v57;
	v2 =	vadd.f32 v2, v5  }
0x29e: {  	v48 =	vld [tilespmem:s31+$0xFFFFFE40];
	v54 =	vmul.f32 v8, v36;
	v5 =	vadd.f32 v7, v6;
	v4 =	vsub.f32 v4, v24  }
0x29f: {  	v47 =	vld [tilespmem:s5+$0xFFFFFE10];
	v57 =	vmul.f32 v62, v25;
	v0 =	vsub.f32 v15, v0;
	v29 =	vsub.f32 v30, v61  }
0x2a0: {  	v6 =	vld [tilespmem:s5+$0xFFFFFE80];
	v58 =	vmul.f32 v10, v26;
	v4 =	vmul.f32 v4, v4;
	v30 =	vsub.f32 v16, v17  }
0x2a1: {  	v24 =	vld [tilespmem:$0x1FFC0];
	v16 =	vmul.f32 v12, v27;
	v60 =	vmul.f32 v13, v29;
	v15 =	vsub.f32 v33, v41  }
0x2a2: {  	v17 =	vld [tilespmem:s31+$0xFFFFFE30];
	v49 =	vadd.f32 v58, v57;
	v58 =	vadd.f32 v18, v46;
	v59 =	vmul.f32 v11, v28  }
0x2a3: {  	v57 =	vld [tilespmem:s5+$0xFFFFFE60];
	v18 =	vsub.f32 v48, v52;
	v61 =	vmul.f32 v14, v30;
	v55 =	vmul.f32 v63, v15  }
0x2a4: {  	v31 =	vmul.f32 v35, v35;
	v52 =	vld [tilespmem:s5+$0xFFFFFE90];
	v3 =	vadd.f32 v4, v3;
	v53 =	vadd.f32 v59, v16  }
0x2a5: {  	v32 =	vmul.f32 v32, v32;
	v4 =	vld [tilespmem:s31+$0xFFFFFE80];
	v33 =	vadd.f32 v55, v54;
	v54 =	vadd.f32 v61, v60  }
0x2a6: {  	v0 =	vmul.f32 v0, v0;
	v1 =	vadd.f32 v1, v58;
	v58 =	vld [tilespmem:s5+$0xFFFFFEA0];
	v61 =	vsub.f32 v21, v56  }
0x2a7: {  	v59 =	vld [tilespmem:s31+$0xFFFFFE70];
	v33 =	vadd.f32 v49, v33;
	v56 =	vadd.f32 v54, v53  }
0x2a8: {  	v31 =	vadd.f32 v43, v31;
	v0 =	vadd.f32 v0, v32;
	v16 =	vld [tilespmem:$0x1FFE0]  }
0x2a9: {  	v2 =	vadd.f32 v2, v3;
	v3 =	vld [tilespmem:s2+$0xFFFFFFA0];
	v33 =	vadd.f32 v56, v33  }
0x2aa: {  	v31 =	vadd.f32 v31, v23;
	v49 =	vld [tilespmem:$0x1FFD0]  }
0x2ab: {  	v0 =	vadd.f32 v0, v5;
	v5 =	vld [tilespmem:s2+$0xFFFFFFB0];
	v45 =	vperm.xlane v33, v24  }
0x2ac: {  	v1 =	vadd.f32 v1, v31;
	v31 =	vld [tilespmem:s2+$0xFFFFFFC0]  }
0x2ad: {  	v21 =	vld [tilespmem:s31+$0xFFFFFE50];
	v7 =	vadd.f32 v33, v45  }
0x2ae: {  	v55 =	vld [tilespmem:s5+$0xFFFFFE50]  }
0x2af: {  	v37 =	vadd.f32 v22, v37;
	v46 =	vadd.f32 v51, v50;
	v60 =	vld [tilespmem:s5+$0xFFFFFE70];
	v53 =	vperm.xlane v7, v49  }
0x2b0: {  	v17 =	vsub.f32 v17, v20;
	v20 =	vld [tilespmem:s31+$0xFFFFFE60];
	v23 =	vsub.f32 v4, v6  }
0x2b1: {  	v6 =	vadd.f32 v37, v46;
	v46 =	vld [tilespmem:$0x1FFF0];
	v7 =	vadd.f32 v7, v53  }
0x2b2: {  	v0 =	vadd.f32 v0, v2;
	v56 =	vld [tilespmem:s2+$0xFFFFFFF0]  }
0x2b3: {  	v54 =	vld [tilespmem:s31+$0xFFFFFEA0];
	v3 =	vadd.f32 v3, v15;
	v5 =	vadd.f32 v5, v25;
	v4 =	vperm.xlane v7, v16  }
0x2b4: {  	v25 =	vadd.f32 v31, v26;
	v22 =	vsub.f32 v59, v60;
	v59 =	vld [tilespmem:s2+$0xFFFFFF90]  }
0x2b5: {  	v19 =	vsub.f32 v21, v55;
	v60 =	vperm.xlane v1, v24;
	v2 =	vadd.f32 v7, v4;
	v4 =	vld [tilespmem:s2+$0xFFFFFFD0]  }
0x2b6: {  	v20 =	vsub.f32 v20, v57;
	v57 =	vld [tilespmem:s2+$0x0];
	v45 =	vperm.xlane v0, v24;
	v7 =	vperm.xlane v6, v24  }
0x2b7: {  	v31 =	vld [tilespmem:s5+$0xFFFFFEB0];
	v1 =	vadd.f32 v1, v60;
	v29 =	vadd.f32 v56, v29;
	v55 =	vperm.xlane v2, v46  }
0x2b8: {  	v21 =	vld [tilespmem:s31+$0xFFFFFE90];
	v0 =	vadd.f32 v0, v45;
	v6 =	vadd.f32 v6, v7  }
0x2b9: {  	v7 =	vadd.f32 v59, v36;
	v59 =	vld [tilespmem:s31+$0xFFFFFEB0];
	v2 =	vadd.f32 v2, v55  }
0x2ba: {  	v26 =	vperm.xlane v1, v49;
	v4 =	vadd.f32 v4, v27;
	v27 =	vadd.f32 v44, v28;
	v28 =	vld [tilespmem:s31+$0xFFFFFEC0]  }
0x2bb: {  	v30 =	vadd.f32 v57, v30;
	v15 =	vperm.xlane v6, v49;
	v9 =	vmul.f32 v2, v62;
	v62 =	vld [tilespmem:s5+$0xFFFFFEC0]  }
0x2bc: {  	v1 =	vadd.f32 v1, v26;
	v60 =	vmul.f32 v2, v8;
	v8 =	vmul.f32 v2, v63;
	v63 =	vld [tilespmem:s31+$0xFFFFFED0]  }
0x2bd: {  	v10 =	vmul.f32 v2, v10;
	v12 =	vmul.f32 v2, v12;
	v6 =	vadd.f32 v6, v15;
	v15 =	vld [tilespmem:s5+$0xFFFFFF50]  }
0x2be: {  	v7 =	vsub.f32 v7, v60;
	v3 =	vsub.f32 v3, v8;
	v8 =	vmul.f32 v2, v11;
	v11 =	vld [tilespmem:s5+$0xFFFFFED0]  }
0x2bf: {  	v5 =	vsub.f32 v5, v9;
	v9 =	vsub.f32 v25, v10;
	v10 =	vmul.f32 v2, v13;
	v13 =	vld [tilespmem:s31+$0xFFFFFEE0]  }
0x2c0: {  	v4 =	vsub.f32 v4, v12;
	v2 =	vmul.f32 v2, v14;
	v12 =	vld [tilespmem:s5+$0xFFFFFEE0];
	v7 =	vmul.f32 v7, v7  }
0x2c1: {  	v14 =	vld [tilespmem:s31+$0xFFFFFEF0];
	v8 =	vsub.f32 v27, v8;
	v5 =	vmul.f32 v5, v5;
	v9 =	vmul.f32 v9, v9  }
0x2c2: {  	v25 =	vld [tilespmem:s5+$0xFFFFFEF0];
	v3 =	vmul.f32 v3, v3;
	v10 =	vsub.f32 v29, v10;
	v2 =	vsub.f32 v30, v2  }
0x2c3: {  	v4 =	vmul.f32 v4, v4;
	v8 =	vmul.f32 v8, v8;
	v5 =	vadd.f32 v9, v5;
	v9 =	vld [tilespmem:s31+$0xFFFFFF10]  }
0x2c4: {  	v10 =	vmul.f32 v10, v10;
	v2 =	vmul.f32 v2, v2;
	v37 =	vsub.f32 v63, v11;
	v11 =	vld [tilespmem:s31+$0xFFFFFF40]  }
0x2c5: {  	v3 =	vadd.f32 v3, v7;
	v4 =	vadd.f32 v8, v4;
	v8 =	vld [tilespmem:s5+$0xFFFFFF10]  }
0x2c6: {  	v7 =	vperm.xlane v0, v49;
	v2 =	vadd.f32 v2, v10;
	v10 =	vld [tilespmem:s31+$0xFFFFFF20]  }
0x2c7: {  	v38 =	vsub.f32 v14, v25;
	v14 =	vperm.xlane v1, v16;
	v3 =	vadd.f32 v5, v3;
	v5 =	vld [tilespmem:s31+$0xFFFFFF30]  }
0x2c8: {  	v0 =	vadd.f32 v0, v7;
	v7 =	vld [tilespmem:s5+$0xFFFFFF40];
	v2 =	vadd.f32 v2, v4  }
0x2c9: {  	v1 =	vadd.f32 v1, v14;
	v4 =	vld [tilespmem:s5+$0xFFFFFF20]  }
0x2ca: {  	v40 =	vsub.f32 v13, v12;
	v13 =	vperm.xlane v6, v16;
	v2 =	vadd.f32 v2, v3;
	v3 =	vld [tilespmem:s5+$0xFFFFFF30]  }
0x2cb: {  	v27 =	vld [tilespmem:s31+$0xFFFFFF00];
	v14 =	vperm.xlane v1, v46  }
0x2cc: {  	v48 =	vsub.f32 v21, v52;
	v29 =	vld [tilespmem:s5+$0xFFFFFF00];
	v6 =	vadd.f32 v6, v13;
	v12 =	vperm.xlane v2, v24  }
0x2cd: {  	v25 =	vld [tilespmem:s5+$0xFFFFFF70];
	v21 =	vsub.f32 v9, v8;
	v1 =	vadd.f32 v1, v14  }
0x2ce: {  	v9 =	vsub.f32 v10, v4;
	v4 =	vld [tilespmem:s31+$0xFFFFFF50];
	v2 =	vadd.f32 v2, v12;
	v12 =	vperm.xlane v0, v16  }
0x2cf: {  	v13 =	vld [tilespmem:s5+$0xFFFFFF60];
	v42 =	vsub.f32 v11, v7;
	v33 =	vsub.f32 v5, v3  }
0x2d0: {  	v7 =	vld [tilespmem:s31+$0xFFFFFF70];
	[tilespmem:s15+$0xFFFFFF80] =	vst v1;
	v5 =	vperm.xlane v2, v49;
	v0 =	vadd.f32 v0, v12;
	v12 =	vperm.xlane v6, v46  }
0x2d1: {  	v43 =	vld [tilespmem:s17+$0xFFFFFE90]  }
0x2d2: {  	v3 =	vld [tilespmem:s31+$0xFFFFFF60];
	v2 =	vadd.f32 v2, v5;
	v5 =	vperm.xlane v0, v46;
	v6 =	vadd.f32 v6, v12  }
0x2d3: {  	v35 =	vsub.f32 v54, v58;
	v54 =	vsub.f32 v4, v15;
	v4 =	vld [tilespmem:s31+$0xFFFFFF80]  }
0x2d4: {  	v0 =	vadd.f32 v0, v5;
	v5 =	vld [tilespmem:s5+$0xFFFFFF80];
	[tilespmem:s15+$0xFFFFFF00] =	vst v6  }
0x2d5: {  	v6 =	vld [tilespmem:s31+$0xFFFFFE10]  }
0x2d6: {  	v51 =	vld [tilespmem:s17+$0xFFFFFE10]  }
0x2d7: {  	v8 =	vld [tilespmem:s17+$0xFFFFFE20]  }
0x2d8: {  	v14 =	vperm.xlane v2, v16;
	v53 =	vld [tilespmem:s17+$0xFFFFFE30]  }
0x2d9: {  	v50 =	vld [tilespmem:s17+$0xFFFFFE40]  }
0x2da: {  	v57 =	vld [tilespmem:s17+$0xFFFFFE50];
	v2 =	vadd.f32 v2, v14  }
0x2db: {  	v55 =	vld [tilespmem:s17+$0xFFFFFE60]  }
0x2dc: {  	v36 =	vsub.f32 v59, v31;
	v39 =	vsub.f32 v28, v62;
	v52 =	vld [tilespmem:s17+$0xFFFFFE80];
	[tilespmem:s15+$0x0] =	vst v0;
	v0 =	vperm.xlane v2, v46  }
0x2dd: {  	v28 =	vsub.f32 v27, v29;
	v59 =	vsub.f32 v3, v13;
	v56 =	vld [tilespmem:s17+$0xFFFFFE70]  }
0x2de: {  	v44 =	vld [tilespmem:s17+$0xFFFFFEA0];
	v0 =	vadd.f32 v2, v0;
	v1 =	vsub.f32 v6, v47  }
0x2df: {  	v45 =	vld [tilespmem:s17+$0xFFFFFEB0];
	s15 =	sadd.s32 $0x200, s15;
	v62 =	vsub.f32 v4, v5;
	v3 =	vmul.f32 v53, v17;
	v4 =	vmul.f32 v50, v18  }
0x2e0: {  	v27 =	vld [tilespmem:s17+$0xFFFFFEF0];
	v60 =	vsub.f32 v7, v25;
	v2 =	vmul.f32 v8, v61;
	[tilespmem:s15+$0x80] =	vst v0;
	v0 =	vmul.f32 v51, v1  }
0x2e1: {  	v10 =	vmovc v46;
	v46 =	vld [tilespmem:s17+$0xFFFFFEC0];
	v5 =	vmul.f32 v55, v20;
	v6 =	vmul.f32 v52, v23;
	v3 =	vadd.f32 v4, v3  }
0x2e2: {  	v25 =	vld [tilespmem:s17+$0xFFFFFF00];
	v4 =	vmul.f32 v56, v22;
	v0 =	vadd.f32 v2, v0;
	v2 =	vmul.f32 v57, v19  }
0x2e3: {  	v11 =	vld [tilespmem:s17+$0xFFFFFF10]  }
0x2e4: {  	v47 =	vld [tilespmem:s17+$0xFFFFFED0];
	v4 =	vadd.f32 v6, v4;
	v2 =	vadd.f32 v5, v2  }
0x2e5: {  	v63 =	vmovc v48;
	v0 =	vadd.f32 v3, v0;
	v3 =	vmul.f32 v43, v48;
	v48 =	vld [tilespmem:s17+$0xFFFFFEE0];
	v5 =	vmul.f32 v44, v35  }
0x2e6: {  	v12 =	vld [tilespmem:s17+$0xFFFFFF20];
	v6 =	vmul.f32 v45, v36;
	v2 =	vadd.f32 v4, v2;
	v4 =	vmul.f32 v46, v39  }
0x2e7: {  	v26 =	vld [tilespmem:s17+$0xFFFFFF30];
	v3 =	vadd.f32 v5, v3  }
0x2e8: {  	v7 =	vmul.f32 v25, v28;
	v29 =	vld [tilespmem:s17+$0xFFFFFF40];
	v0 =	vadd.f32 v2, v0;
	v4 =	vadd.f32 v4, v6  }
0x2e9: {  	v30 =	vld [tilespmem:s17+$0xFFFFFF50];
	v5 =	vmul.f32 v47, v37;
	v6 =	vmul.f32 v27, v38  }
0x2ea: {  	v31 =	vld [tilespmem:s17+$0xFFFFFF60];
	v2 =	vmul.f32 v48, v40;
	v3 =	vadd.f32 v4, v3;
	v4 =	vperm.xlane v0, v24  }
0x2eb: {  	v32 =	vld [tilespmem:s17+$0xFFFFFF70];
	[tilespmem:$0x1FE40] =	vst v12;
	v6 =	vadd.f32 v7, v6;
	v7 =	vmul.f32 v12, v9  }
0x2ec: {  	v12 =	vmovc v33;
	v2 =	vadd.f32 v2, v5;
	v0 =	vadd.f32 v0, v4;
	v4 =	vmul.f32 v26, v33;
	v33 =	vld [tilespmem:s17+$0xFFFFFF80]  }
0x2ed: {  	v41 =	vld [tilespmem:s2+$0xFFFFFE10];
	v5 =	vmul.f32 v11, v21  }
0x2ee: {  	v13 =	vmov v42;
	v2 =	vadd.f32 v6, v2;
	v6 =	vmul.f32 v29, v42  }
0x2ef: {  	v14 =	vmovc v54;
	v54 =	vmul.f32 v30, v54;
	v5 =	vadd.f32 v7, v5;
	v42 =	vld [tilespmem:s2+$0xFFFFFE20];
	v7 =	vperm.xlane v0, v49  }
0x2f0: {  	v58 =	vld [tilespmem:s2+$0xFFFFFE30];
	v2 =	vadd.f32 v2, v3;
	v3 =	vmul.f32 v31, v59;
	v4 =	vadd.f32 v6, v4  }
0x2f1: {  	v34 =	vmovc v60;
	v6 =	vld [tilespmem:s2+$0xFFFFFE40];
	v0 =	vadd.f32 v0, v7;
	v7 =	vmul.f32 v32, v60;
	v60 =	vmul.f32 v33, v62  }
0x2f2: {  	v41 =	vadd.f32 v41, v1;
	v1 =	vld [tilespmem:s2+$0xFFFFFE60];
	v3 =	vadd.f32 v3, v54;
	v54 =	vperm.xlane v2, v24  }
0x2f3: {  	v15 =	vmovc v59;
	v59 =	vld [tilespmem:s2+$0xFFFFFE50];
	v4 =	vadd.f32 v4, v5;
	v5 =	vperm.xlane v0, v16;
	v7 =	vadd.f32 v60, v7  }
0x2f4: {  	[tilespmem:$0x1FE30] =	vst v11;
	v11 =	vmov v9;
	v9 =	vadd.f32 v42, v61;
	v61 =	vld [tilespmem:s2+$0xFFFFFE70];
	v2 =	vadd.f32 v2, v54  }
0x2f5: {  	v0 =	vadd.f32 v0, v5;
	v5 =	vld [tilespmem:s2+$0xFFFFFE80];
	v3 =	vadd.f32 v7, v3  }
0x2f6: {  	v18 =	vadd.f32 v6, v18;
	v6 =	vperm.xlane v2, v49  }
0x2f7: {  	v17 =	vadd.f32 v58, v17;
	v7 =	vperm.xlane v0, v10;
	v3 =	vadd.f32 v3, v4  }
0x2f8: {  	[tilespmem:$0x1FDE0] =	vst v28;
	v28 =	vmov v62;
	v62 =	vld [tilespmem:s2+$0xFFFFFEA0];
	v42 =	vadd.f32 v1, v20;
	v2 =	vadd.f32 v2, v6  }
0x2f9: {  	v60 =	vld [tilespmem:s2+$0xFFFFFE90];
	v19 =	vadd.f32 v59, v19;
	v0 =	vadd.f32 v0, v7;
	v4 =	vperm.xlane v3, v24  }
0x2fa: {  	v1 =	vld [tilespmem:s2+$0xFFFFFED0];
	v20 =	vadd.f32 v61, v22;
	v22 =	vadd.f32 v5, v23;
	v5 =	vperm.xlane v2, v16  }
0x2fb: {  	v59 =	vld [tilespmem:s2+$0xFFFFFEB0];
	v54 =	vmul.f32 v0, v51;
	v58 =	vmul.f32 v0, v8;
	v3 =	vadd.f32 v3, v4  }
0x2fc: {  	v6 =	vld [tilespmem:s2+$0xFFFFFEC0];
	v51 =	vmul.f32 v0, v53;
	v53 =	vmul.f32 v0, v50  }
0x2fd: {  	v7 =	vld [tilespmem:s2+$0xFFFFFEE0];
	v50 =	vmul.f32 v0, v57;
	v2 =	vadd.f32 v2, v5;
	v5 =	vperm.xlane v3, v49  }
0x2fe: {  	v24 =	vmovc v21;
	v21 =	vld [tilespmem:s2+$0xFFFFFEF0];
	v23 =	vadd.f32 v60, v63;
	v57 =	vmul.f32 v0, v55;
	v56 =	vmul.f32 v0, v56  }
0x2ff: {  	v63 =	vld [tilespmem:s2+$0xFFFFFF10];
	v61 =	vmul.f32 v0, v52;
	v55 =	vperm.xlane v2, v10;
	v0 =	vadd.f32 v3, v5  }
0x300: {  	v60 =	vld [tilespmem:s2+$0xFFFFFF70];
	v49 =	vadd.f32 v62, v35  }
0x301: {  	v8 =	vld [tilespmem:s2+$0xFFFFFF00];
	v62 =	vadd.f32 v2, v55;
	v55 =	vadd.f32 v1, v37;
	v1 =	vperm.xlane v0, v16  }
0x302: {  	s16 =	sadd.s32 $0x4, s16;
	v4 =	vld [tilespmem:s2+$0xFFFFFF20]  }
0x303: {  	p0 =	slt.u32 s16, $0x3C;
	v0 =	vadd.f32 v0, v1;
	v1 =	vld [tilespmem:$0x1FDE0]  }
.Ltmp1:
0x304: {  	v52 =	vadd.f32 v6, v39;
	v6 =	vld [tilespmem:s2+$0xFFFFFF40];
	(pc) =	sbr.rel @p0 .LBB2_5-.Ltmp1, $4  }
0x305: {  	v35 =	vadd.f32 v59, v36;
	v59 =	vld [tilespmem:s2+$0xFFFFFF60]  }
0x306: {  	v36 =	vld [tilespmem:s2+$0xFFFFFF80];
	v37 =	vadd.f32 v7, v40;
	v40 =	vmul.f32 v62, v43;
	v39 =	vmul.f32 v62, v44  }
0x307: {  	v38 =	vadd.f32 v21, v38;
	v5 =	vld [tilespmem:s2+$0xFFFFFF30];
	v43 =	vmul.f32 v62, v45;
	v44 =	vmul.f32 v62, v46  }
0x308: {  	s17 =	sadd.s32 $0x200, s17;
	v7 =	vld [tilespmem:s2+$0xFFFFFF50];
	v46 =	vmul.f32 v62, v47;
	v45 =	vmul.f32 v62, v48;
	v21 =	vadd.f32 v8, v1  }
0x309: {  	v2 =	vadd.f32 v63, v24;
	v3 =	vadd.f32 v4, v11  }
0x30a: {  	v10 =	vsub.f32 v9, v58;
	v48 =	vsub.f32 v17, v51  }
0x30b: {  	v51 =	vsub.f32 v18, v53;
	v53 =	vsub.f32 v19, v50  }
0x30c: {  	v56 =	vsub.f32 v20, v56;
	v16 =	vsub.f32 v22, v61  }
0x30d: {  	v61 =	vsub.f32 v35, v43;
	v63 =	vsub.f32 v55, v46  }
0x30e: {  	v47 =	vld [tilespmem:$0x1FFF0];
	v58 =	vmul.f32 v62, v27;
	v37 =	vsub.f32 v37, v45;
	v8 =	vadd.f32 v36, v28  }
0x30f: {  	v36 =	vsub.f32 v41, v54;
	v54 =	vsub.f32 v42, v57;
	v10 =	vmul.f32 v10, v10  }
0x310: {  	v57 =	vsub.f32 v23, v40;
	v11 =	vmul.f32 v48, v48;
	v48 =	vmul.f32 v53, v53  }
0x311: {  	v50 =	vmul.f32 v56, v56;
	v4 =	vadd.f32 v5, v12;
	v12 =	vmul.f32 v51, v51  }
0x312: {  	v18 =	vsub.f32 v38, v58;
	v51 =	vmul.f32 v16, v16;
	v56 =	vmul.f32 v63, v63  }
0x313: {  	v5 =	vadd.f32 v7, v14;
	v7 =	vadd.f32 v60, v34;
	v34 =	vld [tilespmem:$0x1FE30];
	v1 =	vperm.xlane v0, v47  }
0x314: {  	v60 =	vsub.f32 v49, v39;
	v39 =	vld [tilespmem:$0x1FE40];
	v46 =	vmul.f32 v36, v36;
	v49 =	vmul.f32 v54, v54  }
0x315: {  	v54 =	vmul.f32 v61, v61;
	v11 =	vadd.f32 v12, v11;
	v0 =	vadd.f32 v0, v1  }
0x316: {  	v53 =	vmul.f32 v60, v60;
	v1 =	vadd.f32 v6, v13;
	v6 =	vadd.f32 v59, v15  }
0x317: {  	v59 =	vmul.f32 v62, v25;
	v62 =	vsub.f32 v52, v44;
	v52 =	vmul.f32 v57, v57  }
0x318: {  	v9 =	vadd.f32 v10, v46;
	v57 =	vmul.f32 v37, v37;
	v35 =	vmul.f32 v0, v34  }
0x319: {  	v10 =	vadd.f32 v51, v50;
	v40 =	vmul.f32 v0, v39;
	v41 =	vmul.f32 v0, v26  }
0x31a: {  	v19 =	vsub.f32 v21, v59;
	v42 =	vmul.f32 v0, v29;
	v43 =	vmul.f32 v0, v30  }
0x31b: {  	v44 =	vmul.f32 v0, v31;
	v12 =	vadd.f32 v53, v52;
	v14 =	vadd.f32 v57, v56  }
0x31c: {  	v45 =	vmul.f32 v0, v32;
	v2 =	vsub.f32 v2, v35;
	v3 =	vsub.f32 v3, v40  }
0x31d: {  	v0 =	vmul.f32 v0, v33;
	v4 =	vsub.f32 v4, v41;
	v1 =	vsub.f32 v1, v42  }
0x31e: {  	v58 =	vmul.f32 v18, v18;
	v5 =	vsub.f32 v5, v43;
	v6 =	vsub.f32 v6, v44  }
0x31f: {  	v55 =	vmul.f32 v62, v62;
	v7 =	vsub.f32 v7, v45;
	v0 =	vsub.f32 v8, v0  }
0x320: {  	v8 =	vadd.f32 v49, v48;
	v59 =	vmul.f32 v19, v19;
	v2 =	vmul.f32 v2, v2  }
0x321: {  	v13 =	vadd.f32 v55, v54;
	v3 =	vmul.f32 v3, v3;
	v4 =	vmul.f32 v4, v4  }
0x322: {  	v1 =	vmul.f32 v1, v1;
	v15 =	vadd.f32 v59, v58;
	v5 =	vmul.f32 v5, v5  }
0x323: {  	v6 =	vmul.f32 v6, v6;
	v0 =	vmul.f32 v0, v0;
	v60 =	vadd.f32 v13, v12  }
0x324: {  	v2 =	vadd.f32 v3, v2;
	v3 =	vmul.f32 v7, v7;
	v1 =	vadd.f32 v1, v4  }
0x325: {  	v50 =	vld [tilespmem:$0x1FFC0];
	v4 =	vadd.f32 v6, v5;
	v5 =	vadd.f32 v10, v8  }
0x326: {  	v0 =	vadd.f32 v0, v3;
	v3 =	vadd.f32 v11, v9  }
0x327: {  	v61 =	vadd.f32 v15, v14;
	v1 =	vadd.f32 v1, v2  }
0x328: {  	v0 =	vadd.f32 v0, v4;
	v2 =	vadd.f32 v5, v3  }
0x329: {  	v62 =	vld [tilespmem:$0x1FFD0];
	v3 =	vadd.f32 v61, v60  }
0x32a: {  	v0 =	vadd.f32 v0, v1;
	v1 =	vperm.xlane v2, v50  }
0x32b: {  	v4 =	vperm.xlane v3, v50  }
0x32c: {  	v1 =	vadd.f32 v2, v1;
	v2 =	vperm.xlane v0, v50  }
0x32d: {  	v63 =	vld [tilespmem:$0x1FFE0];
	v3 =	vadd.f32 v3, v4  }
0x32e: {  	v0 =	vadd.f32 v0, v2;
	v2 =	vperm.xlane v1, v62  }
0x32f: {  	v4 =	vperm.xlane v3, v62  }
0x330: {  	v1 =	vadd.f32 v1, v2;
	v2 =	vperm.xlane v0, v62  }
0x331: {  	v3 =	vadd.f32 v3, v4  }
0x332: {  	v0 =	vadd.f32 v0, v2;
	v2 =	vperm.xlane v1, v63  }
0x333: {  	v4 =	vperm.xlane v3, v63  }
0x334: {  	v1 =	vadd.f32 v1, v2;
	v2 =	vperm.xlane v0, v63  }
0x335: {  	v3 =	vadd.f32 v3, v4  }
0x336: {  	v0 =	vadd.f32 v0, v2;
	v2 =	vperm.xlane v1, v47  }
0x337: {  	v4 =	vperm.xlane v3, v47  }
0x338: {  	v1 =	vadd.f32 v1, v2;
	v2 =	vperm.xlane v0, v47  }
0x339: {  	v3 =	vadd.f32 v3, v4  }
0x33a: {  	v0 =	vadd.f32 v0, v2;
	[tilespmem:s15+$0xFFFFFF00] =	vst v1  }
0x33b: {  	[tilespmem:s15+$0xFFFFFF80] =	vst v3  }
0x33c: {  	[tilespmem:s15+$0x0] =	vst v0  }
0x33d: {  	v0 =	vld [tilespmem:$0x1FFB0];
	_ =	sdelay $0x7  }
0x33e: {  	v0 =	vld.idx.msk [tilespmem:v0+s24+$0x0], $0xffff;
	_ =	sdelay $0x4  }
0x33f: {  	v0 =	vmax.f32 v0, $1.000000000e-30  }
0x340: {  	v1 =	vshra.s32 v0, $0x1;
	v2 =	vmul.f32 $5.000000000e-01, v0  }
0x341: {  	v1 =	vsub.s32 $0x5F3759DF, v1  }
0x342: {  	v3 =	vmul.f32 v1, v2;
	_ =	sdelay $0x1  }
0x343: {  	v3 =	vmul.f32 v1, v3;
	_ =	sdelay $0x1  }
0x344: {  	v3 =	vsub.f32 $1.500000000e+00, v3;
	_ =	sdelay $0x1  }
0x345: {  	v1 =	vmul.f32 v1, v3;
	_ =	sdelay $0x1  }
0x346: {  	v3 =	vmul.f32 v1, v2;
	_ =	sdelay $0x1  }
0x347: {  	v3 =	vmul.f32 v3, v1;
	_ =	sdelay $0x1  }
0x348: {  	v3 =	vsub.f32 $1.500000000e+00, v3;
	_ =	sdelay $0x1  }
0x349: {  	v1 =	vmul.f32 v3, v1;
	_ =	sdelay $0x1  }
0x34a: {  	v2 =	vmul.f32 v1, v2;
	_ =	sdelay $0x1  }
0x34b: {  	v2 =	vmul.f32 v2, v1;
	_ =	sdelay $0x1  }
0x34c: {  	v2 =	vsub.f32 $1.500000000e+00, v2;
	_ =	sdelay $0x1  }
0x34d: {  	v1 =	vmul.f32 v2, v1;
	_ =	sdelay $0x1  }
0x34e: {  	v0 =	vmul.f32 v1, v0;
	_ =	sdelay $0x1  }
0x34f: {  	v0 =	vsub.f32 $0.0e+00, v0;
	_ =	sdelay $0x1  }
0x350: {  	[tilespmem:s30+$0x10640] =	vst v0;
	v0 =	vld [tilespmem:$0x1FDF0];
	_ =	sdelay $0x7  }
0x351: {  	v0 =	vld.idx.msk [tilespmem:v0+s24+$0x0], $0xffff;
	_ =	sdelay $0x4  }
0x352: {  	v0 =	vmax.f32 v0, $1.000000000e-30  }
0x353: {  	v1 =	vshra.s32 v0, $0x1;
	v2 =	vmul.f32 $5.000000000e-01, v0  }
0x354: {  	v1 =	vsub.s32 $0x5F3759DF, v1  }
0x355: {  	v3 =	vmul.f32 v1, v2;
	_ =	sdelay $0x1  }
0x356: {  	v3 =	vmul.f32 v1, v3;
	_ =	sdelay $0x1  }
0x357: {  	v3 =	vsub.f32 $1.500000000e+00, v3;
	_ =	sdelay $0x1  }
0x358: {  	v1 =	vmul.f32 v1, v3;
	_ =	sdelay $0x1  }
0x359: {  	v3 =	vmul.f32 v1, v2;
	_ =	sdelay $0x1  }
0x35a: {  	v3 =	vmul.f32 v3, v1;
	_ =	sdelay $0x1  }
0x35b: {  	v3 =	vsub.f32 $1.500000000e+00, v3;
	_ =	sdelay $0x1  }
0x35c: {  	v1 =	vmul.f32 v3, v1;
	_ =	sdelay $0x1  }
0x35d: {  	v2 =	vmul.f32 v1, v2;
	_ =	sdelay $0x1  }
0x35e: {  	v2 =	vmul.f32 v2, v1;
	_ =	sdelay $0x1  }
0x35f: {  	v2 =	vsub.f32 $1.500000000e+00, v2;
	_ =	sdelay $0x1  }
0x360: {  	v1 =	vmul.f32 v2, v1;
	_ =	sdelay $0x1  }
0x361: {  	v0 =	vmul.f32 v1, v0;
	_ =	sdelay $0x1  }
0x362: {  	v0 =	vsub.f32 $0.0e+00, v0;
	_ =	sdelay $0x1  }
0x363: {  	[tilespmem:s30+$0x10650] =	vst v0;
	v0 =	vld [tilespmem:$0x1FE00];
	_ =	sdelay $0x7  }
0x364: {  	v0 =	vld.idx.msk [tilespmem:v0+s24+$0x0], $0xffff;
	_ =	sdelay $0x4  }
0x365: {  	v0 =	vmax.f32 v0, $1.000000000e-30  }
0x366: {  	v1 =	vshra.s32 v0, $0x1;
	v2 =	vmul.f32 $5.000000000e-01, v0  }
0x367: {  	v1 =	vsub.s32 $0x5F3759DF, v1  }
0x368: {  	v3 =	vmul.f32 v1, v2;
	_ =	sdelay $0x1  }
0x369: {  	v3 =	vmul.f32 v1, v3;
	_ =	sdelay $0x1  }
0x36a: {  	v3 =	vsub.f32 $1.500000000e+00, v3;
	_ =	sdelay $0x1  }
0x36b: {  	v1 =	vmul.f32 v1, v3;
	_ =	sdelay $0x1  }
0x36c: {  	v3 =	vmul.f32 v1, v2;
	_ =	sdelay $0x1  }
0x36d: {  	v3 =	vmul.f32 v3, v1;
	_ =	sdelay $0x1  }
0x36e: {  	v3 =	vsub.f32 $1.500000000e+00, v3;
	_ =	sdelay $0x1  }
0x36f: {  	v1 =	vmul.f32 v3, v1;
	_ =	sdelay $0x1  }
0x370: {  	v2 =	vmul.f32 v1, v2;
	_ =	sdelay $0x1  }
0x371: {  	v2 =	vmul.f32 v2, v1;
	_ =	sdelay $0x1  }
0x372: {  	v2 =	vsub.f32 $1.500000000e+00, v2;
	_ =	sdelay $0x1  }
0x373: {  	v1 =	vmul.f32 v2, v1;
	_ =	sdelay $0x1  }
0x374: {  	v0 =	vmul.f32 v1, v0;
	_ =	sdelay $0x1  }
0x375: {  	v0 =	vsub.f32 $0.0e+00, v0;
	_ =	sdelay $0x1  }
0x376: {  	[tilespmem:s30+$0x10660] =	vst v0;
	v0 =	vld [tilespmem:$0x1FE10];
	_ =	sdelay $0x7  }
0x377: {  	v0 =	vld.idx.msk [tilespmem:v0+s24+$0x0], $0xffff;
	_ =	sdelay $0x4  }
0x378: {  	v0 =	vmax.f32 v0, $1.000000000e-30  }
0x379: {  	v1 =	vshra.s32 v0, $0x1;
	v2 =	vmul.f32 $5.000000000e-01, v0  }
0x37a: {  	v1 =	vsub.s32 $0x5F3759DF, v1  }
0x37b: {  	v3 =	vmul.f32 v1, v2;
	_ =	sdelay $0x1  }
0x37c: {  	v3 =	vmul.f32 v1, v3;
	_ =	sdelay $0x1  }
0x37d: {  	v3 =	vsub.f32 $1.500000000e+00, v3;
	_ =	sdelay $0x1  }
0x37e: {  	v1 =	vmul.f32 v1, v3;
	_ =	sdelay $0x1  }
0x37f: {  	v3 =	vmul.f32 v1, v2;
	_ =	sdelay $0x1  }
0x380: {  	v3 =	vmul.f32 v3, v1;
	_ =	sdelay $0x1  }
0x381: {  	v3 =	vsub.f32 $1.500000000e+00, v3;
	_ =	sdelay $0x1  }
0x382: {  	v1 =	vmul.f32 v3, v1;
	_ =	sdelay $0x1  }
0x383: {  	v2 =	vmul.f32 v1, v2;
	_ =	sdelay $0x1  }
0x384: {  	v2 =	vmul.f32 v2, v1;
	_ =	sdelay $0x1  }
0x385: {  	v2 =	vsub.f32 $1.500000000e+00, v2;
	_ =	sdelay $0x1  }
0x386: {  	s29 =	sadd.s32 $0x1, s29;
	v1 =	vmul.f32 v2, v1  }
0x387: {  	p0 =	sne.s32 s29, $0x4  }
.Ltmp2:
0x388: {  	v0 =	vmul.f32 v1, v0;
	(pc) =	sbr.rel @p0 .LBB2_2-.Ltmp2, $3  }
0x389: {  	_ = 	snop  }
0x38a: {  	v0 =	vsub.f32 $0.0e+00, v0;
	_ =	sdelay $0x1  }
0x38b: {  	v32 =	vmov v47;
	v3 =	vmov v63;
	v2 =	vmov v62;
	[tilespmem:s30+$0x10670] =	vst v0  }
0x38c: {  	s28 =	sadd.s32 $0x1, s28  }
0x38d: {  	p0 =	sne.s32 s28, s10  }
.Ltmp3:
0x38e: {  	_ = 	snop;
	(pc) =	sbr.rel @p0 .LBB2_1-.Ltmp3, $4  }
0x38f: {  	[hbm4b:s9+s4] =	stream.linear.scatter [tilespmem:s26], [sflag:$0x3], $0x200, $0x38;
	[tilespmem:$0x12800] =	vst v63  }
0x390: {  	_ =	swait.ge [sflag:s11], $0x200  }
0x391: {  	[sflag:s11] =	ssyncset.done $0x0  }
0x392: {  	[sflag:s11] =	ssyncadd.s32 $0xFFFFFE00  }
0x393: {  	_ =	sfence.sel $0x180000  }
0x394: {  	[bflag:$0x0] =	sbarrier.arrive $0xFFFF  }
0x395: {  	_ =	strace $0x90000047  }
0x396: {  	s0 =	stileid.u32;
	[bflag:$0x2] =	sbarrier.arrive $0xFFFF  }
0x397: {  	p0 =	sne.s32 s0, $0x0;
	s0 =	rddreg [dreg:$0x5]  }
0x398: {  	s0 =	sadd.s32 @!p0 $0x100000, s0  }
0x399: {  	[sflag:s0] =	ssyncadd.tile.s32 @!p0 $0x1;
	_ =	shalt  }
.Lfunc_end2:
_tile_overlayer_lowered:
.L_overlay_start_2:
0x39a: {  	(tag) =	ssettag $0x2  }
0x39b: {  	s0 =	rddreg [dreg:$0x0];
	s2 =	stileid.u32  }
0x39c: {  	s1 =	rddreg [dreg:$0x1];
	p0 =	sne.s32 s2, $0x0  }
0x39d: {  	s3 =	rddreg [dreg:$0x2];
	[bflag:$0x3] =	sbarrier.arrive $0xFFFF;
	s2 =	simm.s32 @!p0 $0x1C03  }
0x39e: {  	[timem:s3], [sflag:s2] =	dma.local @!p0 [hbm:s0], s1  }
0x39f: {  	s0 =	simm.s32 @!p0 $0x3  }
0x3a0: {  	_ =	swait.ge @!p0 [sflag:s0], s1  }
0x3a1: {  	s1 =	ssub.s32 @!p0 $0x0, s1;
	[sflag:s0] =	ssyncset.done @!p0 $0x0  }
0x3a2: {  	[sflag:s0] =	ssyncadd.s32 @!p0 s1  }
0x3a3: {  	[bflag:$0x3] =	sbarrier.arrive $0xFFFF  }
0x3a4: {  	_ =	shalt  }

</sc_bundles>
